<compile_context>
chip_gen: v7x
topology: tpu7x:2x2x1
jax: 0.10.2.dev20260603
libtpu: 0.0.44.dev20260713+nightly
codegen_flags: <defaults>
</compile_context>

<pallas_src>
import functools

import jax
import jax.numpy as jnp
from jax import lax
from jax.experimental import pallas as pl
from jax.experimental.pallas import tpu as pltpu
from jax.experimental.pallas import tpu_sc as plsc

N = 10000
E = 320000
D = 128
H = 64
O = 32

NC = 2
NS = 16
NW = NC * NS
E_W = E // NW
CH = 80
NCHUNK = E_W // CH
N_PAD = 10240
ROWS_W = N_PAD // NS
CNT_L = 16

BL = 1000
NBLK = N // BL


def _pre_body(xu, xv, wlu, wrv, wlv, wru, pu, pv, ru, rv):
    a = xu[...]
    b = xv[...]
    pu[...] = jnp.dot(a, wlu[...], preferred_element_type=jnp.float32)
    ru[...] = jnp.dot(a, wrv[...], preferred_element_type=jnp.float32)
    pv[...] = jnp.dot(b, wlv[...], preferred_element_type=jnp.float32)
    rv[...] = jnp.dot(b, wru[...], preferred_element_type=jnp.float32)


def _pre(x_user, x_video, W_l_uv, W_r_vu, W_l_vu, W_r_uv):
    row = pl.BlockSpec((BL, D), lambda r: (r, 0))
    wsp = pl.BlockSpec((D, H), lambda r: (0, 0))
    out = pl.BlockSpec((BL, H), lambda r: (r, 0))
    f32 = jnp.float32
    return pl.pallas_call(
        _pre_body,
        grid=(NBLK,),
        in_specs=[row, row, wsp, wsp, wsp, wsp],
        out_specs=[out, out, out, out],
        out_shape=[jax.ShapeDtypeStruct((N, H), f32)] * 4,
    )(x_user, x_video, W_l_uv, W_r_vu, W_l_vu, W_r_uv)


def _sc_body(pmsg_u, pmsg_v, src_uv, dst_uv, src_vu, dst_vu,
             sum_v, cnt_v, sum_u, cnt_u,
             src_st, dst_st, srcb0, dstb0, srcb1, dstb1, rows0, rows1,
             onesb, zcnt, acc, cnt, sem0, sem1):
    c = lax.axis_index("c")
    s = lax.axis_index("s")
    wid = c * NS + s
    ebase = wid * E_W
    rbase = s * ROWS_W

    zero16 = jnp.zeros((16,), jnp.float32)
    one16 = jnp.full((16,), 1.0, jnp.float32)

    def orow(i, carry):
        onesb[i, pl.ds(0, 16)] = one16
        zcnt[i, pl.ds(0, 16)] = zero16
        return carry
    lax.fori_loop(0, CH, orow, 0)

    def run_edge_type(src_h, dst_h, table_h, sum_out, cnt_out):
        def zrow(i, carry):
            for j in range(H // 16):
                rows0[i, pl.ds(j * 16, 16)] = zero16
            return carry
        lax.fori_loop(0, CH, zrow, 0)
        for j in range(ROWS_W // CH):
            pltpu.sync_copy(rows0, acc.at[pl.ds(rbase + j * CH, CH)])
            pltpu.sync_copy(zcnt, cnt.at[pl.ds(rbase + j * CH, CH)])
        pltpu.sync_copy(src_h.at[pl.ds(ebase, E_W)], src_st)
        pltpu.sync_copy(dst_h.at[pl.ds(ebase, E_W)], dst_st)
        plsc.subcore_barrier()

        def prep(kc, srcb_, dstb_):
            off = pl.multiple_of(kc * CH, 8)
            for j in range(CH // 16):
                srcb_[pl.ds(j * 16, 16)] = src_st[pl.ds(off + j * 16, 16)]
                dstb_[pl.ds(j * 16, 16)] = dst_st[pl.ds(off + j * 16, 16)]

        def fire(srcb_, rows_, sem_):
            pltpu.async_copy(table_h.at[srcb_], rows_, sem_)

        def wait(srcb_, rows_, sem_):
            pltpu.make_async_copy(table_h.at[srcb_], rows_, sem_).wait()

        def scat(rows_, dstb_):
            pltpu.sync_copy(rows_, acc.at[dstb_], add=True)
            pltpu.sync_copy(onesb, cnt.at[dstb_], add=True)

        prep(0, srcb0, dstb0)
        fire(srcb0, rows0, sem0)

        def chunk2(i, carry):
            k = 2 * i
            prep(k + 1, srcb1, dstb1)
            fire(srcb1, rows1, sem1)
            wait(srcb0, rows0, sem0)
            scat(rows0, dstb0)
            prep(k + 2, srcb0, dstb0)
            fire(srcb0, rows0, sem0)
            wait(srcb1, rows1, sem1)
            scat(rows1, dstb1)
            return carry
        lax.fori_loop(0, (NCHUNK - 1) // 2, chunk2, 0)
        wait(srcb0, rows0, sem0)
        scat(rows0, dstb0)
        plsc.subcore_barrier()

        pltpu.sync_copy(acc.at[pl.ds(rbase, ROWS_W)],
                        sum_out.at[c, pl.ds(rbase, ROWS_W)])
        pltpu.sync_copy(cnt.at[pl.ds(rbase, ROWS_W)],
                        cnt_out.at[c, pl.ds(rbase, ROWS_W)])
        plsc.subcore_barrier()

    run_edge_type(src_uv, dst_uv, pmsg_u, sum_v, cnt_v)
    run_edge_type(src_vu, dst_vu, pmsg_v, sum_u, cnt_u)


def _sc(pmsg_u, pmsg_v, src_uv, dst_uv, src_vu, dst_vu):
    f32 = jnp.float32
    mesh = plsc.VectorSubcoreMesh(core_axis_name="c", subcore_axis_name="s")
    k = functools.partial(
        pl.kernel,
        mesh=mesh,
        compiler_params=pltpu.CompilerParams(use_tc_tiling_on_sc=False),
        out_type=[
            jax.ShapeDtypeStruct((NC, N_PAD, H), f32),
            jax.ShapeDtypeStruct((NC, N_PAD, CNT_L), f32),
            jax.ShapeDtypeStruct((NC, N_PAD, H), f32),
            jax.ShapeDtypeStruct((NC, N_PAD, CNT_L), f32),
        ],
        scratch_types=[
            pltpu.VMEM((E_W,), jnp.int32),
            pltpu.VMEM((E_W,), jnp.int32),
            pltpu.VMEM((CH,), jnp.int32),
            pltpu.VMEM((CH,), jnp.int32),
            pltpu.VMEM((CH,), jnp.int32),
            pltpu.VMEM((CH,), jnp.int32),
            pltpu.VMEM((CH, H), f32),
            pltpu.VMEM((CH, H), f32),
            pltpu.VMEM((CH, CNT_L), f32),
            pltpu.VMEM((CH, CNT_L), f32),
            pltpu.VMEM_SHARED((N_PAD, H), f32),
            pltpu.VMEM_SHARED((N_PAD, CNT_L), f32),
            pltpu.SemaphoreType.DMA,
            pltpu.SemaphoreType.DMA,
        ],
    )(_sc_body)
    return k(pmsg_u, pmsg_v, src_uv, dst_uv, src_vu, dst_vu)


def _post_body(su2, cu2, sv2, cv2, ru, rv, bvu, buv, wu, bu, wv, bv,
               outu, outv):
    sa = su2[...]
    ca = cu2[...]
    s_u = sa[0] + sa[1]
    c_u = (ca[0] + ca[1])[:, 0:1]
    mean_u = s_u / jnp.maximum(c_u, 1.0)
    h_u = jnp.maximum(mean_u + ru[...] + bvu[...], 0.0)
    outu[...] = jnp.dot(h_u, wu[...], preferred_element_type=jnp.float32) + bu[...]

    sb = sv2[...]
    cb = cv2[...]
    s_v = sb[0] + sb[1]
    c_v = (cb[0] + cb[1])[:, 0:1]
    mean_v = s_v / jnp.maximum(c_v, 1.0)
    h_v = jnp.maximum(mean_v + rv[...] + buv[...], 0.0)
    outv[...] = jnp.dot(h_v, wv[...], preferred_element_type=jnp.float32) + bv[...]


def _post(sum_u, cnt_u, sum_v, cnt_v, root_u, root_v,
          b_vu, b_uv, W_user, b_user, W_video, b_video):
    f32 = jnp.float32
    psum = pl.BlockSpec((NC, BL, H), lambda r: (0, r, 0))
    pcnt = pl.BlockSpec((NC, BL, CNT_L), lambda r: (0, r, 0))
    root = pl.BlockSpec((BL, H), lambda r: (r, 0))
    bias = pl.BlockSpec((1, H), lambda r: (0, 0))
    wsp = pl.BlockSpec((H, O), lambda r: (0, 0))
    bout = pl.BlockSpec((1, O), lambda r: (0, 0))
    out = pl.BlockSpec((BL, O), lambda r: (r, 0))
    return pl.pallas_call(
        _post_body,
        grid=(NBLK,),
        in_specs=[psum, pcnt, psum, pcnt, root, root, bias, bias,
                  wsp, bout, wsp, bout],
        out_specs=[out, out],
        out_shape=[jax.ShapeDtypeStruct((N, O), f32)] * 2,
    )(sum_u, cnt_u, sum_v, cnt_v, root_u, root_v, b_vu, b_uv,
      W_user, b_user, W_video, b_video)


def kernel(x_user, x_video, edge_index_uv, edge_index_vu,
           W_l_uv, W_r_uv, b_uv, W_l_vu, W_r_vu, b_vu,
           W_user, b_user, W_video, b_video):
    src_uv = edge_index_uv[0].astype(jnp.int32)
    dst_uv = edge_index_uv[1].astype(jnp.int32)
    src_vu = edge_index_vu[0].astype(jnp.int32)
    dst_vu = edge_index_vu[1].astype(jnp.int32)

    pmsg_u, pmsg_v, root_u, root_v = _pre(
        x_user, x_video, W_l_uv, W_r_vu, W_l_vu, W_r_uv)

    sum_v, cnt_v, sum_u, cnt_u = _sc(
        pmsg_u, pmsg_v, src_uv, dst_uv, src_vu, dst_vu)
    sum_v = sum_v[:, :N]
    cnt_v = cnt_v[:, :N]
    sum_u = sum_u[:, :N]
    cnt_u = cnt_u[:, :N]

    out_u, out_v = _post(
        sum_u, cnt_u, sum_v, cnt_v, root_u, root_v,
        b_vu.reshape(1, H), b_uv.reshape(1, H),
        W_user, b_user.reshape(1, O), W_video, b_video.reshape(1, O))
    return (out_u, out_v)

# --- scband reference (transcript-rebuilt; emitter-appended) ---
"""Pipeline reference for scband-hetero-gnn-43851616092320 (READ-ONLY COPY).

The authoritative reference and input builder live on the scoring server;
editing this copy changes nothing except your own understanding.
"""

import jax, jax.numpy as jnp
import numpy as np

N_USER = 10000
N_VIDEO = 10000
E = 320000
D = 128
H = 64
O = 32


def setup_inputs(seed: int = 0) -> dict:
    key = jax.random.key(seed)
    ks = jax.random.split(key, 14)
    x_user = jax.random.normal(ks[0], (N_USER, D), dtype=jnp.float32)
    x_video = jax.random.normal(ks[1], (N_VIDEO, D), dtype=jnp.float32)
    # edge_index_uv: row 0 = src user ids, row 1 = dst video ids
    edge_index_uv = jax.random.randint(ks[2], (2, E), 0, N_VIDEO, dtype=jnp.int64)
    # edge_index_vu: row 0 = src video ids, row 1 = dst user ids
    edge_index_vu = jax.random.randint(ks[3], (2, E), 0, N_USER, dtype=jnp.int64)
    s_in = 1.0 / np.sqrt(D)
    s_hid = 1.0 / np.sqrt(H)
    # SAGEConv ('user','interacts','video'): lin_l on aggregated src, lin_r on root dst
    W_l_uv = jax.random.normal(ks[4], (D, H), dtype=jnp.float32) * s_in
    W_r_uv = jax.random.normal(ks[5], (D, H), dtype=jnp.float32) * s_in
    b_uv = jax.random.normal(ks[6], (H,), dtype=jnp.float32) * s_in
    # SAGEConv ('video','rev_interacts','user')
    W_l_vu = jax.random.normal(ks[7], (D, H), dtype=jnp.float32) * s_in
    W_r_vu = jax.random.normal(ks[8], (D, H), dtype=jnp.float32) * s_in
    b_vu = jax.random.normal(ks[9], (H,), dtype=jnp.float32) * s_in
    W_user = jax.random.normal(ks[10], (H, O), dtype=jnp.float32) * s_hid
    b_user = jax.random.normal(ks[11], (O,), dtype=jnp.float32) * s_hid
    W_video = jax.random.normal(ks[12], (H, O), dtype=jnp.float32) * s_hid
    b_video = jax.random.normal(ks[13], (O,), dtype=jnp.float32) * s_hid
    return {"x_user": x_user, "x_video": x_video,
            "edge_index_uv": edge_index_uv, "edge_index_vu": edge_index_vu,
            "W_l_uv": W_l_uv, "W_r_uv": W_r_uv, "b_uv": b_uv,
            "W_l_vu": W_l_vu, "W_r_vu": W_r_vu, "b_vu": b_vu,
            "W_user": W_user, "b_user": b_user,
            "W_video": W_video, "b_video": b_video}


def _sage(x_src, x_dst, edge_index, W_l, W_r, b, num_dst):
    # SAGEConv with default mean aggregation on a bipartite graph:
    # out = mean_{j in N(i)} x_src[j] @ W_l + x_dst[i] @ W_r + b
    src = edge_index[0]
    dst = edge_index[1]
    msgs = jnp.take(x_src, src, axis=0)
    summed = jax.ops.segment_sum(msgs, dst, num_segments=num_dst)
    counts = jax.ops.segment_sum(jnp.ones((msgs.shape[0],), dtype=x_src.dtype), dst, num_segments=num_dst)
    mean = summed / jnp.clip(counts, 1.0, None)[:, None]
    return mean @ W_l + x_dst @ W_r + b


def reference(x_user, x_video, edge_index_uv, edge_index_vu,
              W_l_uv, W_r_uv, b_uv, W_l_vu, W_r_vu, b_vu,
              W_user, b_user, W_video, b_video):
    # HeteroConv with aggr='sum' (each node type receives exactly one edge type here)
    h_video = _sage(x_user, x_video, edge_index_uv, W_l_uv, W_r_uv, b_uv, N_VIDEO)
    h_user = _sage(x_video, x_user, edge_index_vu, W_l_vu, W_r_vu, b_vu, N_USER)
    h_user = jax.nn.relu(h_user)
    h_video = jax.nn.relu(h_video)
    out_user = h_user @ W_user + b_user
    out_video = h_video @ W_video + b_video
    return (out_user, out_video)

if __name__ == "__main__":
    import jax
    _d = setup_inputs()
    print(jax.jit(kernel)(*tuple(_d.values())))

</pallas_src>

<mosaic_0001>
#map = affine_map<(d0, d1) -> (0, 0)>
#map1 = affine_map<(d0, d1) -> (0)>
#map2 = affine_map<(d0, d1) -> (0, 0, 0)>
module attributes {stable_mosaic.version = 14 : i64} {
  func.func @_sc_body(%arg0: i32, %arg1: i32, %arg2: memref<10000x64xf32, #tpu.memory_space<hbm>>, %arg3: memref<10000x64xf32, #tpu.memory_space<hbm>>, %arg4: memref<320000xi32, #tpu.memory_space<hbm>>, %arg5: memref<320000xi32, #tpu.memory_space<hbm>>, %arg6: memref<320000xi32, #tpu.memory_space<hbm>>, %arg7: memref<320000xi32, #tpu.memory_space<hbm>>, %arg8: memref<2x10240x64xf32, #tpu.memory_space<hbm>>, %arg9: memref<2x10240x16xf32, #tpu.memory_space<hbm>>, %arg10: memref<2x10240x64xf32, #tpu.memory_space<hbm>>, %arg11: memref<2x10240x16xf32, #tpu.memory_space<hbm>>, %arg12: memref<10000xi32, #tpu.memory_space<vmem>>, %arg13: memref<10000xi32, #tpu.memory_space<vmem>>, %arg14: memref<80xi32, #tpu.memory_space<vmem>>, %arg15: memref<80xi32, #tpu.memory_space<vmem>>, %arg16: memref<80xi32, #tpu.memory_space<vmem>>, %arg17: memref<80xi32, #tpu.memory_space<vmem>>, %arg18: memref<80x64xf32, #tpu.memory_space<vmem>>, %arg19: memref<80x64xf32, #tpu.memory_space<vmem>>, %arg20: memref<80x16xf32, #tpu.memory_space<vmem>>, %arg21: memref<80x16xf32, #tpu.memory_space<vmem>>, %arg22: memref<10240x64xf32, #tpu.memory_space<vmem_shared>>, %arg23: memref<10240x16xf32, #tpu.memory_space<vmem_shared>>, %arg24: memref<!tpu.dma_semaphore, #tpu.memory_space<semaphore_mem>>, %arg25: memref<!tpu.dma_semaphore, #tpu.memory_space<semaphore_mem>>) attributes {dimension_semantics = [#tpu.dimension_semantics<core_parallel>, #tpu.dimension_semantics<subcore_parallel>], iteration_bounds = array<i64: 2, 16>, scalar_prefetch = 0 : i64, scratch_operands = 14 : i64, tpu.core_type = #tpu.core_type<sc_vector_subcore>, window_params = [{transform_indices = #map}, {transform_indices = #map}, {transform_indices = #map1}, {transform_indices = #map1}, {transform_indices = #map1}, {transform_indices = #map1}, {transform_indices = #map2}, {transform_indices = #map2}, {transform_indices = #map2}, {transform_indices = #map2}]} {
    %mul3A = arith.constant 16 : i32
    %mul3A_0 = arith.muli %arg0, %mul3A : i32
    %add3A = arith.addi %mul3A_0, %arg1 : i32
    %mul3A_1 = arith.constant 10000 : i32
    %mul3A_2 = arith.muli %add3A, %mul3A_1 : i32
    %mul3A_3 = arith.constant 640 : i32
    %mul3A_4 = arith.muli %arg1, %mul3A_3 : i32
    %broadcast_in_dim3A = arith.constant 0.000000e+00 : f32
    %broadcast_in_dim3A_5 = vector.broadcast %broadcast_in_dim3A : f32 to vector<16xf32>
    %broadcast_in_dim3A_6 = arith.constant 1.000000e+00 : f32
    %broadcast_in_dim3A_7 = vector.broadcast %broadcast_in_dim3A_6 : f32 to vector<16xf32>
    %scan3A = arith.constant 0 : i32
    %scan3A_8 = arith.constant 0 : i32
    %scan3A_9 = arith.constant 80 : i32
    %scan3A_10 = arith.addi %scan3A_8, %scan3A_9 : i32
    %scan3A_11 = arith.constant 1 : i32
    scf.for %scan3A_297 = %scan3A_8 to %scan3A_10 step %scan3A_11  : i32 {
      %swap3A_298 = arith.index_cast %scan3A_297 : i32 to index
      %swap3A_299 = arith.constant 0 : index
      %swap3A_300 = tpu.vector_load %arg20[%swap3A_298, %swap3A_299] {strides = array<i32>} : memref<80x16xf32, #tpu.memory_space<vmem>>, vector<1x16xf32>,
      %swap3A_301 = vector.shape_cast %swap3A_300 : vector<1x16xf32> to vector<16xf32>
      %swap3A_302 = vector.shape_cast %broadcast_in_dim3A_7 : vector<16xf32> to vector<1x16xf32>
      tpu.vector_store %arg20[%swap3A_298, %swap3A_299], %swap3A_302 {strides = array<i32>} : memref<80x16xf32, #tpu.memory_space<vmem>>, vector<1x16xf32>,
      %swap3A_303 = arith.index_cast %scan3A_297 : i32 to index
      %swap3A_304 = arith.constant 0 : index
      %swap3A_305 = tpu.vector_load %arg21[%swap3A_303, %swap3A_304] {strides = array<i32>} : memref<80x16xf32, #tpu.memory_space<vmem>>, vector<1x16xf32>,
      %swap3A_306 = vector.shape_cast %swap3A_305 : vector<1x16xf32> to vector<16xf32>
      %swap3A_307 = vector.shape_cast %broadcast_in_dim3A_5 : vector<16xf32> to vector<1x16xf32>
      tpu.vector_store %arg21[%swap3A_303, %swap3A_304], %swap3A_307 {strides = array<i32>} : memref<80x16xf32, #tpu.memory_space<vmem>>, vector<1x16xf32>,
    }
    %scan3A_12 = arith.constant 80 : i32
    %scan3A_13 = arith.constant 0 : i32
    %scan3A_14 = arith.constant 0 : i32
    %scan3A_15 = arith.constant 80 : i32
    %scan3A_16 = arith.addi %scan3A_14, %scan3A_15 : i32
    %scan3A_17 = arith.constant 1 : i32
    scf.for %scan3A_297 = %scan3A_14 to %scan3A_16 step %scan3A_17  : i32 {
      %swap3A_298 = arith.index_cast %scan3A_297 : i32 to index
      %swap3A_299 = arith.constant 0 : index
      %swap3A_300 = tpu.vector_load %arg18[%swap3A_298, %swap3A_299] {strides = array<i32>} : memref<80x64xf32, #tpu.memory_space<vmem>>, vector<1x16xf32>,
      %swap3A_301 = vector.shape_cast %swap3A_300 : vector<1x16xf32> to vector<16xf32>
      %swap3A_302 = vector.shape_cast %broadcast_in_dim3A_5 : vector<16xf32> to vector<1x16xf32>
      tpu.vector_store %arg18[%swap3A_298, %swap3A_299], %swap3A_302 {strides = array<i32>} : memref<80x64xf32, #tpu.memory_space<vmem>>, vector<1x16xf32>,
      %swap3A_303 = arith.index_cast %scan3A_297 : i32 to index
      %swap3A_304 = arith.constant 16 : index
      %swap3A_305 = tpu.vector_load %arg18[%swap3A_303, %swap3A_304] {strides = array<i32>} : memref<80x64xf32, #tpu.memory_space<vmem>>, vector<1x16xf32>,
      %swap3A_306 = vector.shape_cast %swap3A_305 : vector<1x16xf32> to vector<16xf32>
      %swap3A_307 = vector.shape_cast %broadcast_in_dim3A_5 : vector<16xf32> to vector<1x16xf32>
      tpu.vector_store %arg18[%swap3A_303, %swap3A_304], %swap3A_307 {strides = array<i32>} : memref<80x64xf32, #tpu.memory_space<vmem>>, vector<1x16xf32>,
      %swap3A_308 = arith.index_cast %scan3A_297 : i32 to index
      %swap3A_309 = arith.constant 32 : index
      %swap3A_310 = tpu.vector_load %arg18[%swap3A_308, %swap3A_309] {strides = array<i32>} : memref<80x64xf32, #tpu.memory_space<vmem>>, vector<1x16xf32>,
      %swap3A_311 = vector.shape_cast %swap3A_310 : vector<1x16xf32> to vector<16xf32>
      %swap3A_312 = vector.shape_cast %broadcast_in_dim3A_5 : vector<16xf32> to vector<1x16xf32>
      tpu.vector_store %arg18[%swap3A_308, %swap3A_309], %swap3A_312 {strides = array<i32>} : memref<80x64xf32, #tpu.memory_space<vmem>>, vector<1x16xf32>,
      %swap3A_313 = arith.index_cast %scan3A_297 : i32 to index
      %swap3A_314 = arith.constant 48 : index
      %swap3A_315 = tpu.vector_load %arg18[%swap3A_313, %swap3A_314] {strides = array<i32>} : memref<80x64xf32, #tpu.memory_space<vmem>>, vector<1x16xf32>,
      %swap3A_316 = vector.shape_cast %swap3A_315 : vector<1x16xf32> to vector<16xf32>
      %swap3A_317 = vector.shape_cast %broadcast_in_dim3A_5 : vector<16xf32> to vector<1x16xf32>
      tpu.vector_store %arg18[%swap3A_313, %swap3A_314], %swap3A_317 {strides = array<i32>} : memref<80x64xf32, #tpu.memory_space<vmem>>, vector<1x16xf32>,
    }
    %scan3A_18 = arith.constant 80 : i32
    %add3A_19 = arith.constant 0 : i32
    %add3A_20 = arith.addi %mul3A_4, %add3A_19 : i32
    "tpu.region"() ({
      %run_scoped3A = tpu.sem_alloc : memref<!tpu.dma_semaphore, #tpu.memory_space<semaphore_mem>>
      %dma_start3A_297 = arith.constant 0 : i32
      %dma_start3A_298 = tpu.memref_slice %arg22[%add3A_20, %dma_start3A_297] : memref<10240x64xf32, #tpu.memory_space<vmem_shared>> -> memref<80x64xf32, #tpu.memory_space<vmem_shared>>
      %dma_start3A_299 = arith.constant 0 : i32
      %dma_start3A_300 = tpu.memref_slice %arg22[%add3A_20, %dma_start3A_299] : memref<10240x64xf32, #tpu.memory_space<vmem_shared>> -> memref<80x64xf32, #tpu.memory_space<vmem_shared>>
      tpu.enqueue_dma source(%arg18 : memref<80x64xf32, #tpu.memory_space<vmem>>) target(%dma_start3A_300 : memref<80x64xf32, #tpu.memory_space<vmem_shared>>) target_semaphore(%run_scoped3A : memref<!tpu.dma_semaphore, #tpu.memory_space<semaphore_mem>>)
      %dma_wait3A_301 = arith.constant 0 : i32
      %dma_wait3A_302 = tpu.memref_slice %arg22[%add3A_20, %dma_wait3A_301] : memref<10240x64xf32, #tpu.memory_space<vmem_shared>> -> memref<80x64xf32, #tpu.memory_space<vmem_shared>>
      %dma_wait3A_303 = arith.constant 0 : i32
      %dma_wait3A_304 = tpu.memref_slice %arg22[%add3A_20, %dma_wait3A_303] : memref<10240x64xf32, #tpu.memory_space<vmem_shared>> -> memref<80x64xf32, #tpu.memory_space<vmem_shared>>
      tpu.wait_dma2 semaphore(%run_scoped3A : memref<!tpu.dma_semaphore, #tpu.memory_space<semaphore_mem>>) src(%arg18 : memref<80x64xf32, #tpu.memory_space<vmem>>) dst(%dma_wait3A_304 : memref<80x64xf32, #tpu.memory_space<vmem_shared>>)
      tpu.yield
    }) : () -> ()
    %add3A_21 = arith.constant 0 : i32
    %add3A_22 = arith.addi %mul3A_4, %add3A_21 : i32
    "tpu.region"() ({
      %run_scoped3A = tpu.sem_alloc : memref<!tpu.dma_semaphore, #tpu.memory_space<semaphore_mem>>
      %dma_start3A_297 = arith.constant 0 : i32
      %dma_start3A_298 = tpu.memref_slice %arg23[%add3A_22, %dma_start3A_297] : memref<10240x16xf32, #tpu.memory_space<vmem_shared>> -> memref<80x16xf32, #tpu.memory_space<vmem_shared>>
      %dma_start3A_299 = arith.constant 0 : i32
      %dma_start3A_300 = tpu.memref_slice %arg23[%add3A_22, %dma_start3A_299] : memref<10240x16xf32, #tpu.memory_space<vmem_shared>> -> memref<80x16xf32, #tpu.memory_space<vmem_shared>>
      tpu.enqueue_dma source(%arg21 : memref<80x16xf32, #tpu.memory_space<vmem>>) target(%dma_start3A_300 : memref<80x16xf32, #tpu.memory_space<vmem_shared>>) target_semaphore(%run_scoped3A : memref<!tpu.dma_semaphore, #tpu.memory_space<semaphore_mem>>)
      %dma_wait3A_301 = arith.constant 0 : i32
      %dma_wait3A_302 = tpu.memref_slice %arg23[%add3A_22, %dma_wait3A_301] : memref<10240x16xf32, #tpu.memory_space<vmem_shared>> -> memref<80x16xf32, #tpu.memory_space<vmem_shared>>
      %dma_wait3A_303 = arith.constant 0 : i32
      %dma_wait3A_304 = tpu.memref_slice %arg23[%add3A_22, %dma_wait3A_303] : memref<10240x16xf32, #tpu.memory_space<vmem_shared>> -> memref<80x16xf32, #tpu.memory_space<vmem_shared>>
      tpu.wait_dma2 semaphore(%run_scoped3A : memref<!tpu.dma_semaphore, #tpu.memory_space<semaphore_mem>>) src(%arg21 : memref<80x16xf32, #tpu.memory_space<vmem>>) dst(%dma_wait3A_304 : memref<80x16xf32, #tpu.memory_space<vmem_shared>>)
      tpu.yield
    }) : () -> ()
    %add3A_23 = arith.constant 80 : i32
    %add3A_24 = arith.addi %mul3A_4, %add3A_23 : i32
    "tpu.region"() ({
      %run_scoped3A = tpu.sem_alloc : memref<!tpu.dma_semaphore, #tpu.memory_space<semaphore_mem>>
      %dma_start3A_297 = arith.constant 0 : i32
      %dma_start3A_298 = tpu.memref_slice %arg22[%add3A_24, %dma_start3A_297] : memref<10240x64xf32, #tpu.memory_space<vmem_shared>> -> memref<80x64xf32, #tpu.memory_space<vmem_shared>>
      %dma_start3A_299 = arith.constant 0 : i32
      %dma_start3A_300 = tpu.memref_slice %arg22[%add3A_24, %dma_start3A_299] : memref<10240x64xf32, #tpu.memory_space<vmem_shared>> -> memref<80x64xf32, #tpu.memory_space<vmem_shared>>
      tpu.enqueue_dma source(%arg18 : memref<80x64xf32, #tpu.memory_space<vmem>>) target(%dma_start3A_300 : memref<80x64xf32, #tpu.memory_space<vmem_shared>>) target_semaphore(%run_scoped3A : memref<!tpu.dma_semaphore, #tpu.memory_space<semaphore_mem>>)
      %dma_wait3A_301 = arith.constant 0 : i32
      %dma_wait3A_302 = tpu.memref_slice %arg22[%add3A_24, %dma_wait3A_301] : memref<10240x64xf32, #tpu.memory_space<vmem_shared>> -> memref<80x64xf32, #tpu.memory_space<vmem_shared>>
      %dma_wait3A_303 = arith.constant 0 : i32
      %dma_wait3A_304 = tpu.memref_slice %arg22[%add3A_24, %dma_wait3A_303] : memref<10240x64xf32, #tpu.memory_space<vmem_shared>> -> memref<80x64xf32, #tpu.memory_space<vmem_shared>>
      tpu.wait_dma2 semaphore(%run_scoped3A : memref<!tpu.dma_semaphore, #tpu.memory_space<semaphore_mem>>) src(%arg18 : memref<80x64xf32, #tpu.memory_space<vmem>>) dst(%dma_wait3A_304 : memref<80x64xf32, #tpu.memory_space<vmem_shared>>)
      tpu.yield
    }) : () -> ()
    %add3A_25 = arith.constant 80 : i32
    %add3A_26 = arith.addi %mul3A_4, %add3A_25 : i32
    "tpu.region"() ({
      %run_scoped3A = tpu.sem_alloc : memref<!tpu.dma_semaphore, #tpu.memory_space<semaphore_mem>>
      %dma_start3A_297 = arith.constant 0 : i32
      %dma_start3A_298 = tpu.memref_slice %arg23[%add3A_26, %dma_start3A_297] : memref<10240x16xf32, #tpu.memory_space<vmem_shared>> -> memref<80x16xf32, #tpu.memory_space<vmem_shared>>
      %dma_start3A_299 = arith.constant 0 : i32
      %dma_start3A_300 = tpu.memref_slice %arg23[%add3A_26, %dma_start3A_299] : memref<10240x16xf32, #tpu.memory_space<vmem_shared>> -> memref<80x16xf32, #tpu.memory_space<vmem_shared>>
      tpu.enqueue_dma source(%arg21 : memref<80x16xf32, #tpu.memory_space<vmem>>) target(%dma_start3A_300 : memref<80x16xf32, #tpu.memory_space<vmem_shared>>) target_semaphore(%run_scoped3A : memref<!tpu.dma_semaphore, #tpu.memory_space<semaphore_mem>>)
      %dma_wait3A_301 = arith.constant 0 : i32
      %dma_wait3A_302 = tpu.memref_slice %arg23[%add3A_26, %dma_wait3A_301] : memref<10240x16xf32, #tpu.memory_space<vmem_shared>> -> memref<80x16xf32, #tpu.memory_space<vmem_shared>>
      %dma_wait3A_303 = arith.constant 0 : i32
      %dma_wait3A_304 = tpu.memref_slice %arg23[%add3A_26, %dma_wait3A_303] : memref<10240x16xf32, #tpu.memory_space<vmem_shared>> -> memref<80x16xf32, #tpu.memory_space<vmem_shared>>
      tpu.wait_dma2 semaphore(%run_scoped3A : memref<!tpu.dma_semaphore, #tpu.memory_space<semaphore_mem>>) src(%arg21 : memref<80x16xf32, #tpu.memory_space<vmem>>) dst(%dma_wait3A_304 : memref<80x16xf32, #tpu.memory_space<vmem_shared>>)
      tpu.yield
    }) : () -> ()
    %add3A_27 = arith.constant 160 : i32
    %add3A_28 = arith.addi %mul3A_4, %add3A_27 : i32
    "tpu.region"() ({
      %run_scoped3A = tpu.sem_alloc : memref<!tpu.dma_semaphore, #tpu.memory_space<semaphore_mem>>
      %dma_start3A_297 = arith.constant 0 : i32
      %dma_start3A_298 = tpu.memref_slice %arg22[%add3A_28, %dma_start3A_297] : memref<10240x64xf32, #tpu.memory_space<vmem_shared>> -> memref<80x64xf32, #tpu.memory_space<vmem_shared>>
      %dma_start3A_299 = arith.constant 0 : i32
      %dma_start3A_300 = tpu.memref_slice %arg22[%add3A_28, %dma_start3A_299] : memref<10240x64xf32, #tpu.memory_space<vmem_shared>> -> memref<80x64xf32, #tpu.memory_space<vmem_shared>>
      tpu.enqueue_dma source(%arg18 : memref<80x64xf32, #tpu.memory_space<vmem>>) target(%dma_start3A_300 : memref<80x64xf32, #tpu.memory_space<vmem_shared>>) target_semaphore(%run_scoped3A : memref<!tpu.dma_semaphore, #tpu.memory_space<semaphore_mem>>)
      %dma_wait3A_301 = arith.constant 0 : i32
      %dma_wait3A_302 = tpu.memref_slice %arg22[%add3A_28, %dma_wait3A_301] : memref<10240x64xf32, #tpu.memory_space<vmem_shared>> -> memref<80x64xf32, #tpu.memory_space<vmem_shared>>
      %dma_wait3A_303 = arith.constant 0 : i32
      %dma_wait3A_304 = tpu.memref_slice %arg22[%add3A_28, %dma_wait3A_303] : memref<10240x64xf32, #tpu.memory_space<vmem_shared>> -> memref<80x64xf32, #tpu.memory_space<vmem_shared>>
      tpu.wait_dma2 semaphore(%run_scoped3A : memref<!tpu.dma_semaphore, #tpu.memory_space<semaphore_mem>>) src(%arg18 : memref<80x64xf32, #tpu.memory_space<vmem>>) dst(%dma_wait3A_304 : memref<80x64xf32, #tpu.memory_space<vmem_shared>>)
      tpu.yield
    }) : () -> ()
    %add3A_29 = arith.constant 160 : i32
    %add3A_30 = arith.addi %mul3A_4, %add3A_29 : i32
    "tpu.region"() ({
      %run_scoped3A = tpu.sem_alloc : memref<!tpu.dma_semaphore, #tpu.memory_space<semaphore_mem>>
      %dma_start3A_297 = arith.constant 0 : i32
      %dma_start3A_298 = tpu.memref_slice %arg23[%add3A_30, %dma_start3A_297] : memref<10240x16xf32, #tpu.memory_space<vmem_shared>> -> memref<80x16xf32, #tpu.memory_space<vmem_shared>>
      %dma_start3A_299 = arith.constant 0 : i32
      %dma_start3A_300 = tpu.memref_slice %arg23[%add3A_30, %dma_start3A_299] : memref<10240x16xf32, #tpu.memory_space<vmem_shared>> -> memref<80x16xf32, #tpu.memory_space<vmem_shared>>
      tpu.enqueue_dma source(%arg21 : memref<80x16xf32, #tpu.memory_space<vmem>>) target(%dma_start3A_300 : memref<80x16xf32, #tpu.memory_space<vmem_shared>>) target_semaphore(%run_scoped3A : memref<!tpu.dma_semaphore, #tpu.memory_space<semaphore_mem>>)
      %dma_wait3A_301 = arith.constant 0 : i32
      %dma_wait3A_302 = tpu.memref_slice %arg23[%add3A_30, %dma_wait3A_301] : memref<10240x16xf32, #tpu.memory_space<vmem_shared>> -> memref<80x16xf32, #tpu.memory_space<vmem_shared>>
      %dma_wait3A_303 = arith.constant 0 : i32
      %dma_wait3A_304 = tpu.memref_slice %arg23[%add3A_30, %dma_wait3A_303] : memref<10240x16xf32, #tpu.memory_space<vmem_shared>> -> memref<80x16xf32, #tpu.memory_space<vmem_shared>>
      tpu.wait_dma2 semaphore(%run_scoped3A : memref<!tpu.dma_semaphore, #tpu.memory_space<semaphore_mem>>) src(%arg21 : memref<80x16xf32, #tpu.memory_space<vmem>>) dst(%dma_wait3A_304 : memref<80x16xf32, #tpu.memory_space<vmem_shared>>)
      tpu.yield
    }) : () -> ()
    %add3A_31 = arith.constant 240 : i32
    %add3A_32 = arith.addi %mul3A_4, %add3A_31 : i32
    "tpu.region"() ({
      %run_scoped3A = tpu.sem_alloc : memref<!tpu.dma_semaphore, #tpu.memory_space<semaphore_mem>>
      %dma_start3A_297 = arith.constant 0 : i32
      %dma_start3A_298 = tpu.memref_slice %arg22[%add3A_32, %dma_start3A_297] : memref<10240x64xf32, #tpu.memory_space<vmem_shared>> -> memref<80x64xf32, #tpu.memory_space<vmem_shared>>
      %dma_start3A_299 = arith.constant 0 : i32
      %dma_start3A_300 = tpu.memref_slice %arg22[%add3A_32, %dma_start3A_299] : memref<10240x64xf32, #tpu.memory_space<vmem_shared>> -> memref<80x64xf32, #tpu.memory_space<vmem_shared>>
      tpu.enqueue_dma source(%arg18 : memref<80x64xf32, #tpu.memory_space<vmem>>) target(%dma_start3A_300 : memref<80x64xf32, #tpu.memory_space<vmem_shared>>) target_semaphore(%run_scoped3A : memref<!tpu.dma_semaphore, #tpu.memory_space<semaphore_mem>>)
      %dma_wait3A_301 = arith.constant 0 : i32
      %dma_wait3A_302 = tpu.memref_slice %arg22[%add3A_32, %dma_wait3A_301] : memref<10240x64xf32, #tpu.memory_space<vmem_shared>> -> memref<80x64xf32, #tpu.memory_space<vmem_shared>>
      %dma_wait3A_303 = arith.constant 0 : i32
      %dma_wait3A_304 = tpu.memref_slice %arg22[%add3A_32, %dma_wait3A_303] : memref<10240x64xf32, #tpu.memory_space<vmem_shared>> -> memref<80x64xf32, #tpu.memory_space<vmem_shared>>
      tpu.wait_dma2 semaphore(%run_scoped3A : memref<!tpu.dma_semaphore, #tpu.memory_space<semaphore_mem>>) src(%arg18 : memref<80x64xf32, #tpu.memory_space<vmem>>) dst(%dma_wait3A_304 : memref<80x64xf32, #tpu.memory_space<vmem_shared>>)
      tpu.yield
    }) : () -> ()
    %add3A_33 = arith.constant 240 : i32
    %add3A_34 = arith.addi %mul3A_4, %add3A_33 : i32
    "tpu.region"() ({
      %run_scoped3A = tpu.sem_alloc : memref<!tpu.dma_semaphore, #tpu.memory_space<semaphore_mem>>
      %dma_start3A_297 = arith.constant 0 : i32
      %dma_start3A_298 = tpu.memref_slice %arg23[%add3A_34, %dma_start3A_297] : memref<10240x16xf32, #tpu.memory_space<vmem_shared>> -> memref<80x16xf32, #tpu.memory_space<vmem_shared>>
      %dma_start3A_299 = arith.constant 0 : i32
      %dma_start3A_300 = tpu.memref_slice %arg23[%add3A_34, %dma_start3A_299] : memref<10240x16xf32, #tpu.memory_space<vmem_shared>> -> memref<80x16xf32, #tpu.memory_space<vmem_shared>>
      tpu.enqueue_dma source(%arg21 : memref<80x16xf32, #tpu.memory_space<vmem>>) target(%dma_start3A_300 : memref<80x16xf32, #tpu.memory_space<vmem_shared>>) target_semaphore(%run_scoped3A : memref<!tpu.dma_semaphore, #tpu.memory_space<semaphore_mem>>)
      %dma_wait3A_301 = arith.constant 0 : i32
      %dma_wait3A_302 = tpu.memref_slice %arg23[%add3A_34, %dma_wait3A_301] : memref<10240x16xf32, #tpu.memory_space<vmem_shared>> -> memref<80x16xf32, #tpu.memory_space<vmem_shared>>
      %dma_wait3A_303 = arith.constant 0 : i32
      %dma_wait3A_304 = tpu.memref_slice %arg23[%add3A_34, %dma_wait3A_303] : memref<10240x16xf32, #tpu.memory_space<vmem_shared>> -> memref<80x16xf32, #tpu.memory_space<vmem_shared>>
      tpu.wait_dma2 semaphore(%run_scoped3A : memref<!tpu.dma_semaphore, #tpu.memory_space<semaphore_mem>>) src(%arg21 : memref<80x16xf32, #tpu.memory_space<vmem>>) dst(%dma_wait3A_304 : memref<80x16xf32, #tpu.memory_space<vmem_shared>>)
      tpu.yield
    }) : () -> ()
    %add3A_35 = arith.constant 320 : i32
    %add3A_36 = arith.addi %mul3A_4, %add3A_35 : i32
    "tpu.region"() ({
      %run_scoped3A = tpu.sem_alloc : memref<!tpu.dma_semaphore, #tpu.memory_space<semaphore_mem>>
      %dma_start3A_297 = arith.constant 0 : i32
      %dma_start3A_298 = tpu.memref_slice %arg22[%add3A_36, %dma_start3A_297] : memref<10240x64xf32, #tpu.memory_space<vmem_shared>> -> memref<80x64xf32, #tpu.memory_space<vmem_shared>>
      %dma_start3A_299 = arith.constant 0 : i32
      %dma_start3A_300 = tpu.memref_slice %arg22[%add3A_36, %dma_start3A_299] : memref<10240x64xf32, #tpu.memory_space<vmem_shared>> -> memref<80x64xf32, #tpu.memory_space<vmem_shared>>
      tpu.enqueue_dma source(%arg18 : memref<80x64xf32, #tpu.memory_space<vmem>>) target(%dma_start3A_300 : memref<80x64xf32, #tpu.memory_space<vmem_shared>>) target_semaphore(%run_scoped3A : memref<!tpu.dma_semaphore, #tpu.memory_space<semaphore_mem>>)
      %dma_wait3A_301 = arith.constant 0 : i32
      %dma_wait3A_302 = tpu.memref_slice %arg22[%add3A_36, %dma_wait3A_301] : memref<10240x64xf32, #tpu.memory_space<vmem_shared>> -> memref<80x64xf32, #tpu.memory_space<vmem_shared>>
      %dma_wait3A_303 = arith.constant 0 : i32
      %dma_wait3A_304 = tpu.memref_slice %arg22[%add3A_36, %dma_wait3A_303] : memref<10240x64xf32, #tpu.memory_space<vmem_shared>> -> memref<80x64xf32, #tpu.memory_space<vmem_shared>>
      tpu.wait_dma2 semaphore(%run_scoped3A : memref<!tpu.dma_semaphore, #tpu.memory_space<semaphore_mem>>) src(%arg18 : memref<80x64xf32, #tpu.memory_space<vmem>>) dst(%dma_wait3A_304 : memref<80x64xf32, #tpu.memory_space<vmem_shared>>)
      tpu.yield
    }) : () -> ()
    %add3A_37 = arith.constant 320 : i32
    %add3A_38 = arith.addi %mul3A_4, %add3A_37 : i32
    "tpu.region"() ({
      %run_scoped3A = tpu.sem_alloc : memref<!tpu.dma_semaphore, #tpu.memory_space<semaphore_mem>>
      %dma_start3A_297 = arith.constant 0 : i32
      %dma_start3A_298 = tpu.memref_slice %arg23[%add3A_38, %dma_start3A_297] : memref<10240x16xf32, #tpu.memory_space<vmem_shared>> -> memref<80x16xf32, #tpu.memory_space<vmem_shared>>
      %dma_start3A_299 = arith.constant 0 : i32
      %dma_start3A_300 = tpu.memref_slice %arg23[%add3A_38, %dma_start3A_299] : memref<10240x16xf32, #tpu.memory_space<vmem_shared>> -> memref<80x16xf32, #tpu.memory_space<vmem_shared>>
      tpu.enqueue_dma source(%arg21 : memref<80x16xf32, #tpu.memory_space<vmem>>) target(%dma_start3A_300 : memref<80x16xf32, #tpu.memory_space<vmem_shared>>) target_semaphore(%run_scoped3A : memref<!tpu.dma_semaphore, #tpu.memory_space<semaphore_mem>>)
      %dma_wait3A_301 = arith.constant 0 : i32
      %dma_wait3A_302 = tpu.memref_slice %arg23[%add3A_38, %dma_wait3A_301] : memref<10240x16xf32, #tpu.memory_space<vmem_shared>> -> memref<80x16xf32, #tpu.memory_space<vmem_shared>>
      %dma_wait3A_303 = arith.constant 0 : i32
      %dma_wait3A_304 = tpu.memref_slice %arg23[%add3A_38, %dma_wait3A_303] : memref<10240x16xf32, #tpu.memory_space<vmem_shared>> -> memref<80x16xf32, #tpu.memory_space<vmem_shared>>
      tpu.wait_dma2 semaphore(%run_scoped3A : memref<!tpu.dma_semaphore, #tpu.memory_space<semaphore_mem>>) src(%arg21 : memref<80x16xf32, #tpu.memory_space<vmem>>) dst(%dma_wait3A_304 : memref<80x16xf32, #tpu.memory_space<vmem_shared>>)
      tpu.yield
    }) : () -> ()
    %add3A_39 = arith.constant 400 : i32
    %add3A_40 = arith.addi %mul3A_4, %add3A_39 : i32
    "tpu.region"() ({
      %run_scoped3A = tpu.sem_alloc : memref<!tpu.dma_semaphore, #tpu.memory_space<semaphore_mem>>
      %dma_start3A_297 = arith.constant 0 : i32
      %dma_start3A_298 = tpu.memref_slice %arg22[%add3A_40, %dma_start3A_297] : memref<10240x64xf32, #tpu.memory_space<vmem_shared>> -> memref<80x64xf32, #tpu.memory_space<vmem_shared>>
      %dma_start3A_299 = arith.constant 0 : i32
      %dma_start3A_300 = tpu.memref_slice %arg22[%add3A_40, %dma_start3A_299] : memref<10240x64xf32, #tpu.memory_space<vmem_shared>> -> memref<80x64xf32, #tpu.memory_space<vmem_shared>>
      tpu.enqueue_dma source(%arg18 : memref<80x64xf32, #tpu.memory_space<vmem>>) target(%dma_start3A_300 : memref<80x64xf32, #tpu.memory_space<vmem_shared>>) target_semaphore(%run_scoped3A : memref<!tpu.dma_semaphore, #tpu.memory_space<semaphore_mem>>)
      %dma_wait3A_301 = arith.constant 0 : i32
      %dma_wait3A_302 = tpu.memref_slice %arg22[%add3A_40, %dma_wait3A_301] : memref<10240x64xf32, #tpu.memory_space<vmem_shared>> -> memref<80x64xf32, #tpu.memory_space<vmem_shared>>
      %dma_wait3A_303 = arith.constant 0 : i32
      %dma_wait3A_304 = tpu.memref_slice %arg22[%add3A_40, %dma_wait3A_303] : memref<10240x64xf32, #tpu.memory_space<vmem_shared>> -> memref<80x64xf32, #tpu.memory_space<vmem_shared>>
      tpu.wait_dma2 semaphore(%run_scoped3A : memref<!tpu.dma_semaphore, #tpu.memory_space<semaphore_mem>>) src(%arg18 : memref<80x64xf32, #tpu.memory_space<vmem>>) dst(%dma_wait3A_304 : memref<80x64xf32, #tpu.memory_space<vmem_shared>>)
      tpu.yield
    }) : () -> ()
    %add3A_41 = arith.constant 400 : i32
    %add3A_42 = arith.addi %mul3A_4, %add3A_41 : i32
    "tpu.region"() ({
      %run_scoped3A = tpu.sem_alloc : memref<!tpu.dma_semaphore, #tpu.memory_space<semaphore_mem>>
      %dma_start3A_297 = arith.constant 0 : i32
      %dma_start3A_298 = tpu.memref_slice %arg23[%add3A_42, %dma_start3A_297] : memref<10240x16xf32, #tpu.memory_space<vmem_shared>> -> memref<80x16xf32, #tpu.memory_space<vmem_shared>>
      %dma_start3A_299 = arith.constant 0 : i32
      %dma_start3A_300 = tpu.memref_slice %arg23[%add3A_42, %dma_start3A_299] : memref<10240x16xf32, #tpu.memory_space<vmem_shared>> -> memref<80x16xf32, #tpu.memory_space<vmem_shared>>
      tpu.enqueue_dma source(%arg21 : memref<80x16xf32, #tpu.memory_space<vmem>>) target(%dma_start3A_300 : memref<80x16xf32, #tpu.memory_space<vmem_shared>>) target_semaphore(%run_scoped3A : memref<!tpu.dma_semaphore, #tpu.memory_space<semaphore_mem>>)
      %dma_wait3A_301 = arith.constant 0 : i32
      %dma_wait3A_302 = tpu.memref_slice %arg23[%add3A_42, %dma_wait3A_301] : memref<10240x16xf32, #tpu.memory_space<vmem_shared>> -> memref<80x16xf32, #tpu.memory_space<vmem_shared>>
      %dma_wait3A_303 = arith.constant 0 : i32
      %dma_wait3A_304 = tpu.memref_slice %arg23[%add3A_42, %dma_wait3A_303] : memref<10240x16xf32, #tpu.memory_space<vmem_shared>> -> memref<80x16xf32, #tpu.memory_space<vmem_shared>>
      tpu.wait_dma2 semaphore(%run_scoped3A : memref<!tpu.dma_semaphore, #tpu.memory_space<semaphore_mem>>) src(%arg21 : memref<80x16xf32, #tpu.memory_space<vmem>>) dst(%dma_wait3A_304 : memref<80x16xf32, #tpu.memory_space<vmem_shared>>)
      tpu.yield
    }) : () -> ()
    %add3A_43 = arith.constant 480 : i32
    %add3A_44 = arith.addi %mul3A_4, %add3A_43 : i32
    "tpu.region"() ({
      %run_scoped3A = tpu.sem_alloc : memref<!tpu.dma_semaphore, #tpu.memory_space<semaphore_mem>>
      %dma_start3A_297 = arith.constant 0 : i32
      %dma_start3A_298 = tpu.memref_slice %arg22[%add3A_44, %dma_start3A_297] : memref<10240x64xf32, #tpu.memory_space<vmem_shared>> -> memref<80x64xf32, #tpu.memory_space<vmem_shared>>
      %dma_start3A_299 = arith.constant 0 : i32
      %dma_start3A_300 = tpu.memref_slice %arg22[%add3A_44, %dma_start3A_299] : memref<10240x64xf32, #tpu.memory_space<vmem_shared>> -> memref<80x64xf32, #tpu.memory_space<vmem_shared>>
      tpu.enqueue_dma source(%arg18 : memref<80x64xf32, #tpu.memory_space<vmem>>) target(%dma_start3A_300 : memref<80x64xf32, #tpu.memory_space<vmem_shared>>) target_semaphore(%run_scoped3A : memref<!tpu.dma_semaphore, #tpu.memory_space<semaphore_mem>>)
      %dma_wait3A_301 = arith.constant 0 : i32
      %dma_wait3A_302 = tpu.memref_slice %arg22[%add3A_44, %dma_wait3A_301] : memref<10240x64xf32, #tpu.memory_space<vmem_shared>> -> memref<80x64xf32, #tpu.memory_space<vmem_shared>>
      %dma_wait3A_303 = arith.constant 0 : i32
      %dma_wait3A_304 = tpu.memref_slice %arg22[%add3A_44, %dma_wait3A_303] : memref<10240x64xf32, #tpu.memory_space<vmem_shared>> -> memref<80x64xf32, #tpu.memory_space<vmem_shared>>
      tpu.wait_dma2 semaphore(%run_scoped3A : memref<!tpu.dma_semaphore, #tpu.memory_space<semaphore_mem>>) src(%arg18 : memref<80x64xf32, #tpu.memory_space<vmem>>) dst(%dma_wait3A_304 : memref<80x64xf32, #tpu.memory_space<vmem_shared>>)
      tpu.yield
    }) : () -> ()
    %add3A_45 = arith.constant 480 : i32
    %add3A_46 = arith.addi %mul3A_4, %add3A_45 : i32
    "tpu.region"() ({
      %run_scoped3A = tpu.sem_alloc : memref<!tpu.dma_semaphore, #tpu.memory_space<semaphore_mem>>
      %dma_start3A_297 = arith.constant 0 : i32
      %dma_start3A_298 = tpu.memref_slice %arg23[%add3A_46, %dma_start3A_297] : memref<10240x16xf32, #tpu.memory_space<vmem_shared>> -> memref<80x16xf32, #tpu.memory_space<vmem_shared>>
      %dma_start3A_299 = arith.constant 0 : i32
      %dma_start3A_300 = tpu.memref_slice %arg23[%add3A_46, %dma_start3A_299] : memref<10240x16xf32, #tpu.memory_space<vmem_shared>> -> memref<80x16xf32, #tpu.memory_space<vmem_shared>>
      tpu.enqueue_dma source(%arg21 : memref<80x16xf32, #tpu.memory_space<vmem>>) target(%dma_start3A_300 : memref<80x16xf32, #tpu.memory_space<vmem_shared>>) target_semaphore(%run_scoped3A : memref<!tpu.dma_semaphore, #tpu.memory_space<semaphore_mem>>)
      %dma_wait3A_301 = arith.constant 0 : i32
      %dma_wait3A_302 = tpu.memref_slice %arg23[%add3A_46, %dma_wait3A_301] : memref<10240x16xf32, #tpu.memory_space<vmem_shared>> -> memref<80x16xf32, #tpu.memory_space<vmem_shared>>
      %dma_wait3A_303 = arith.constant 0 : i32
      %dma_wait3A_304 = tpu.memref_slice %arg23[%add3A_46, %dma_wait3A_303] : memref<10240x16xf32, #tpu.memory_space<vmem_shared>> -> memref<80x16xf32, #tpu.memory_space<vmem_shared>>
      tpu.wait_dma2 semaphore(%run_scoped3A : memref<!tpu.dma_semaphore, #tpu.memory_space<semaphore_mem>>) src(%arg21 : memref<80x16xf32, #tpu.memory_space<vmem>>) dst(%dma_wait3A_304 : memref<80x16xf32, #tpu.memory_space<vmem_shared>>)
      tpu.yield
    }) : () -> ()
    %add3A_47 = arith.constant 560 : i32
    %add3A_48 = arith.addi %mul3A_4, %add3A_47 : i32
    "tpu.region"() ({
      %run_scoped3A = tpu.sem_alloc : memref<!tpu.dma_semaphore, #tpu.memory_space<semaphore_mem>>
      %dma_start3A_297 = arith.constant 0 : i32
      %dma_start3A_298 = tpu.memref_slice %arg22[%add3A_48, %dma_start3A_297] : memref<10240x64xf32, #tpu.memory_space<vmem_shared>> -> memref<80x64xf32, #tpu.memory_space<vmem_shared>>
      %dma_start3A_299 = arith.constant 0 : i32
      %dma_start3A_300 = tpu.memref_slice %arg22[%add3A_48, %dma_start3A_299] : memref<10240x64xf32, #tpu.memory_space<vmem_shared>> -> memref<80x64xf32, #tpu.memory_space<vmem_shared>>
      tpu.enqueue_dma source(%arg18 : memref<80x64xf32, #tpu.memory_space<vmem>>) target(%dma_start3A_300 : memref<80x64xf32, #tpu.memory_space<vmem_shared>>) target_semaphore(%run_scoped3A : memref<!tpu.dma_semaphore, #tpu.memory_space<semaphore_mem>>)
      %dma_wait3A_301 = arith.constant 0 : i32
      %dma_wait3A_302 = tpu.memref_slice %arg22[%add3A_48, %dma_wait3A_301] : memref<10240x64xf32, #tpu.memory_space<vmem_shared>> -> memref<80x64xf32, #tpu.memory_space<vmem_shared>>
      %dma_wait3A_303 = arith.constant 0 : i32
      %dma_wait3A_304 = tpu.memref_slice %arg22[%add3A_48, %dma_wait3A_303] : memref<10240x64xf32, #tpu.memory_space<vmem_shared>> -> memref<80x64xf32, #tpu.memory_space<vmem_shared>>
      tpu.wait_dma2 semaphore(%run_scoped3A : memref<!tpu.dma_semaphore, #tpu.memory_space<semaphore_mem>>) src(%arg18 : memref<80x64xf32, #tpu.memory_space<vmem>>) dst(%dma_wait3A_304 : memref<80x64xf32, #tpu.memory_space<vmem_shared>>)
      tpu.yield
    }) : () -> ()
    %add3A_49 = arith.constant 560 : i32
    %add3A_50 = arith.addi %mul3A_4, %add3A_49 : i32
    "tpu.region"() ({
      %run_scoped3A = tpu.sem_alloc : memref<!tpu.dma_semaphore, #tpu.memory_space<semaphore_mem>>
      %dma_start3A_297 = arith.constant 0 : i32
      %dma_start3A_298 = tpu.memref_slice %arg23[%add3A_50, %dma_start3A_297] : memref<10240x16xf32, #tpu.memory_space<vmem_shared>> -> memref<80x16xf32, #tpu.memory_space<vmem_shared>>
      %dma_start3A_299 = arith.constant 0 : i32
      %dma_start3A_300 = tpu.memref_slice %arg23[%add3A_50, %dma_start3A_299] : memref<10240x16xf32, #tpu.memory_space<vmem_shared>> -> memref<80x16xf32, #tpu.memory_space<vmem_shared>>
      tpu.enqueue_dma source(%arg21 : memref<80x16xf32, #tpu.memory_space<vmem>>) target(%dma_start3A_300 : memref<80x16xf32, #tpu.memory_space<vmem_shared>>) target_semaphore(%run_scoped3A : memref<!tpu.dma_semaphore, #tpu.memory_space<semaphore_mem>>)
      %dma_wait3A_301 = arith.constant 0 : i32
      %dma_wait3A_302 = tpu.memref_slice %arg23[%add3A_50, %dma_wait3A_301] : memref<10240x16xf32, #tpu.memory_space<vmem_shared>> -> memref<80x16xf32, #tpu.memory_space<vmem_shared>>
      %dma_wait3A_303 = arith.constant 0 : i32
      %dma_wait3A_304 = tpu.memref_slice %arg23[%add3A_50, %dma_wait3A_303] : memref<10240x16xf32, #tpu.memory_space<vmem_shared>> -> memref<80x16xf32, #tpu.memory_space<vmem_shared>>
      tpu.wait_dma2 semaphore(%run_scoped3A : memref<!tpu.dma_semaphore, #tpu.memory_space<semaphore_mem>>) src(%arg21 : memref<80x16xf32, #tpu.memory_space<vmem>>) dst(%dma_wait3A_304 : memref<80x16xf32, #tpu.memory_space<vmem_shared>>)
      tpu.yield
    }) : () -> ()
    "tpu.region"() ({
      %run_scoped3A = tpu.sem_alloc : memref<!tpu.dma_semaphore, #tpu.memory_space<semaphore_mem>>
      %dma_start3A_297 = tpu.memref_slice %arg4[%mul3A_2] : memref<320000xi32, #tpu.memory_space<hbm>> -> memref<10000xi32, #tpu.memory_space<hbm>>
      %dma_start3A_298 = tpu.memref_slice %arg4[%mul3A_2] : memref<320000xi32, #tpu.memory_space<hbm>> -> memref<10000xi32, #tpu.memory_space<hbm>>
      tpu.enqueue_dma source(%dma_start3A_298 : memref<10000xi32, #tpu.memory_space<hbm>>) target(%arg12 : memref<10000xi32, #tpu.memory_space<vmem>>) target_semaphore(%run_scoped3A : memref<!tpu.dma_semaphore, #tpu.memory_space<semaphore_mem>>)
      %dma_wait3A_299 = tpu.memref_slice %arg4[%mul3A_2] : memref<320000xi32, #tpu.memory_space<hbm>> -> memref<10000xi32, #tpu.memory_space<hbm>>
      %dma_wait3A_300 = tpu.memref_slice %arg4[%mul3A_2] : memref<320000xi32, #tpu.memory_space<hbm>> -> memref<10000xi32, #tpu.memory_space<hbm>>
      tpu.wait_dma2 semaphore(%run_scoped3A : memref<!tpu.dma_semaphore, #tpu.memory_space<semaphore_mem>>) src(%dma_wait3A_300 : memref<10000xi32, #tpu.memory_space<hbm>>) dst(%arg12 : memref<10000xi32, #tpu.memory_space<vmem>>)
      tpu.yield
    }) : () -> ()
    "tpu.region"() ({
      %run_scoped3A = tpu.sem_alloc : memref<!tpu.dma_semaphore, #tpu.memory_space<semaphore_mem>>
      %dma_start3A_297 = tpu.memref_slice %arg5[%mul3A_2] : memref<320000xi32, #tpu.memory_space<hbm>> -> memref<10000xi32, #tpu.memory_space<hbm>>
      %dma_start3A_298 = tpu.memref_slice %arg5[%mul3A_2] : memref<320000xi32, #tpu.memory_space<hbm>> -> memref<10000xi32, #tpu.memory_space<hbm>>
      tpu.enqueue_dma source(%dma_start3A_298 : memref<10000xi32, #tpu.memory_space<hbm>>) target(%arg13 : memref<10000xi32, #tpu.memory_space<vmem>>) target_semaphore(%run_scoped3A : memref<!tpu.dma_semaphore, #tpu.memory_space<semaphore_mem>>)
      %dma_wait3A_299 = tpu.memref_slice %arg5[%mul3A_2] : memref<320000xi32, #tpu.memory_space<hbm>> -> memref<10000xi32, #tpu.memory_space<hbm>>
      %dma_wait3A_300 = tpu.memref_slice %arg5[%mul3A_2] : memref<320000xi32, #tpu.memory_space<hbm>> -> memref<10000xi32, #tpu.memory_space<hbm>>
      tpu.wait_dma2 semaphore(%run_scoped3A : memref<!tpu.dma_semaphore, #tpu.memory_space<semaphore_mem>>) src(%dma_wait3A_300 : memref<10000xi32, #tpu.memory_space<hbm>>) dst(%arg13 : memref<10000xi32, #tpu.memory_space<vmem>>)
      tpu.yield
    }) : () -> ()
    %barrier3A = arith.constant 0 : index
    tpu.barrier barrier_id(%barrier3A)
    %multiple_of3A = arith.constant 0 : i32
    %multiple_of3A_51 = tpu.assume_multiple %multiple_of3A, 8 : i32
    %add3A_52 = arith.constant 0 : i32
    %add3A_53 = arith.addi %multiple_of3A_51, %add3A_52 : i32
    %get3A = arith.index_cast %add3A_53 : i32 to index
    %get3A_54 = tpu.vector_load %arg12[%get3A] {strides = array<i32>} : memref<10000xi32, #tpu.memory_space<vmem>>, vector<16xi32>,
    %get3A_55 = vector.shape_cast %get3A_54 : vector<16xi32> to vector<16xi32>
    %swap3A = arith.constant 0 : index
    %swap3A_56 = tpu.vector_load %arg14[%swap3A] {strides = array<i32>} : memref<80xi32, #tpu.memory_space<vmem>>, vector<16xi32>,
    %swap3A_57 = vector.shape_cast %swap3A_56 : vector<16xi32> to vector<16xi32>
    %swap3A_58 = vector.shape_cast %get3A_55 : vector<16xi32> to vector<16xi32>
    tpu.vector_store %arg14[%swap3A], %swap3A_58 {strides = array<i32>} : memref<80xi32, #tpu.memory_space<vmem>>, vector<16xi32>,
    %add3A_59 = arith.constant 0 : i32
    %add3A_60 = arith.addi %multiple_of3A_51, %add3A_59 : i32
    %get3A_61 = arith.index_cast %add3A_60 : i32 to index
    %get3A_62 = tpu.vector_load %arg13[%get3A_61] {strides = array<i32>} : memref<10000xi32, #tpu.memory_space<vmem>>, vector<16xi32>,
    %get3A_63 = vector.shape_cast %get3A_62 : vector<16xi32> to vector<16xi32>
    %swap3A_64 = arith.constant 0 : index
    %swap3A_65 = tpu.vector_load %arg15[%swap3A_64] {strides = array<i32>} : memref<80xi32, #tpu.memory_space<vmem>>, vector<16xi32>,
    %swap3A_66 = vector.shape_cast %swap3A_65 : vector<16xi32> to vector<16xi32>
    %swap3A_67 = vector.shape_cast %get3A_63 : vector<16xi32> to vector<16xi32>
    tpu.vector_store %arg15[%swap3A_64], %swap3A_67 {strides = array<i32>} : memref<80xi32, #tpu.memory_space<vmem>>, vector<16xi32>,
    %add3A_68 = arith.constant 16 : i32
    %add3A_69 = arith.addi %multiple_of3A_51, %add3A_68 : i32
    %get3A_70 = arith.index_cast %add3A_69 : i32 to index
    %get3A_71 = tpu.vector_load %arg12[%get3A_70] {strides = array<i32>} : memref<10000xi32, #tpu.memory_space<vmem>>, vector<16xi32>,
    %get3A_72 = vector.shape_cast %get3A_71 : vector<16xi32> to vector<16xi32>
    %swap3A_73 = arith.constant 16 : index
    %swap3A_74 = tpu.vector_load %arg14[%swap3A_73] {strides = array<i32>} : memref<80xi32, #tpu.memory_space<vmem>>, vector<16xi32>,
    %swap3A_75 = vector.shape_cast %swap3A_74 : vector<16xi32> to vector<16xi32>
    %swap3A_76 = vector.shape_cast %get3A_72 : vector<16xi32> to vector<16xi32>
    tpu.vector_store %arg14[%swap3A_73], %swap3A_76 {strides = array<i32>} : memref<80xi32, #tpu.memory_space<vmem>>, vector<16xi32>,
    %add3A_77 = arith.constant 16 : i32
    %add3A_78 = arith.addi %multiple_of3A_51, %add3A_77 : i32
    %get3A_79 = arith.index_cast %add3A_78 : i32 to index
    %get3A_80 = tpu.vector_load %arg13[%get3A_79] {strides = array<i32>} : memref<10000xi32, #tpu.memory_space<vmem>>, vector<16xi32>,
    %get3A_81 = vector.shape_cast %get3A_80 : vector<16xi32> to vector<16xi32>
    %swap3A_82 = arith.constant 16 : index
    %swap3A_83 = tpu.vector_load %arg15[%swap3A_82] {strides = array<i32>} : memref<80xi32, #tpu.memory_space<vmem>>, vector<16xi32>,
    %swap3A_84 = vector.shape_cast %swap3A_83 : vector<16xi32> to vector<16xi32>
    %swap3A_85 = vector.shape_cast %get3A_81 : vector<16xi32> to vector<16xi32>
    tpu.vector_store %arg15[%swap3A_82], %swap3A_85 {strides = array<i32>} : memref<80xi32, #tpu.memory_space<vmem>>, vector<16xi32>,
    %add3A_86 = arith.constant 32 : i32
    %add3A_87 = arith.addi %multiple_of3A_51, %add3A_86 : i32
    %get3A_88 = arith.index_cast %add3A_87 : i32 to index
    %get3A_89 = tpu.vector_load %arg12[%get3A_88] {strides = array<i32>} : memref<10000xi32, #tpu.memory_space<vmem>>, vector<16xi32>,
    %get3A_90 = vector.shape_cast %get3A_89 : vector<16xi32> to vector<16xi32>
    %swap3A_91 = arith.constant 32 : index
    %swap3A_92 = tpu.vector_load %arg14[%swap3A_91] {strides = array<i32>} : memref<80xi32, #tpu.memory_space<vmem>>, vector<16xi32>,
    %swap3A_93 = vector.shape_cast %swap3A_92 : vector<16xi32> to vector<16xi32>
    %swap3A_94 = vector.shape_cast %get3A_90 : vector<16xi32> to vector<16xi32>
    tpu.vector_store %arg14[%swap3A_91], %swap3A_94 {strides = array<i32>} : memref<80xi32, #tpu.memory_space<vmem>>, vector<16xi32>,
    %add3A_95 = arith.constant 32 : i32
    %add3A_96 = arith.addi %multiple_of3A_51, %add3A_95 : i32
    %get3A_97 = arith.index_cast %add3A_96 : i32 to index
    %get3A_98 = tpu.vector_load %arg13[%get3A_97] {strides = array<i32>} : memref<10000xi32, #tpu.memory_space<vmem>>, vector<16xi32>,
    %get3A_99 = vector.shape_cast %get3A_98 : vector<16xi32> to vector<16xi32>
    %swap3A_100 = arith.constant 32 : index
    %swap3A_101 = tpu.vector_load %arg15[%swap3A_100] {strides = array<i32>} : memref<80xi32, #tpu.memory_space<vmem>>, vector<16xi32>,
    %swap3A_102 = vector.shape_cast %swap3A_101 : vector<16xi32> to vector<16xi32>
    %swap3A_103 = vector.shape_cast %get3A_99 : vector<16xi32> to vector<16xi32>
    tpu.vector_store %arg15[%swap3A_100], %swap3A_103 {strides = array<i32>} : memref<80xi32, #tpu.memory_space<vmem>>, vector<16xi32>,
    %add3A_104 = arith.constant 48 : i32
    %add3A_105 = arith.addi %multiple_of3A_51, %add3A_104 : i32
    %get3A_106 = arith.index_cast %add3A_105 : i32 to index
    %get3A_107 = tpu.vector_load %arg12[%get3A_106] {strides = array<i32>} : memref<10000xi32, #tpu.memory_space<vmem>>, vector<16xi32>,
    %get3A_108 = vector.shape_cast %get3A_107 : vector<16xi32> to vector<16xi32>
    %swap3A_109 = arith.constant 48 : index
    %swap3A_110 = tpu.vector_load %arg14[%swap3A_109] {strides = array<i32>} : memref<80xi32, #tpu.memory_space<vmem>>, vector<16xi32>,
    %swap3A_111 = vector.shape_cast %swap3A_110 : vector<16xi32> to vector<16xi32>
    %swap3A_112 = vector.shape_cast %get3A_108 : vector<16xi32> to vector<16xi32>
    tpu.vector_store %arg14[%swap3A_109], %swap3A_112 {strides = array<i32>} : memref<80xi32, #tpu.memory_space<vmem>>, vector<16xi32>,
    %add3A_113 = arith.constant 48 : i32
    %add3A_114 = arith.addi %multiple_of3A_51, %add3A_113 : i32
    %get3A_115 = arith.index_cast %add3A_114 : i32 to index
    %get3A_116 = tpu.vector_load %arg13[%get3A_115] {strides = array<i32>} : memref<10000xi32, #tpu.memory_space<vmem>>, vector<16xi32>,
    %get3A_117 = vector.shape_cast %get3A_116 : vector<16xi32> to vector<16xi32>
    %swap3A_118 = arith.constant 48 : index
    %swap3A_119 = tpu.vector_load %arg15[%swap3A_118] {strides = array<i32>} : memref<80xi32, #tpu.memory_space<vmem>>, vector<16xi32>,
    %swap3A_120 = vector.shape_cast %swap3A_119 : vector<16xi32> to vector<16xi32>
    %swap3A_121 = vector.shape_cast %get3A_117 : vector<16xi32> to vector<16xi32>
    tpu.vector_store %arg15[%swap3A_118], %swap3A_121 {strides = array<i32>} : memref<80xi32, #tpu.memory_space<vmem>>, vector<16xi32>,
    %add3A_122 = arith.constant 64 : i32
    %add3A_123 = arith.addi %multiple_of3A_51, %add3A_122 : i32
    %get3A_124 = arith.index_cast %add3A_123 : i32 to index
    %get3A_125 = tpu.vector_load %arg12[%get3A_124] {strides = array<i32>} : memref<10000xi32, #tpu.memory_space<vmem>>, vector<16xi32>,
    %get3A_126 = vector.shape_cast %get3A_125 : vector<16xi32> to vector<16xi32>
    %swap3A_127 = arith.constant 64 : index
    %swap3A_128 = tpu.vector_load %arg14[%swap3A_127] {strides = array<i32>} : memref<80xi32, #tpu.memory_space<vmem>>, vector<16xi32>,
    %swap3A_129 = vector.shape_cast %swap3A_128 : vector<16xi32> to vector<16xi32>
    %swap3A_130 = vector.shape_cast %get3A_126 : vector<16xi32> to vector<16xi32>
    tpu.vector_store %arg14[%swap3A_127], %swap3A_130 {strides = array<i32>} : memref<80xi32, #tpu.memory_space<vmem>>, vector<16xi32>,
    %add3A_131 = arith.constant 64 : i32
    %add3A_132 = arith.addi %multiple_of3A_51, %add3A_131 : i32
    %get3A_133 = arith.index_cast %add3A_132 : i32 to index
    %get3A_134 = tpu.vector_load %arg13[%get3A_133] {strides = array<i32>} : memref<10000xi32, #tpu.memory_space<vmem>>, vector<16xi32>,
    %get3A_135 = vector.shape_cast %get3A_134 : vector<16xi32> to vector<16xi32>
    %swap3A_136 = arith.constant 64 : index
    %swap3A_137 = tpu.vector_load %arg15[%swap3A_136] {strides = array<i32>} : memref<80xi32, #tpu.memory_space<vmem>>, vector<16xi32>,
    %swap3A_138 = vector.shape_cast %swap3A_137 : vector<16xi32> to vector<16xi32>
    %swap3A_139 = vector.shape_cast %get3A_135 : vector<16xi32> to vector<16xi32>
    tpu.vector_store %arg15[%swap3A_136], %swap3A_139 {strides = array<i32>} : memref<80xi32, #tpu.memory_space<vmem>>, vector<16xi32>,
    %dma_start3A = arith.constant 0 : i32
    %dma_start3A_140 = arith.constant 0 : i32
    %dma_start3A_141 = tpu.memref_slice %arg2[%dma_start3A, %dma_start3A_140] : memref<10000x64xf32, #tpu.memory_space<hbm>> -> memref<10000x64xf32, #tpu.memory_space<hbm>>
    tpu.enqueue_indirect_dma source(%dma_start3A_141 : memref<10000x64xf32, #tpu.memory_space<hbm>>) target(%arg18 : memref<80x64xf32, #tpu.memory_space<vmem>>) offsets(%arg14 : memref<80xi32, #tpu.memory_space<vmem>>) semaphore(%arg24 : memref<!tpu.dma_semaphore, #tpu.memory_space<semaphore_mem>>)
    %scan3A_142 = arith.constant 0 : i32
    %scan3A_143 = arith.constant 0 : i32
    %scan3A_144 = arith.constant 62 : i32
    %scan3A_145 = arith.addi %scan3A_143, %scan3A_144 : i32
    %scan3A_146 = arith.constant 1 : i32
    scf.for %scan3A_297 = %scan3A_143 to %scan3A_145 step %scan3A_146  : i32 {
      %mul3A_298 = arith.constant 2 : i32
      %mul3A_299 = arith.muli %mul3A_298, %scan3A_297 : i32
      %add3A_300 = arith.constant 1 : i32
      %add3A_301 = arith.addi %mul3A_299, %add3A_300 : i32
      %mul3A_302 = arith.constant 80 : i32
      %mul3A_303 = arith.muli %add3A_301, %mul3A_302 : i32
      %multiple_of3A_304 = tpu.assume_multiple %mul3A_303, 8 : i32
      %add3A_305 = arith.constant 0 : i32
      %add3A_306 = arith.addi %multiple_of3A_304, %add3A_305 : i32
      %get3A_307 = arith.index_cast %add3A_306 : i32 to index
      %get3A_308 = tpu.vector_load %arg12[%get3A_307] {strides = array<i32>} : memref<10000xi32, #tpu.memory_space<vmem>>, vector<16xi32>,
      %get3A_309 = vector.shape_cast %get3A_308 : vector<16xi32> to vector<16xi32>
      %swap3A_310 = arith.constant 0 : index
      %swap3A_311 = tpu.vector_load %arg16[%swap3A_310] {strides = array<i32>} : memref<80xi32, #tpu.memory_space<vmem>>, vector<16xi32>,
      %swap3A_312 = vector.shape_cast %swap3A_311 : vector<16xi32> to vector<16xi32>
      %swap3A_313 = vector.shape_cast %get3A_309 : vector<16xi32> to vector<16xi32>
      tpu.vector_store %arg16[%swap3A_310], %swap3A_313 {strides = array<i32>} : memref<80xi32, #tpu.memory_space<vmem>>, vector<16xi32>,
      %add3A_314 = arith.constant 0 : i32
      %add3A_315 = arith.addi %multiple_of3A_304, %add3A_314 : i32
      %get3A_316 = arith.index_cast %add3A_315 : i32 to index
      %get3A_317 = tpu.vector_load %arg13[%get3A_316] {strides = array<i32>} : memref<10000xi32, #tpu.memory_space<vmem>>, vector<16xi32>,
      %get3A_318 = vector.shape_cast %get3A_317 : vector<16xi32> to vector<16xi32>
      %swap3A_319 = arith.constant 0 : index
      %swap3A_320 = tpu.vector_load %arg17[%swap3A_319] {strides = array<i32>} : memref<80xi32, #tpu.memory_space<vmem>>, vector<16xi32>,
      %swap3A_321 = vector.shape_cast %swap3A_320 : vector<16xi32> to vector<16xi32>
      %swap3A_322 = vector.shape_cast %get3A_318 : vector<16xi32> to vector<16xi32>
      tpu.vector_store %arg17[%swap3A_319], %swap3A_322 {strides = array<i32>} : memref<80xi32, #tpu.memory_space<vmem>>, vector<16xi32>,
      %add3A_323 = arith.constant 16 : i32
      %add3A_324 = arith.addi %multiple_of3A_304, %add3A_323 : i32
      %get3A_325 = arith.index_cast %add3A_324 : i32 to index
      %get3A_326 = tpu.vector_load %arg12[%get3A_325] {strides = array<i32>} : memref<10000xi32, #tpu.memory_space<vmem>>, vector<16xi32>,
      %get3A_327 = vector.shape_cast %get3A_326 : vector<16xi32> to vector<16xi32>
      %swap3A_328 = arith.constant 16 : index
      %swap3A_329 = tpu.vector_load %arg16[%swap3A_328] {strides = array<i32>} : memref<80xi32, #tpu.memory_space<vmem>>, vector<16xi32>,
      %swap3A_330 = vector.shape_cast %swap3A_329 : vector<16xi32> to vector<16xi32>
      %swap3A_331 = vector.shape_cast %get3A_327 : vector<16xi32> to vector<16xi32>
      tpu.vector_store %arg16[%swap3A_328], %swap3A_331 {strides = array<i32>} : memref<80xi32, #tpu.memory_space<vmem>>, vector<16xi32>,
      %add3A_332 = arith.constant 16 : i32
      %add3A_333 = arith.addi %multiple_of3A_304, %add3A_332 : i32
      %get3A_334 = arith.index_cast %add3A_333 : i32 to index
      %get3A_335 = tpu.vector_load %arg13[%get3A_334] {strides = array<i32>} : memref<10000xi32, #tpu.memory_space<vmem>>, vector<16xi32>,
      %get3A_336 = vector.shape_cast %get3A_335 : vector<16xi32> to vector<16xi32>
      %swap3A_337 = arith.constant 16 : index
      %swap3A_338 = tpu.vector_load %arg17[%swap3A_337] {strides = array<i32>} : memref<80xi32, #tpu.memory_space<vmem>>, vector<16xi32>,
      %swap3A_339 = vector.shape_cast %swap3A_338 : vector<16xi32> to vector<16xi32>
      %swap3A_340 = vector.shape_cast %get3A_336 : vector<16xi32> to vector<16xi32>
      tpu.vector_store %arg17[%swap3A_337], %swap3A_340 {strides = array<i32>} : memref<80xi32, #tpu.memory_space<vmem>>, vector<16xi32>,
      %add3A_341 = arith.constant 32 : i32
      %add3A_342 = arith.addi %multiple_of3A_304, %add3A_341 : i32
      %get3A_343 = arith.index_cast %add3A_342 : i32 to index
      %get3A_344 = tpu.vector_load %arg12[%get3A_343] {strides = array<i32>} : memref<10000xi32, #tpu.memory_space<vmem>>, vector<16xi32>,
      %get3A_345 = vector.shape_cast %get3A_344 : vector<16xi32> to vector<16xi32>
      %swap3A_346 = arith.constant 32 : index
      %swap3A_347 = tpu.vector_load %arg16[%swap3A_346] {strides = array<i32>} : memref<80xi32, #tpu.memory_space<vmem>>, vector<16xi32>,
      %swap3A_348 = vector.shape_cast %swap3A_347 : vector<16xi32> to vector<16xi32>
      %swap3A_349 = vector.shape_cast %get3A_345 : vector<16xi32> to vector<16xi32>
      tpu.vector_store %arg16[%swap3A_346], %swap3A_349 {strides = array<i32>} : memref<80xi32, #tpu.memory_space<vmem>>, vector<16xi32>,
      %add3A_350 = arith.constant 32 : i32
      %add3A_351 = arith.addi %multiple_of3A_304, %add3A_350 : i32
      %get3A_352 = arith.index_cast %add3A_351 : i32 to index
      %get3A_353 = tpu.vector_load %arg13[%get3A_352] {strides = array<i32>} : memref<10000xi32, #tpu.memory_space<vmem>>, vector<16xi32>,
      %get3A_354 = vector.shape_cast %get3A_353 : vector<16xi32> to vector<16xi32>
      %swap3A_355 = arith.constant 32 : index
      %swap3A_356 = tpu.vector_load %arg17[%swap3A_355] {strides = array<i32>} : memref<80xi32, #tpu.memory_space<vmem>>, vector<16xi32>,
      %swap3A_357 = vector.shape_cast %swap3A_356 : vector<16xi32> to vector<16xi32>
      %swap3A_358 = vector.shape_cast %get3A_354 : vector<16xi32> to vector<16xi32>
      tpu.vector_store %arg17[%swap3A_355], %swap3A_358 {strides = array<i32>} : memref<80xi32, #tpu.memory_space<vmem>>, vector<16xi32>,
      %add3A_359 = arith.constant 48 : i32
      %add3A_360 = arith.addi %multiple_of3A_304, %add3A_359 : i32
      %get3A_361 = arith.index_cast %add3A_360 : i32 to index
      %get3A_362 = tpu.vector_load %arg12[%get3A_361] {strides = array<i32>} : memref<10000xi32, #tpu.memory_space<vmem>>, vector<16xi32>,
      %get3A_363 = vector.shape_cast %get3A_362 : vector<16xi32> to vector<16xi32>
      %swap3A_364 = arith.constant 48 : index
      %swap3A_365 = tpu.vector_load %arg16[%swap3A_364] {strides = array<i32>} : memref<80xi32, #tpu.memory_space<vmem>>, vector<16xi32>,
      %swap3A_366 = vector.shape_cast %swap3A_365 : vector<16xi32> to vector<16xi32>
      %swap3A_367 = vector.shape_cast %get3A_363 : vector<16xi32> to vector<16xi32>
      tpu.vector_store %arg16[%swap3A_364], %swap3A_367 {strides = array<i32>} : memref<80xi32, #tpu.memory_space<vmem>>, vector<16xi32>,
      %add3A_368 = arith.constant 48 : i32
      %add3A_369 = arith.addi %multiple_of3A_304, %add3A_368 : i32
      %get3A_370 = arith.index_cast %add3A_369 : i32 to index
      %get3A_371 = tpu.vector_load %arg13[%get3A_370] {strides = array<i32>} : memref<10000xi32, #tpu.memory_space<vmem>>, vector<16xi32>,
      %get3A_372 = vector.shape_cast %get3A_371 : vector<16xi32> to vector<16xi32>
      %swap3A_373 = arith.constant 48 : index
      %swap3A_374 = tpu.vector_load %arg17[%swap3A_373] {strides = array<i32>} : memref<80xi32, #tpu.memory_space<vmem>>, vector<16xi32>,
      %swap3A_375 = vector.shape_cast %swap3A_374 : vector<16xi32> to vector<16xi32>
      %swap3A_376 = vector.shape_cast %get3A_372 : vector<16xi32> to vector<16xi32>
      tpu.vector_store %arg17[%swap3A_373], %swap3A_376 {strides = array<i32>} : memref<80xi32, #tpu.memory_space<vmem>>, vector<16xi32>,
      %add3A_377 = arith.constant 64 : i32
      %add3A_378 = arith.addi %multiple_of3A_304, %add3A_377 : i32
      %get3A_379 = arith.index_cast %add3A_378 : i32 to index
      %get3A_380 = tpu.vector_load %arg12[%get3A_379] {strides = array<i32>} : memref<10000xi32, #tpu.memory_space<vmem>>, vector<16xi32>,
      %get3A_381 = vector.shape_cast %get3A_380 : vector<16xi32> to vector<16xi32>
      %swap3A_382 = arith.constant 64 : index
      %swap3A_383 = tpu.vector_load %arg16[%swap3A_382] {strides = array<i32>} : memref<80xi32, #tpu.memory_space<vmem>>, vector<16xi32>,
      %swap3A_384 = vector.shape_cast %swap3A_383 : vector<16xi32> to vector<16xi32>
      %swap3A_385 = vector.shape_cast %get3A_381 : vector<16xi32> to vector<16xi32>
      tpu.vector_store %arg16[%swap3A_382], %swap3A_385 {strides = array<i32>} : memref<80xi32, #tpu.memory_space<vmem>>, vector<16xi32>,
      %add3A_386 = arith.constant 64 : i32
      %add3A_387 = arith.addi %multiple_of3A_304, %add3A_386 : i32
      %get3A_388 = arith.index_cast %add3A_387 : i32 to index
      %get3A_389 = tpu.vector_load %arg13[%get3A_388] {strides = array<i32>} : memref<10000xi32, #tpu.memory_space<vmem>>, vector<16xi32>,
      %get3A_390 = vector.shape_cast %get3A_389 : vector<16xi32> to vector<16xi32>
      %swap3A_391 = arith.constant 64 : index
      %swap3A_392 = tpu.vector_load %arg17[%swap3A_391] {strides = array<i32>} : memref<80xi32, #tpu.memory_space<vmem>>, vector<16xi32>,
      %swap3A_393 = vector.shape_cast %swap3A_392 : vector<16xi32> to vector<16xi32>
      %swap3A_394 = vector.shape_cast %get3A_390 : vector<16xi32> to vector<16xi32>
      tpu.vector_store %arg17[%swap3A_391], %swap3A_394 {strides = array<i32>} : memref<80xi32, #tpu.memory_space<vmem>>, vector<16xi32>,
      %dma_start3A_395 = arith.constant 0 : i32
      %dma_start3A_396 = arith.constant 0 : i32
      %dma_start3A_397 = tpu.memref_slice %arg2[%dma_start3A_395, %dma_start3A_396] : memref<10000x64xf32, #tpu.memory_space<hbm>> -> memref<10000x64xf32, #tpu.memory_space<hbm>>
      tpu.enqueue_indirect_dma source(%dma_start3A_397 : memref<10000x64xf32, #tpu.memory_space<hbm>>) target(%arg19 : memref<80x64xf32, #tpu.memory_space<vmem>>) offsets(%arg16 : memref<80xi32, #tpu.memory_space<vmem>>) semaphore(%arg25 : memref<!tpu.dma_semaphore, #tpu.memory_space<semaphore_mem>>)
      %dma_wait3A_398 = arith.constant 0 : i32
      %dma_wait3A_399 = arith.constant 0 : i32
      %dma_wait3A_400 = tpu.memref_slice %arg2[%dma_wait3A_398, %dma_wait3A_399] : memref<10000x64xf32, #tpu.memory_space<hbm>> -> memref<10000x64xf32, #tpu.memory_space<hbm>>
      tpu.wait_indirect_dma semaphore(%arg24 : memref<!tpu.dma_semaphore, #tpu.memory_space<semaphore_mem>>) src(%dma_wait3A_400 : memref<10000x64xf32, #tpu.memory_space<hbm>>) dst(%arg18 : memref<80x64xf32, #tpu.memory_space<vmem>>)
      "tpu.region"() ({
        %run_scoped3A = tpu.sem_alloc : memref<!tpu.dma_semaphore, #tpu.memory_space<semaphore_mem>>
        %dma_start3A_502 = arith.constant 0 : i32
        %dma_start3A_503 = arith.constant 0 : i32
        %dma_start3A_504 = tpu.memref_slice %arg22[%dma_start3A_502, %dma_start3A_503] : memref<10240x64xf32, #tpu.memory_space<vmem_shared>> -> memref<10240x64xf32, #tpu.memory_space<vmem_shared>>
        tpu.enqueue_indirect_dma source(%arg18 : memref<80x64xf32, #tpu.memory_space<vmem>>) target(%dma_start3A_504 : memref<10240x64xf32, #tpu.memory_space<vmem_shared>>) offsets(%arg15 : memref<80xi32, #tpu.memory_space<vmem>>) semaphore(%run_scoped3A : memref<!tpu.dma_semaphore, #tpu.memory_space<semaphore_mem>>) {add = true}
        %dma_wait3A_505 = arith.constant 0 : i32
        %dma_wait3A_506 = arith.constant 0 : i32
        %dma_wait3A_507 = tpu.memref_slice %arg22[%dma_wait3A_505, %dma_wait3A_506] : memref<10240x64xf32, #tpu.memory_space<vmem_shared>> -> memref<10240x64xf32, #tpu.memory_space<vmem_shared>>
        tpu.wait_indirect_dma semaphore(%run_scoped3A : memref<!tpu.dma_semaphore, #tpu.memory_space<semaphore_mem>>) src(%arg18 : memref<80x64xf32, #tpu.memory_space<vmem>>) dst(%dma_wait3A_507 : memref<10240x64xf32, #tpu.memory_space<vmem_shared>>)
        tpu.yield
      }) : () -> ()
      "tpu.region"() ({
        %run_scoped3A = tpu.sem_alloc : memref<!tpu.dma_semaphore, #tpu.memory_space<semaphore_mem>>
        %dma_start3A_502 = arith.constant 0 : i32
        %dma_start3A_503 = arith.constant 0 : i32
        %dma_start3A_504 = tpu.memref_slice %arg23[%dma_start3A_502, %dma_start3A_503] : memref<10240x16xf32, #tpu.memory_space<vmem_shared>> -> memref<10240x16xf32, #tpu.memory_space<vmem_shared>>
        tpu.enqueue_indirect_dma source(%arg20 : memref<80x16xf32, #tpu.memory_space<vmem>>) target(%dma_start3A_504 : memref<10240x16xf32, #tpu.memory_space<vmem_shared>>) offsets(%arg15 : memref<80xi32, #tpu.memory_space<vmem>>) semaphore(%run_scoped3A : memref<!tpu.dma_semaphore, #tpu.memory_space<semaphore_mem>>) {add = true}
        %dma_wait3A_505 = arith.constant 0 : i32
        %dma_wait3A_506 = arith.constant 0 : i32
        %dma_wait3A_507 = tpu.memref_slice %arg23[%dma_wait3A_505, %dma_wait3A_506] : memref<10240x16xf32, #tpu.memory_space<vmem_shared>> -> memref<10240x16xf32, #tpu.memory_space<vmem_shared>>
        tpu.wait_indirect_dma semaphore(%run_scoped3A : memref<!tpu.dma_semaphore, #tpu.memory_space<semaphore_mem>>) src(%arg20 : memref<80x16xf32, #tpu.memory_space<vmem>>) dst(%dma_wait3A_507 : memref<10240x16xf32, #tpu.memory_space<vmem_shared>>)
        tpu.yield
      }) : () -> ()
      %add3A_401 = arith.constant 2 : i32
      %add3A_402 = arith.addi %mul3A_299, %add3A_401 : i32
      %mul3A_403 = arith.constant 80 : i32
      %mul3A_404 = arith.muli %add3A_402, %mul3A_403 : i32
      %multiple_of3A_405 = tpu.assume_multiple %mul3A_404, 8 : i32
      %add3A_406 = arith.constant 0 : i32
      %add3A_407 = arith.addi %multiple_of3A_405, %add3A_406 : i32
      %get3A_408 = arith.index_cast %add3A_407 : i32 to index
      %get3A_409 = tpu.vector_load %arg12[%get3A_408] {strides = array<i32>} : memref<10000xi32, #tpu.memory_space<vmem>>, vector<16xi32>,
      %get3A_410 = vector.shape_cast %get3A_409 : vector<16xi32> to vector<16xi32>
      %swap3A_411 = arith.constant 0 : index
      %swap3A_412 = tpu.vector_load %arg14[%swap3A_411] {strides = array<i32>} : memref<80xi32, #tpu.memory_space<vmem>>, vector<16xi32>,
      %swap3A_413 = vector.shape_cast %swap3A_412 : vector<16xi32> to vector<16xi32>
      %swap3A_414 = vector.shape_cast %get3A_410 : vector<16xi32> to vector<16xi32>
      tpu.vector_store %arg14[%swap3A_411], %swap3A_414 {strides = array<i32>} : memref<80xi32, #tpu.memory_space<vmem>>, vector<16xi32>,
      %add3A_415 = arith.constant 0 : i32
      %add3A_416 = arith.addi %multiple_of3A_405, %add3A_415 : i32
      %get3A_417 = arith.index_cast %add3A_416 : i32 to index
      %get3A_418 = tpu.vector_load %arg13[%get3A_417] {strides = array<i32>} : memref<10000xi32, #tpu.memory_space<vmem>>, vector<16xi32>,
      %get3A_419 = vector.shape_cast %get3A_418 : vector<16xi32> to vector<16xi32>
      %swap3A_420 = arith.constant 0 : index
      %swap3A_421 = tpu.vector_load %arg15[%swap3A_420] {strides = array<i32>} : memref<80xi32, #tpu.memory_space<vmem>>, vector<16xi32>,
      %swap3A_422 = vector.shape_cast %swap3A_421 : vector<16xi32> to vector<16xi32>
      %swap3A_423 = vector.shape_cast %get3A_419 : vector<16xi32> to vector<16xi32>
      tpu.vector_store %arg15[%swap3A_420], %swap3A_423 {strides = array<i32>} : memref<80xi32, #tpu.memory_space<vmem>>, vector<16xi32>,
      %add3A_424 = arith.constant 16 : i32
      %add3A_425 = arith.addi %multiple_of3A_405, %add3A_424 : i32
      %get3A_426 = arith.index_cast %add3A_425 : i32 to index
      %get3A_427 = tpu.vector_load %arg12[%get3A_426] {strides = array<i32>} : memref<10000xi32, #tpu.memory_space<vmem>>, vector<16xi32>,
      %get3A_428 = vector.shape_cast %get3A_427 : vector<16xi32> to vector<16xi32>
      %swap3A_429 = arith.constant 16 : index
      %swap3A_430 = tpu.vector_load %arg14[%swap3A_429] {strides = array<i32>} : memref<80xi32, #tpu.memory_space<vmem>>, vector<16xi32>,
      %swap3A_431 = vector.shape_cast %swap3A_430 : vector<16xi32> to vector<16xi32>
      %swap3A_432 = vector.shape_cast %get3A_428 : vector<16xi32> to vector<16xi32>
      tpu.vector_store %arg14[%swap3A_429], %swap3A_432 {strides = array<i32>} : memref<80xi32, #tpu.memory_space<vmem>>, vector<16xi32>,
      %add3A_433 = arith.constant 16 : i32
      %add3A_434 = arith.addi %multiple_of3A_405, %add3A_433 : i32
      %get3A_435 = arith.index_cast %add3A_434 : i32 to index
      %get3A_436 = tpu.vector_load %arg13[%get3A_435] {strides = array<i32>} : memref<10000xi32, #tpu.memory_space<vmem>>, vector<16xi32>,
      %get3A_437 = vector.shape_cast %get3A_436 : vector<16xi32> to vector<16xi32>
      %swap3A_438 = arith.constant 16 : index
      %swap3A_439 = tpu.vector_load %arg15[%swap3A_438] {strides = array<i32>} : memref<80xi32, #tpu.memory_space<vmem>>, vector<16xi32>,
      %swap3A_440 = vector.shape_cast %swap3A_439 : vector<16xi32> to vector<16xi32>
      %swap3A_441 = vector.shape_cast %get3A_437 : vector<16xi32> to vector<16xi32>
      tpu.vector_store %arg15[%swap3A_438], %swap3A_441 {strides = array<i32>} : memref<80xi32, #tpu.memory_space<vmem>>, vector<16xi32>,
      %add3A_442 = arith.constant 32 : i32
      %add3A_443 = arith.addi %multiple_of3A_405, %add3A_442 : i32
      %get3A_444 = arith.index_cast %add3A_443 : i32 to index
      %get3A_445 = tpu.vector_load %arg12[%get3A_444] {strides = array<i32>} : memref<10000xi32, #tpu.memory_space<vmem>>, vector<16xi32>,
      %get3A_446 = vector.shape_cast %get3A_445 : vector<16xi32> to vector<16xi32>
      %swap3A_447 = arith.constant 32 : index
      %swap3A_448 = tpu.vector_load %arg14[%swap3A_447] {strides = array<i32>} : memref<80xi32, #tpu.memory_space<vmem>>, vector<16xi32>,
      %swap3A_449 = vector.shape_cast %swap3A_448 : vector<16xi32> to vector<16xi32>
      %swap3A_450 = vector.shape_cast %get3A_446 : vector<16xi32> to vector<16xi32>
      tpu.vector_store %arg14[%swap3A_447], %swap3A_450 {strides = array<i32>} : memref<80xi32, #tpu.memory_space<vmem>>, vector<16xi32>,
      %add3A_451 = arith.constant 32 : i32
      %add3A_452 = arith.addi %multiple_of3A_405, %add3A_451 : i32
      %get3A_453 = arith.index_cast %add3A_452 : i32 to index
      %get3A_454 = tpu.vector_load %arg13[%get3A_453] {strides = array<i32>} : memref<10000xi32, #tpu.memory_space<vmem>>, vector<16xi32>,
      %get3A_455 = vector.shape_cast %get3A_454 : vector<16xi32> to vector<16xi32>
      %swap3A_456 = arith.constant 32 : index
      %swap3A_457 = tpu.vector_load %arg15[%swap3A_456] {strides = array<i32>} : memref<80xi32, #tpu.memory_space<vmem>>, vector<16xi32>,
      %swap3A_458 = vector.shape_cast %swap3A_457 : vector<16xi32> to vector<16xi32>
      %swap3A_459 = vector.shape_cast %get3A_455 : vector<16xi32> to vector<16xi32>
      tpu.vector_store %arg15[%swap3A_456], %swap3A_459 {strides = array<i32>} : memref<80xi32, #tpu.memory_space<vmem>>, vector<16xi32>,
      %add3A_460 = arith.constant 48 : i32
      %add3A_461 = arith.addi %multiple_of3A_405, %add3A_460 : i32
      %get3A_462 = arith.index_cast %add3A_461 : i32 to index
      %get3A_463 = tpu.vector_load %arg12[%get3A_462] {strides = array<i32>} : memref<10000xi32, #tpu.memory_space<vmem>>, vector<16xi32>,
      %get3A_464 = vector.shape_cast %get3A_463 : vector<16xi32> to vector<16xi32>
      %swap3A_465 = arith.constant 48 : index
      %swap3A_466 = tpu.vector_load %arg14[%swap3A_465] {strides = array<i32>} : memref<80xi32, #tpu.memory_space<vmem>>, vector<16xi32>,
      %swap3A_467 = vector.shape_cast %swap3A_466 : vector<16xi32> to vector<16xi32>
      %swap3A_468 = vector.shape_cast %get3A_464 : vector<16xi32> to vector<16xi32>
      tpu.vector_store %arg14[%swap3A_465], %swap3A_468 {strides = array<i32>} : memref<80xi32, #tpu.memory_space<vmem>>, vector<16xi32>,
      %add3A_469 = arith.constant 48 : i32
      %add3A_470 = arith.addi %multiple_of3A_405, %add3A_469 : i32
      %get3A_471 = arith.index_cast %add3A_470 : i32 to index
      %get3A_472 = tpu.vector_load %arg13[%get3A_471] {strides = array<i32>} : memref<10000xi32, #tpu.memory_space<vmem>>, vector<16xi32>,
      %get3A_473 = vector.shape_cast %get3A_472 : vector<16xi32> to vector<16xi32>
      %swap3A_474 = arith.constant 48 : index
      %swap3A_475 = tpu.vector_load %arg15[%swap3A_474] {strides = array<i32>} : memref<80xi32, #tpu.memory_space<vmem>>, vector<16xi32>,
      %swap3A_476 = vector.shape_cast %swap3A_475 : vector<16xi32> to vector<16xi32>
      %swap3A_477 = vector.shape_cast %get3A_473 : vector<16xi32> to vector<16xi32>
      tpu.vector_store %arg15[%swap3A_474], %swap3A_477 {strides = array<i32>} : memref<80xi32, #tpu.memory_space<vmem>>, vector<16xi32>,
      %add3A_478 = arith.constant 64 : i32
      %add3A_479 = arith.addi %multiple_of3A_405, %add3A_478 : i32
      %get3A_480 = arith.index_cast %add3A_479 : i32 to index
      %get3A_481 = tpu.vector_load %arg12[%get3A_480] {strides = array<i32>} : memref<10000xi32, #tpu.memory_space<vmem>>, vector<16xi32>,
      %get3A_482 = vector.shape_cast %get3A_481 : vector<16xi32> to vector<16xi32>
      %swap3A_483 = arith.constant 64 : index
      %swap3A_484 = tpu.vector_load %arg14[%swap3A_483] {strides = array<i32>} : memref<80xi32, #tpu.memory_space<vmem>>, vector<16xi32>,
      %swap3A_485 = vector.shape_cast %swap3A_484 : vector<16xi32> to vector<16xi32>
      %swap3A_486 = vector.shape_cast %get3A_482 : vector<16xi32> to vector<16xi32>
      tpu.vector_store %arg14[%swap3A_483], %swap3A_486 {strides = array<i32>} : memref<80xi32, #tpu.memory_space<vmem>>, vector<16xi32>,
      %add3A_487 = arith.constant 64 : i32
      %add3A_488 = arith.addi %multiple_of3A_405, %add3A_487 : i32
      %get3A_489 = arith.index_cast %add3A_488 : i32 to index
      %get3A_490 = tpu.vector_load %arg13[%get3A_489] {strides = array<i32>} : memref<10000xi32, #tpu.memory_space<vmem>>, vector<16xi32>,
      %get3A_491 = vector.shape_cast %get3A_490 : vector<16xi32> to vector<16xi32>
      %swap3A_492 = arith.constant 64 : index
      %swap3A_493 = tpu.vector_load %arg15[%swap3A_492] {strides = array<i32>} : memref<80xi32, #tpu.memory_space<vmem>>, vector<16xi32>,
      %swap3A_494 = vector.shape_cast %swap3A_493 : vector<16xi32> to vector<16xi32>
      %swap3A_495 = vector.shape_cast %get3A_491 : vector<16xi32> to vector<16xi32>
      tpu.vector_store %arg15[%swap3A_492], %swap3A_495 {strides = array<i32>} : memref<80xi32, #tpu.memory_space<vmem>>, vector<16xi32>,
      %dma_start3A_496 = arith.constant 0 : i32
      %dma_start3A_497 = arith.constant 0 : i32
      %dma_start3A_498 = tpu.memref_slice %arg2[%dma_start3A_496, %dma_start3A_497] : memref<10000x64xf32, #tpu.memory_space<hbm>> -> memref<10000x64xf32, #tpu.memory_space<hbm>>
      tpu.enqueue_indirect_dma source(%dma_start3A_498 : memref<10000x64xf32, #tpu.memory_space<hbm>>) target(%arg18 : memref<80x64xf32, #tpu.memory_space<vmem>>) offsets(%arg14 : memref<80xi32, #tpu.memory_space<vmem>>) semaphore(%arg24 : memref<!tpu.dma_semaphore, #tpu.memory_space<semaphore_mem>>)
      %dma_wait3A_499 = arith.constant 0 : i32
      %dma_wait3A_500 = arith.constant 0 : i32
      %dma_wait3A_501 = tpu.memref_slice %arg2[%dma_wait3A_499, %dma_wait3A_500] : memref<10000x64xf32, #tpu.memory_space<hbm>> -> memref<10000x64xf32, #tpu.memory_space<hbm>>
      tpu.wait_indirect_dma semaphore(%arg25 : memref<!tpu.dma_semaphore, #tpu.memory_space<semaphore_mem>>) src(%dma_wait3A_501 : memref<10000x64xf32, #tpu.memory_space<hbm>>) dst(%arg19 : memref<80x64xf32, #tpu.memory_space<vmem>>)
      "tpu.region"() ({
        %run_scoped3A = tpu.sem_alloc : memref<!tpu.dma_semaphore, #tpu.memory_space<semaphore_mem>>
        %dma_start3A_502 = arith.constant 0 : i32
        %dma_start3A_503 = arith.constant 0 : i32
        %dma_start3A_504 = tpu.memref_slice %arg22[%dma_start3A_502, %dma_start3A_503] : memref<10240x64xf32, #tpu.memory_space<vmem_shared>> -> memref<10240x64xf32, #tpu.memory_space<vmem_shared>>
        tpu.enqueue_indirect_dma source(%arg19 : memref<80x64xf32, #tpu.memory_space<vmem>>) target(%dma_start3A_504 : memref<10240x64xf32, #tpu.memory_space<vmem_shared>>) offsets(%arg17 : memref<80xi32, #tpu.memory_space<vmem>>) semaphore(%run_scoped3A : memref<!tpu.dma_semaphore, #tpu.memory_space<semaphore_mem>>) {add = true}
        %dma_wait3A_505 = arith.constant 0 : i32
        %dma_wait3A_506 = arith.constant 0 : i32
        %dma_wait3A_507 = tpu.memref_slice %arg22[%dma_wait3A_505, %dma_wait3A_506] : memref<10240x64xf32, #tpu.memory_space<vmem_shared>> -> memref<10240x64xf32, #tpu.memory_space<vmem_shared>>
        tpu.wait_indirect_dma semaphore(%run_scoped3A : memref<!tpu.dma_semaphore, #tpu.memory_space<semaphore_mem>>) src(%arg19 : memref<80x64xf32, #tpu.memory_space<vmem>>) dst(%dma_wait3A_507 : memref<10240x64xf32, #tpu.memory_space<vmem_shared>>)
        tpu.yield
      }) : () -> ()
      "tpu.region"() ({
        %run_scoped3A = tpu.sem_alloc : memref<!tpu.dma_semaphore, #tpu.memory_space<semaphore_mem>>
        %dma_start3A_502 = arith.constant 0 : i32
        %dma_start3A_503 = arith.constant 0 : i32
        %dma_start3A_504 = tpu.memref_slice %arg23[%dma_start3A_502, %dma_start3A_503] : memref<10240x16xf32, #tpu.memory_space<vmem_shared>> -> memref<10240x16xf32, #tpu.memory_space<vmem_shared>>
        tpu.enqueue_indirect_dma source(%arg20 : memref<80x16xf32, #tpu.memory_space<vmem>>) target(%dma_start3A_504 : memref<10240x16xf32, #tpu.memory_space<vmem_shared>>) offsets(%arg17 : memref<80xi32, #tpu.memory_space<vmem>>) semaphore(%run_scoped3A : memref<!tpu.dma_semaphore, #tpu.memory_space<semaphore_mem>>) {add = true}
        %dma_wait3A_505 = arith.constant 0 : i32
        %dma_wait3A_506 = arith.constant 0 : i32
        %dma_wait3A_507 = tpu.memref_slice %arg23[%dma_wait3A_505, %dma_wait3A_506] : memref<10240x16xf32, #tpu.memory_space<vmem_shared>> -> memref<10240x16xf32, #tpu.memory_space<vmem_shared>>
        tpu.wait_indirect_dma semaphore(%run_scoped3A : memref<!tpu.dma_semaphore, #tpu.memory_space<semaphore_mem>>) src(%arg20 : memref<80x16xf32, #tpu.memory_space<vmem>>) dst(%dma_wait3A_507 : memref<10240x16xf32, #tpu.memory_space<vmem_shared>>)
        tpu.yield
      }) : () -> ()
    }
    %scan3A_147 = arith.constant 62 : i32
    %dma_wait3A = arith.constant 0 : i32
    %dma_wait3A_148 = arith.constant 0 : i32
    %dma_wait3A_149 = tpu.memref_slice %arg2[%dma_wait3A, %dma_wait3A_148] : memref<10000x64xf32, #tpu.memory_space<hbm>> -> memref<10000x64xf32, #tpu.memory_space<hbm>>
    tpu.wait_indirect_dma semaphore(%arg24 : memref<!tpu.dma_semaphore, #tpu.memory_space<semaphore_mem>>) src(%dma_wait3A_149 : memref<10000x64xf32, #tpu.memory_space<hbm>>) dst(%arg18 : memref<80x64xf32, #tpu.memory_space<vmem>>)
    "tpu.region"() ({
      %run_scoped3A = tpu.sem_alloc : memref<!tpu.dma_semaphore, #tpu.memory_space<semaphore_mem>>
      %dma_start3A_297 = arith.constant 0 : i32
      %dma_start3A_298 = arith.constant 0 : i32
      %dma_start3A_299 = tpu.memref_slice %arg22[%dma_start3A_297, %dma_start3A_298] : memref<10240x64xf32, #tpu.memory_space<vmem_shared>> -> memref<10240x64xf32, #tpu.memory_space<vmem_shared>>
      tpu.enqueue_indirect_dma source(%arg18 : memref<80x64xf32, #tpu.memory_space<vmem>>) target(%dma_start3A_299 : memref<10240x64xf32, #tpu.memory_space<vmem_shared>>) offsets(%arg15 : memref<80xi32, #tpu.memory_space<vmem>>) semaphore(%run_scoped3A : memref<!tpu.dma_semaphore, #tpu.memory_space<semaphore_mem>>) {add = true}
      %dma_wait3A_300 = arith.constant 0 : i32
      %dma_wait3A_301 = arith.constant 0 : i32
      %dma_wait3A_302 = tpu.memref_slice %arg22[%dma_wait3A_300, %dma_wait3A_301] : memref<10240x64xf32, #tpu.memory_space<vmem_shared>> -> memref<10240x64xf32, #tpu.memory_space<vmem_shared>>
      tpu.wait_indirect_dma semaphore(%run_scoped3A : memref<!tpu.dma_semaphore, #tpu.memory_space<semaphore_mem>>) src(%arg18 : memref<80x64xf32, #tpu.memory_space<vmem>>) dst(%dma_wait3A_302 : memref<10240x64xf32, #tpu.memory_space<vmem_shared>>)
      tpu.yield
    }) : () -> ()
    "tpu.region"() ({
      %run_scoped3A = tpu.sem_alloc : memref<!tpu.dma_semaphore, #tpu.memory_space<semaphore_mem>>
      %dma_start3A_297 = arith.constant 0 : i32
      %dma_start3A_298 = arith.constant 0 : i32
      %dma_start3A_299 = tpu.memref_slice %arg23[%dma_start3A_297, %dma_start3A_298] : memref<10240x16xf32, #tpu.memory_space<vmem_shared>> -> memref<10240x16xf32, #tpu.memory_space<vmem_shared>>
      tpu.enqueue_indirect_dma source(%arg20 : memref<80x16xf32, #tpu.memory_space<vmem>>) target(%dma_start3A_299 : memref<10240x16xf32, #tpu.memory_space<vmem_shared>>) offsets(%arg15 : memref<80xi32, #tpu.memory_space<vmem>>) semaphore(%run_scoped3A : memref<!tpu.dma_semaphore, #tpu.memory_space<semaphore_mem>>) {add = true}
      %dma_wait3A_300 = arith.constant 0 : i32
      %dma_wait3A_301 = arith.constant 0 : i32
      %dma_wait3A_302 = tpu.memref_slice %arg23[%dma_wait3A_300, %dma_wait3A_301] : memref<10240x16xf32, #tpu.memory_space<vmem_shared>> -> memref<10240x16xf32, #tpu.memory_space<vmem_shared>>
      tpu.wait_indirect_dma semaphore(%run_scoped3A : memref<!tpu.dma_semaphore, #tpu.memory_space<semaphore_mem>>) src(%arg20 : memref<80x16xf32, #tpu.memory_space<vmem>>) dst(%dma_wait3A_302 : memref<10240x16xf32, #tpu.memory_space<vmem_shared>>)
      tpu.yield
    }) : () -> ()
    %barrier3A_150 = arith.constant 0 : index
    tpu.barrier barrier_id(%barrier3A_150)
    "tpu.region"() ({
      %run_scoped3A = tpu.sem_alloc : memref<!tpu.dma_semaphore, #tpu.memory_space<semaphore_mem>>
      %dma_start3A_297 = arith.constant 0 : i32
      %dma_start3A_298 = tpu.memref_slice %arg8[%arg0, %mul3A_4, %dma_start3A_297] : memref<2x10240x64xf32, #tpu.memory_space<hbm>> -> memref<1x640x64xf32, #tpu.memory_space<hbm>>
      %dma_start3A_299 = tpu.memref_squeeze %dma_start3A_298 : memref<1x640x64xf32, #tpu.memory_space<hbm>> -> memref<640x64xf32, #tpu.memory_space<hbm>>
      %dma_start3A_300 = arith.constant 0 : i32
      %dma_start3A_301 = tpu.memref_slice %arg22[%mul3A_4, %dma_start3A_300] : memref<10240x64xf32, #tpu.memory_space<vmem_shared>> -> memref<640x64xf32, #tpu.memory_space<vmem_shared>>
      tpu.enqueue_dma source(%dma_start3A_301 : memref<640x64xf32, #tpu.memory_space<vmem_shared>>) target(%dma_start3A_299 : memref<640x64xf32, #tpu.memory_space<hbm>>) target_semaphore(%run_scoped3A : memref<!tpu.dma_semaphore, #tpu.memory_space<semaphore_mem>>)
      %dma_wait3A_302 = arith.constant 0 : i32
      %dma_wait3A_303 = tpu.memref_slice %arg8[%arg0, %mul3A_4, %dma_wait3A_302] : memref<2x10240x64xf32, #tpu.memory_space<hbm>> -> memref<1x640x64xf32, #tpu.memory_space<hbm>>
      %dma_wait3A_304 = tpu.memref_squeeze %dma_wait3A_303 : memref<1x640x64xf32, #tpu.memory_space<hbm>> -> memref<640x64xf32, #tpu.memory_space<hbm>>
      %dma_wait3A_305 = arith.constant 0 : i32
      %dma_wait3A_306 = tpu.memref_slice %arg22[%mul3A_4, %dma_wait3A_305] : memref<10240x64xf32, #tpu.memory_space<vmem_shared>> -> memref<640x64xf32, #tpu.memory_space<vmem_shared>>
      tpu.wait_dma2 semaphore(%run_scoped3A : memref<!tpu.dma_semaphore, #tpu.memory_space<semaphore_mem>>) src(%dma_wait3A_306 : memref<640x64xf32, #tpu.memory_space<vmem_shared>>) dst(%dma_wait3A_304 : memref<640x64xf32, #tpu.memory_space<hbm>>)
      tpu.yield
    }) : () -> ()
    "tpu.region"() ({
      %run_scoped3A = tpu.sem_alloc : memref<!tpu.dma_semaphore, #tpu.memory_space<semaphore_mem>>
      %dma_start3A_297 = arith.constant 0 : i32
      %dma_start3A_298 = tpu.memref_slice %arg9[%arg0, %mul3A_4, %dma_start3A_297] : memref<2x10240x16xf32, #tpu.memory_space<hbm>> -> memref<1x640x16xf32, #tpu.memory_space<hbm>>
      %dma_start3A_299 = tpu.memref_squeeze %dma_start3A_298 : memref<1x640x16xf32, #tpu.memory_space<hbm>> -> memref<640x16xf32, #tpu.memory_space<hbm>>
      %dma_start3A_300 = arith.constant 0 : i32
      %dma_start3A_301 = tpu.memref_slice %arg23[%mul3A_4, %dma_start3A_300] : memref<10240x16xf32, #tpu.memory_space<vmem_shared>> -> memref<640x16xf32, #tpu.memory_space<vmem_shared>>
      tpu.enqueue_dma source(%dma_start3A_301 : memref<640x16xf32, #tpu.memory_space<vmem_shared>>) target(%dma_start3A_299 : memref<640x16xf32, #tpu.memory_space<hbm>>) target_semaphore(%run_scoped3A : memref<!tpu.dma_semaphore, #tpu.memory_space<semaphore_mem>>)
      %dma_wait3A_302 = arith.constant 0 : i32
      %dma_wait3A_303 = tpu.memref_slice %arg9[%arg0, %mul3A_4, %dma_wait3A_302] : memref<2x10240x16xf32, #tpu.memory_space<hbm>> -> memref<1x640x16xf32, #tpu.memory_space<hbm>>
      %dma_wait3A_304 = tpu.memref_squeeze %dma_wait3A_303 : memref<1x640x16xf32, #tpu.memory_space<hbm>> -> memref<640x16xf32, #tpu.memory_space<hbm>>
      %dma_wait3A_305 = arith.constant 0 : i32
      %dma_wait3A_306 = tpu.memref_slice %arg23[%mul3A_4, %dma_wait3A_305] : memref<10240x16xf32, #tpu.memory_space<vmem_shared>> -> memref<640x16xf32, #tpu.memory_space<vmem_shared>>
      tpu.wait_dma2 semaphore(%run_scoped3A : memref<!tpu.dma_semaphore, #tpu.memory_space<semaphore_mem>>) src(%dma_wait3A_306 : memref<640x16xf32, #tpu.memory_space<vmem_shared>>) dst(%dma_wait3A_304 : memref<640x16xf32, #tpu.memory_space<hbm>>)
      tpu.yield
    }) : () -> ()
    %barrier3A_151 = arith.constant 0 : index
    tpu.barrier barrier_id(%barrier3A_151)
    %scan3A_152 = arith.constant 0 : i32
    %scan3A_153 = arith.constant 0 : i32
    %scan3A_154 = arith.constant 80 : i32
    %scan3A_155 = arith.addi %scan3A_153, %scan3A_154 : i32
    %scan3A_156 = arith.constant 1 : i32
    scf.for %scan3A_297 = %scan3A_153 to %scan3A_155 step %scan3A_156  : i32 {
      %swap3A_298 = arith.index_cast %scan3A_297 : i32 to index
      %swap3A_299 = arith.constant 0 : index
      %swap3A_300 = tpu.vector_load %arg18[%swap3A_298, %swap3A_299] {strides = array<i32>} : memref<80x64xf32, #tpu.memory_space<vmem>>, vector<1x16xf32>,
      %swap3A_301 = vector.shape_cast %swap3A_300 : vector<1x16xf32> to vector<16xf32>
      %swap3A_302 = vector.shape_cast %broadcast_in_dim3A_5 : vector<16xf32> to vector<1x16xf32>
      tpu.vector_store %arg18[%swap3A_298, %swap3A_299], %swap3A_302 {strides = array<i32>} : memref<80x64xf32, #tpu.memory_space<vmem>>, vector<1x16xf32>,
      %swap3A_303 = arith.index_cast %scan3A_297 : i32 to index
      %swap3A_304 = arith.constant 16 : index
      %swap3A_305 = tpu.vector_load %arg18[%swap3A_303, %swap3A_304] {strides = array<i32>} : memref<80x64xf32, #tpu.memory_space<vmem>>, vector<1x16xf32>,
      %swap3A_306 = vector.shape_cast %swap3A_305 : vector<1x16xf32> to vector<16xf32>
      %swap3A_307 = vector.shape_cast %broadcast_in_dim3A_5 : vector<16xf32> to vector<1x16xf32>
      tpu.vector_store %arg18[%swap3A_303, %swap3A_304], %swap3A_307 {strides = array<i32>} : memref<80x64xf32, #tpu.memory_space<vmem>>, vector<1x16xf32>,
      %swap3A_308 = arith.index_cast %scan3A_297 : i32 to index
      %swap3A_309 = arith.constant 32 : index
      %swap3A_310 = tpu.vector_load %arg18[%swap3A_308, %swap3A_309] {strides = array<i32>} : memref<80x64xf32, #tpu.memory_space<vmem>>, vector<1x16xf32>,
      %swap3A_311 = vector.shape_cast %swap3A_310 : vector<1x16xf32> to vector<16xf32>
      %swap3A_312 = vector.shape_cast %broadcast_in_dim3A_5 : vector<16xf32> to vector<1x16xf32>
      tpu.vector_store %arg18[%swap3A_308, %swap3A_309], %swap3A_312 {strides = array<i32>} : memref<80x64xf32, #tpu.memory_space<vmem>>, vector<1x16xf32>,
      %swap3A_313 = arith.index_cast %scan3A_297 : i32 to index
      %swap3A_314 = arith.constant 48 : index
      %swap3A_315 = tpu.vector_load %arg18[%swap3A_313, %swap3A_314] {strides = array<i32>} : memref<80x64xf32, #tpu.memory_space<vmem>>, vector<1x16xf32>,
      %swap3A_316 = vector.shape_cast %swap3A_315 : vector<1x16xf32> to vector<16xf32>
      %swap3A_317 = vector.shape_cast %broadcast_in_dim3A_5 : vector<16xf32> to vector<1x16xf32>
      tpu.vector_store %arg18[%swap3A_313, %swap3A_314], %swap3A_317 {strides = array<i32>} : memref<80x64xf32, #tpu.memory_space<vmem>>, vector<1x16xf32>,
    }
    %scan3A_157 = arith.constant 80 : i32
    %add3A_158 = arith.constant 0 : i32
    %add3A_159 = arith.addi %mul3A_4, %add3A_158 : i32
    "tpu.region"() ({
      %run_scoped3A = tpu.sem_alloc : memref<!tpu.dma_semaphore, #tpu.memory_space<semaphore_mem>>
      %dma_start3A_297 = arith.constant 0 : i32
      %dma_start3A_298 = tpu.memref_slice %arg22[%add3A_159, %dma_start3A_297] : memref<10240x64xf32, #tpu.memory_space<vmem_shared>> -> memref<80x64xf32, #tpu.memory_space<vmem_shared>>
      %dma_start3A_299 = arith.constant 0 : i32
      %dma_start3A_300 = tpu.memref_slice %arg22[%add3A_159, %dma_start3A_299] : memref<10240x64xf32, #tpu.memory_space<vmem_shared>> -> memref<80x64xf32, #tpu.memory_space<vmem_shared>>
      tpu.enqueue_dma source(%arg18 : memref<80x64xf32, #tpu.memory_space<vmem>>) target(%dma_start3A_300 : memref<80x64xf32, #tpu.memory_space<vmem_shared>>) target_semaphore(%run_scoped3A : memref<!tpu.dma_semaphore, #tpu.memory_space<semaphore_mem>>)
      %dma_wait3A_301 = arith.constant 0 : i32
      %dma_wait3A_302 = tpu.memref_slice %arg22[%add3A_159, %dma_wait3A_301] : memref<10240x64xf32, #tpu.memory_space<vmem_shared>> -> memref<80x64xf32, #tpu.memory_space<vmem_shared>>
      %dma_wait3A_303 = arith.constant 0 : i32
      %dma_wait3A_304 = tpu.memref_slice %arg22[%add3A_159, %dma_wait3A_303] : memref<10240x64xf32, #tpu.memory_space<vmem_shared>> -> memref<80x64xf32, #tpu.memory_space<vmem_shared>>
      tpu.wait_dma2 semaphore(%run_scoped3A : memref<!tpu.dma_semaphore, #tpu.memory_space<semaphore_mem>>) src(%arg18 : memref<80x64xf32, #tpu.memory_space<vmem>>) dst(%dma_wait3A_304 : memref<80x64xf32, #tpu.memory_space<vmem_shared>>)
      tpu.yield
    }) : () -> ()
    %add3A_160 = arith.constant 0 : i32
    %add3A_161 = arith.addi %mul3A_4, %add3A_160 : i32
    "tpu.region"() ({
      %run_scoped3A = tpu.sem_alloc : memref<!tpu.dma_semaphore, #tpu.memory_space<semaphore_mem>>
      %dma_start3A_297 = arith.constant 0 : i32
      %dma_start3A_298 = tpu.memref_slice %arg23[%add3A_161, %dma_start3A_297] : memref<10240x16xf32, #tpu.memory_space<vmem_shared>> -> memref<80x16xf32, #tpu.memory_space<vmem_shared>>
      %dma_start3A_299 = arith.constant 0 : i32
      %dma_start3A_300 = tpu.memref_slice %arg23[%add3A_161, %dma_start3A_299] : memref<10240x16xf32, #tpu.memory_space<vmem_shared>> -> memref<80x16xf32, #tpu.memory_space<vmem_shared>>
      tpu.enqueue_dma source(%arg21 : memref<80x16xf32, #tpu.memory_space<vmem>>) target(%dma_start3A_300 : memref<80x16xf32, #tpu.memory_space<vmem_shared>>) target_semaphore(%run_scoped3A : memref<!tpu.dma_semaphore, #tpu.memory_space<semaphore_mem>>)
      %dma_wait3A_301 = arith.constant 0 : i32
      %dma_wait3A_302 = tpu.memref_slice %arg23[%add3A_161, %dma_wait3A_301] : memref<10240x16xf32, #tpu.memory_space<vmem_shared>> -> memref<80x16xf32, #tpu.memory_space<vmem_shared>>
      %dma_wait3A_303 = arith.constant 0 : i32
      %dma_wait3A_304 = tpu.memref_slice %arg23[%add3A_161, %dma_wait3A_303] : memref<10240x16xf32, #tpu.memory_space<vmem_shared>> -> memref<80x16xf32, #tpu.memory_space<vmem_shared>>
      tpu.wait_dma2 semaphore(%run_scoped3A : memref<!tpu.dma_semaphore, #tpu.memory_space<semaphore_mem>>) src(%arg21 : memref<80x16xf32, #tpu.memory_space<vmem>>) dst(%dma_wait3A_304 : memref<80x16xf32, #tpu.memory_space<vmem_shared>>)
      tpu.yield
    }) : () -> ()
    %add3A_162 = arith.constant 80 : i32
    %add3A_163 = arith.addi %mul3A_4, %add3A_162 : i32
    "tpu.region"() ({
      %run_scoped3A = tpu.sem_alloc : memref<!tpu.dma_semaphore, #tpu.memory_space<semaphore_mem>>
      %dma_start3A_297 = arith.constant 0 : i32
      %dma_start3A_298 = tpu.memref_slice %arg22[%add3A_163, %dma_start3A_297] : memref<10240x64xf32, #tpu.memory_space<vmem_shared>> -> memref<80x64xf32, #tpu.memory_space<vmem_shared>>
      %dma_start3A_299 = arith.constant 0 : i32
      %dma_start3A_300 = tpu.memref_slice %arg22[%add3A_163, %dma_start3A_299] : memref<10240x64xf32, #tpu.memory_space<vmem_shared>> -> memref<80x64xf32, #tpu.memory_space<vmem_shared>>
      tpu.enqueue_dma source(%arg18 : memref<80x64xf32, #tpu.memory_space<vmem>>) target(%dma_start3A_300 : memref<80x64xf32, #tpu.memory_space<vmem_shared>>) target_semaphore(%run_scoped3A : memref<!tpu.dma_semaphore, #tpu.memory_space<semaphore_mem>>)
      %dma_wait3A_301 = arith.constant 0 : i32
      %dma_wait3A_302 = tpu.memref_slice %arg22[%add3A_163, %dma_wait3A_301] : memref<10240x64xf32, #tpu.memory_space<vmem_shared>> -> memref<80x64xf32, #tpu.memory_space<vmem_shared>>
      %dma_wait3A_303 = arith.constant 0 : i32
      %dma_wait3A_304 = tpu.memref_slice %arg22[%add3A_163, %dma_wait3A_303] : memref<10240x64xf32, #tpu.memory_space<vmem_shared>> -> memref<80x64xf32, #tpu.memory_space<vmem_shared>>
      tpu.wait_dma2 semaphore(%run_scoped3A : memref<!tpu.dma_semaphore, #tpu.memory_space<semaphore_mem>>) src(%arg18 : memref<80x64xf32, #tpu.memory_space<vmem>>) dst(%dma_wait3A_304 : memref<80x64xf32, #tpu.memory_space<vmem_shared>>)
      tpu.yield
    }) : () -> ()
    %add3A_164 = arith.constant 80 : i32
    %add3A_165 = arith.addi %mul3A_4, %add3A_164 : i32
    "tpu.region"() ({
      %run_scoped3A = tpu.sem_alloc : memref<!tpu.dma_semaphore, #tpu.memory_space<semaphore_mem>>
      %dma_start3A_297 = arith.constant 0 : i32
      %dma_start3A_298 = tpu.memref_slice %arg23[%add3A_165, %dma_start3A_297] : memref<10240x16xf32, #tpu.memory_space<vmem_shared>> -> memref<80x16xf32, #tpu.memory_space<vmem_shared>>
      %dma_start3A_299 = arith.constant 0 : i32
      %dma_start3A_300 = tpu.memref_slice %arg23[%add3A_165, %dma_start3A_299] : memref<10240x16xf32, #tpu.memory_space<vmem_shared>> -> memref<80x16xf32, #tpu.memory_space<vmem_shared>>
      tpu.enqueue_dma source(%arg21 : memref<80x16xf32, #tpu.memory_space<vmem>>) target(%dma_start3A_300 : memref<80x16xf32, #tpu.memory_space<vmem_shared>>) target_semaphore(%run_scoped3A : memref<!tpu.dma_semaphore, #tpu.memory_space<semaphore_mem>>)
      %dma_wait3A_301 = arith.constant 0 : i32
      %dma_wait3A_302 = tpu.memref_slice %arg23[%add3A_165, %dma_wait3A_301] : memref<10240x16xf32, #tpu.memory_space<vmem_shared>> -> memref<80x16xf32, #tpu.memory_space<vmem_shared>>
      %dma_wait3A_303 = arith.constant 0 : i32
      %dma_wait3A_304 = tpu.memref_slice %arg23[%add3A_165, %dma_wait3A_303] : memref<10240x16xf32, #tpu.memory_space<vmem_shared>> -> memref<80x16xf32, #tpu.memory_space<vmem_shared>>
      tpu.wait_dma2 semaphore(%run_scoped3A : memref<!tpu.dma_semaphore, #tpu.memory_space<semaphore_mem>>) src(%arg21 : memref<80x16xf32, #tpu.memory_space<vmem>>) dst(%dma_wait3A_304 : memref<80x16xf32, #tpu.memory_space<vmem_shared>>)
      tpu.yield
    }) : () -> ()
    %add3A_166 = arith.constant 160 : i32
    %add3A_167 = arith.addi %mul3A_4, %add3A_166 : i32
    "tpu.region"() ({
      %run_scoped3A = tpu.sem_alloc : memref<!tpu.dma_semaphore, #tpu.memory_space<semaphore_mem>>
      %dma_start3A_297 = arith.constant 0 : i32
      %dma_start3A_298 = tpu.memref_slice %arg22[%add3A_167, %dma_start3A_297] : memref<10240x64xf32, #tpu.memory_space<vmem_shared>> -> memref<80x64xf32, #tpu.memory_space<vmem_shared>>
      %dma_start3A_299 = arith.constant 0 : i32
      %dma_start3A_300 = tpu.memref_slice %arg22[%add3A_167, %dma_start3A_299] : memref<10240x64xf32, #tpu.memory_space<vmem_shared>> -> memref<80x64xf32, #tpu.memory_space<vmem_shared>>
      tpu.enqueue_dma source(%arg18 : memref<80x64xf32, #tpu.memory_space<vmem>>) target(%dma_start3A_300 : memref<80x64xf32, #tpu.memory_space<vmem_shared>>) target_semaphore(%run_scoped3A : memref<!tpu.dma_semaphore, #tpu.memory_space<semaphore_mem>>)
      %dma_wait3A_301 = arith.constant 0 : i32
      %dma_wait3A_302 = tpu.memref_slice %arg22[%add3A_167, %dma_wait3A_301] : memref<10240x64xf32, #tpu.memory_space<vmem_shared>> -> memref<80x64xf32, #tpu.memory_space<vmem_shared>>
      %dma_wait3A_303 = arith.constant 0 : i32
      %dma_wait3A_304 = tpu.memref_slice %arg22[%add3A_167, %dma_wait3A_303] : memref<10240x64xf32, #tpu.memory_space<vmem_shared>> -> memref<80x64xf32, #tpu.memory_space<vmem_shared>>
      tpu.wait_dma2 semaphore(%run_scoped3A : memref<!tpu.dma_semaphore, #tpu.memory_space<semaphore_mem>>) src(%arg18 : memref<80x64xf32, #tpu.memory_space<vmem>>) dst(%dma_wait3A_304 : memref<80x64xf32, #tpu.memory_space<vmem_shared>>)
      tpu.yield
    }) : () -> ()
    %add3A_168 = arith.constant 160 : i32
    %add3A_169 = arith.addi %mul3A_4, %add3A_168 : i32
    "tpu.region"() ({
      %run_scoped3A = tpu.sem_alloc : memref<!tpu.dma_semaphore, #tpu.memory_space<semaphore_mem>>
      %dma_start3A_297 = arith.constant 0 : i32
      %dma_start3A_298 = tpu.memref_slice %arg23[%add3A_169, %dma_start3A_297] : memref<10240x16xf32, #tpu.memory_space<vmem_shared>> -> memref<80x16xf32, #tpu.memory_space<vmem_shared>>
      %dma_start3A_299 = arith.constant 0 : i32
      %dma_start3A_300 = tpu.memref_slice %arg23[%add3A_169, %dma_start3A_299] : memref<10240x16xf32, #tpu.memory_space<vmem_shared>> -> memref<80x16xf32, #tpu.memory_space<vmem_shared>>
      tpu.enqueue_dma source(%arg21 : memref<80x16xf32, #tpu.memory_space<vmem>>) target(%dma_start3A_300 : memref<80x16xf32, #tpu.memory_space<vmem_shared>>) target_semaphore(%run_scoped3A : memref<!tpu.dma_semaphore, #tpu.memory_space<semaphore_mem>>)
      %dma_wait3A_301 = arith.constant 0 : i32
      %dma_wait3A_302 = tpu.memref_slice %arg23[%add3A_169, %dma_wait3A_301] : memref<10240x16xf32, #tpu.memory_space<vmem_shared>> -> memref<80x16xf32, #tpu.memory_space<vmem_shared>>
      %dma_wait3A_303 = arith.constant 0 : i32
      %dma_wait3A_304 = tpu.memref_slice %arg23[%add3A_169, %dma_wait3A_303] : memref<10240x16xf32, #tpu.memory_space<vmem_shared>> -> memref<80x16xf32, #tpu.memory_space<vmem_shared>>
      tpu.wait_dma2 semaphore(%run_scoped3A : memref<!tpu.dma_semaphore, #tpu.memory_space<semaphore_mem>>) src(%arg21 : memref<80x16xf32, #tpu.memory_space<vmem>>) dst(%dma_wait3A_304 : memref<80x16xf32, #tpu.memory_space<vmem_shared>>)
      tpu.yield
    }) : () -> ()
    %add3A_170 = arith.constant 240 : i32
    %add3A_171 = arith.addi %mul3A_4, %add3A_170 : i32
    "tpu.region"() ({
      %run_scoped3A = tpu.sem_alloc : memref<!tpu.dma_semaphore, #tpu.memory_space<semaphore_mem>>
      %dma_start3A_297 = arith.constant 0 : i32
      %dma_start3A_298 = tpu.memref_slice %arg22[%add3A_171, %dma_start3A_297] : memref<10240x64xf32, #tpu.memory_space<vmem_shared>> -> memref<80x64xf32, #tpu.memory_space<vmem_shared>>
      %dma_start3A_299 = arith.constant 0 : i32
      %dma_start3A_300 = tpu.memref_slice %arg22[%add3A_171, %dma_start3A_299] : memref<10240x64xf32, #tpu.memory_space<vmem_shared>> -> memref<80x64xf32, #tpu.memory_space<vmem_shared>>
      tpu.enqueue_dma source(%arg18 : memref<80x64xf32, #tpu.memory_space<vmem>>) target(%dma_start3A_300 : memref<80x64xf32, #tpu.memory_space<vmem_shared>>) target_semaphore(%run_scoped3A : memref<!tpu.dma_semaphore, #tpu.memory_space<semaphore_mem>>)
      %dma_wait3A_301 = arith.constant 0 : i32
      %dma_wait3A_302 = tpu.memref_slice %arg22[%add3A_171, %dma_wait3A_301] : memref<10240x64xf32, #tpu.memory_space<vmem_shared>> -> memref<80x64xf32, #tpu.memory_space<vmem_shared>>
      %dma_wait3A_303 = arith.constant 0 : i32
      %dma_wait3A_304 = tpu.memref_slice %arg22[%add3A_171, %dma_wait3A_303] : memref<10240x64xf32, #tpu.memory_space<vmem_shared>> -> memref<80x64xf32, #tpu.memory_space<vmem_shared>>
      tpu.wait_dma2 semaphore(%run_scoped3A : memref<!tpu.dma_semaphore, #tpu.memory_space<semaphore_mem>>) src(%arg18 : memref<80x64xf32, #tpu.memory_space<vmem>>) dst(%dma_wait3A_304 : memref<80x64xf32, #tpu.memory_space<vmem_shared>>)
      tpu.yield
    }) : () -> ()
    %add3A_172 = arith.constant 240 : i32
    %add3A_173 = arith.addi %mul3A_4, %add3A_172 : i32
    "tpu.region"() ({
      %run_scoped3A = tpu.sem_alloc : memref<!tpu.dma_semaphore, #tpu.memory_space<semaphore_mem>>
      %dma_start3A_297 = arith.constant 0 : i32
      %dma_start3A_298 = tpu.memref_slice %arg23[%add3A_173, %dma_start3A_297] : memref<10240x16xf32, #tpu.memory_space<vmem_shared>> -> memref<80x16xf32, #tpu.memory_space<vmem_shared>>
      %dma_start3A_299 = arith.constant 0 : i32
      %dma_start3A_300 = tpu.memref_slice %arg23[%add3A_173, %dma_start3A_299] : memref<10240x16xf32, #tpu.memory_space<vmem_shared>> -> memref<80x16xf32, #tpu.memory_space<vmem_shared>>
      tpu.enqueue_dma source(%arg21 : memref<80x16xf32, #tpu.memory_space<vmem>>) target(%dma_start3A_300 : memref<80x16xf32, #tpu.memory_space<vmem_shared>>) target_semaphore(%run_scoped3A : memref<!tpu.dma_semaphore, #tpu.memory_space<semaphore_mem>>)
      %dma_wait3A_301 = arith.constant 0 : i32
      %dma_wait3A_302 = tpu.memref_slice %arg23[%add3A_173, %dma_wait3A_301] : memref<10240x16xf32, #tpu.memory_space<vmem_shared>> -> memref<80x16xf32, #tpu.memory_space<vmem_shared>>
      %dma_wait3A_303 = arith.constant 0 : i32
      %dma_wait3A_304 = tpu.memref_slice %arg23[%add3A_173, %dma_wait3A_303] : memref<10240x16xf32, #tpu.memory_space<vmem_shared>> -> memref<80x16xf32, #tpu.memory_space<vmem_shared>>
      tpu.wait_dma2 semaphore(%run_scoped3A : memref<!tpu.dma_semaphore, #tpu.memory_space<semaphore_mem>>) src(%arg21 : memref<80x16xf32, #tpu.memory_space<vmem>>) dst(%dma_wait3A_304 : memref<80x16xf32, #tpu.memory_space<vmem_shared>>)
      tpu.yield
    }) : () -> ()
    %add3A_174 = arith.constant 320 : i32
    %add3A_175 = arith.addi %mul3A_4, %add3A_174 : i32
    "tpu.region"() ({
      %run_scoped3A = tpu.sem_alloc : memref<!tpu.dma_semaphore, #tpu.memory_space<semaphore_mem>>
      %dma_start3A_297 = arith.constant 0 : i32
      %dma_start3A_298 = tpu.memref_slice %arg22[%add3A_175, %dma_start3A_297] : memref<10240x64xf32, #tpu.memory_space<vmem_shared>> -> memref<80x64xf32, #tpu.memory_space<vmem_shared>>
      %dma_start3A_299 = arith.constant 0 : i32
      %dma_start3A_300 = tpu.memref_slice %arg22[%add3A_175, %dma_start3A_299] : memref<10240x64xf32, #tpu.memory_space<vmem_shared>> -> memref<80x64xf32, #tpu.memory_space<vmem_shared>>
      tpu.enqueue_dma source(%arg18 : memref<80x64xf32, #tpu.memory_space<vmem>>) target(%dma_start3A_300 : memref<80x64xf32, #tpu.memory_space<vmem_shared>>) target_semaphore(%run_scoped3A : memref<!tpu.dma_semaphore, #tpu.memory_space<semaphore_mem>>)
      %dma_wait3A_301 = arith.constant 0 : i32
      %dma_wait3A_302 = tpu.memref_slice %arg22[%add3A_175, %dma_wait3A_301] : memref<10240x64xf32, #tpu.memory_space<vmem_shared>> -> memref<80x64xf32, #tpu.memory_space<vmem_shared>>
      %dma_wait3A_303 = arith.constant 0 : i32
      %dma_wait3A_304 = tpu.memref_slice %arg22[%add3A_175, %dma_wait3A_303] : memref<10240x64xf32, #tpu.memory_space<vmem_shared>> -> memref<80x64xf32, #tpu.memory_space<vmem_shared>>
      tpu.wait_dma2 semaphore(%run_scoped3A : memref<!tpu.dma_semaphore, #tpu.memory_space<semaphore_mem>>) src(%arg18 : memref<80x64xf32, #tpu.memory_space<vmem>>) dst(%dma_wait3A_304 : memref<80x64xf32, #tpu.memory_space<vmem_shared>>)
      tpu.yield
    }) : () -> ()
    %add3A_176 = arith.constant 320 : i32
    %add3A_177 = arith.addi %mul3A_4, %add3A_176 : i32
    "tpu.region"() ({
      %run_scoped3A = tpu.sem_alloc : memref<!tpu.dma_semaphore, #tpu.memory_space<semaphore_mem>>
      %dma_start3A_297 = arith.constant 0 : i32
      %dma_start3A_298 = tpu.memref_slice %arg23[%add3A_177, %dma_start3A_297] : memref<10240x16xf32, #tpu.memory_space<vmem_shared>> -> memref<80x16xf32, #tpu.memory_space<vmem_shared>>
      %dma_start3A_299 = arith.constant 0 : i32
      %dma_start3A_300 = tpu.memref_slice %arg23[%add3A_177, %dma_start3A_299] : memref<10240x16xf32, #tpu.memory_space<vmem_shared>> -> memref<80x16xf32, #tpu.memory_space<vmem_shared>>
      tpu.enqueue_dma source(%arg21 : memref<80x16xf32, #tpu.memory_space<vmem>>) target(%dma_start3A_300 : memref<80x16xf32, #tpu.memory_space<vmem_shared>>) target_semaphore(%run_scoped3A : memref<!tpu.dma_semaphore, #tpu.memory_space<semaphore_mem>>)
      %dma_wait3A_301 = arith.constant 0 : i32
      %dma_wait3A_302 = tpu.memref_slice %arg23[%add3A_177, %dma_wait3A_301] : memref<10240x16xf32, #tpu.memory_space<vmem_shared>> -> memref<80x16xf32, #tpu.memory_space<vmem_shared>>
      %dma_wait3A_303 = arith.constant 0 : i32
      %dma_wait3A_304 = tpu.memref_slice %arg23[%add3A_177, %dma_wait3A_303] : memref<10240x16xf32, #tpu.memory_space<vmem_shared>> -> memref<80x16xf32, #tpu.memory_space<vmem_shared>>
      tpu.wait_dma2 semaphore(%run_scoped3A : memref<!tpu.dma_semaphore, #tpu.memory_space<semaphore_mem>>) src(%arg21 : memref<80x16xf32, #tpu.memory_space<vmem>>) dst(%dma_wait3A_304 : memref<80x16xf32, #tpu.memory_space<vmem_shared>>)
      tpu.yield
    }) : () -> ()
    %add3A_178 = arith.constant 400 : i32
    %add3A_179 = arith.addi %mul3A_4, %add3A_178 : i32
    "tpu.region"() ({
      %run_scoped3A = tpu.sem_alloc : memref<!tpu.dma_semaphore, #tpu.memory_space<semaphore_mem>>
      %dma_start3A_297 = arith.constant 0 : i32
      %dma_start3A_298 = tpu.memref_slice %arg22[%add3A_179, %dma_start3A_297] : memref<10240x64xf32, #tpu.memory_space<vmem_shared>> -> memref<80x64xf32, #tpu.memory_space<vmem_shared>>
      %dma_start3A_299 = arith.constant 0 : i32
      %dma_start3A_300 = tpu.memref_slice %arg22[%add3A_179, %dma_start3A_299] : memref<10240x64xf32, #tpu.memory_space<vmem_shared>> -> memref<80x64xf32, #tpu.memory_space<vmem_shared>>
      tpu.enqueue_dma source(%arg18 : memref<80x64xf32, #tpu.memory_space<vmem>>) target(%dma_start3A_300 : memref<80x64xf32, #tpu.memory_space<vmem_shared>>) target_semaphore(%run_scoped3A : memref<!tpu.dma_semaphore, #tpu.memory_space<semaphore_mem>>)
      %dma_wait3A_301 = arith.constant 0 : i32
      %dma_wait3A_302 = tpu.memref_slice %arg22[%add3A_179, %dma_wait3A_301] : memref<10240x64xf32, #tpu.memory_space<vmem_shared>> -> memref<80x64xf32, #tpu.memory_space<vmem_shared>>
      %dma_wait3A_303 = arith.constant 0 : i32
      %dma_wait3A_304 = tpu.memref_slice %arg22[%add3A_179, %dma_wait3A_303] : memref<10240x64xf32, #tpu.memory_space<vmem_shared>> -> memref<80x64xf32, #tpu.memory_space<vmem_shared>>
      tpu.wait_dma2 semaphore(%run_scoped3A : memref<!tpu.dma_semaphore, #tpu.memory_space<semaphore_mem>>) src(%arg18 : memref<80x64xf32, #tpu.memory_space<vmem>>) dst(%dma_wait3A_304 : memref<80x64xf32, #tpu.memory_space<vmem_shared>>)
      tpu.yield
    }) : () -> ()
    %add3A_180 = arith.constant 400 : i32
    %add3A_181 = arith.addi %mul3A_4, %add3A_180 : i32
    "tpu.region"() ({
      %run_scoped3A = tpu.sem_alloc : memref<!tpu.dma_semaphore, #tpu.memory_space<semaphore_mem>>
      %dma_start3A_297 = arith.constant 0 : i32
      %dma_start3A_298 = tpu.memref_slice %arg23[%add3A_181, %dma_start3A_297] : memref<10240x16xf32, #tpu.memory_space<vmem_shared>> -> memref<80x16xf32, #tpu.memory_space<vmem_shared>>
      %dma_start3A_299 = arith.constant 0 : i32
      %dma_start3A_300 = tpu.memref_slice %arg23[%add3A_181, %dma_start3A_299] : memref<10240x16xf32, #tpu.memory_space<vmem_shared>> -> memref<80x16xf32, #tpu.memory_space<vmem_shared>>
      tpu.enqueue_dma source(%arg21 : memref<80x16xf32, #tpu.memory_space<vmem>>) target(%dma_start3A_300 : memref<80x16xf32, #tpu.memory_space<vmem_shared>>) target_semaphore(%run_scoped3A : memref<!tpu.dma_semaphore, #tpu.memory_space<semaphore_mem>>)
      %dma_wait3A_301 = arith.constant 0 : i32
      %dma_wait3A_302 = tpu.memref_slice %arg23[%add3A_181, %dma_wait3A_301] : memref<10240x16xf32, #tpu.memory_space<vmem_shared>> -> memref<80x16xf32, #tpu.memory_space<vmem_shared>>
      %dma_wait3A_303 = arith.constant 0 : i32
      %dma_wait3A_304 = tpu.memref_slice %arg23[%add3A_181, %dma_wait3A_303] : memref<10240x16xf32, #tpu.memory_space<vmem_shared>> -> memref<80x16xf32, #tpu.memory_space<vmem_shared>>
      tpu.wait_dma2 semaphore(%run_scoped3A : memref<!tpu.dma_semaphore, #tpu.memory_space<semaphore_mem>>) src(%arg21 : memref<80x16xf32, #tpu.memory_space<vmem>>) dst(%dma_wait3A_304 : memref<80x16xf32, #tpu.memory_space<vmem_shared>>)
      tpu.yield
    }) : () -> ()
    %add3A_182 = arith.constant 480 : i32
    %add3A_183 = arith.addi %mul3A_4, %add3A_182 : i32
    "tpu.region"() ({
      %run_scoped3A = tpu.sem_alloc : memref<!tpu.dma_semaphore, #tpu.memory_space<semaphore_mem>>
      %dma_start3A_297 = arith.constant 0 : i32
      %dma_start3A_298 = tpu.memref_slice %arg22[%add3A_183, %dma_start3A_297] : memref<10240x64xf32, #tpu.memory_space<vmem_shared>> -> memref<80x64xf32, #tpu.memory_space<vmem_shared>>
      %dma_start3A_299 = arith.constant 0 : i32
      %dma_start3A_300 = tpu.memref_slice %arg22[%add3A_183, %dma_start3A_299] : memref<10240x64xf32, #tpu.memory_space<vmem_shared>> -> memref<80x64xf32, #tpu.memory_space<vmem_shared>>
      tpu.enqueue_dma source(%arg18 : memref<80x64xf32, #tpu.memory_space<vmem>>) target(%dma_start3A_300 : memref<80x64xf32, #tpu.memory_space<vmem_shared>>) target_semaphore(%run_scoped3A : memref<!tpu.dma_semaphore, #tpu.memory_space<semaphore_mem>>)
      %dma_wait3A_301 = arith.constant 0 : i32
      %dma_wait3A_302 = tpu.memref_slice %arg22[%add3A_183, %dma_wait3A_301] : memref<10240x64xf32, #tpu.memory_space<vmem_shared>> -> memref<80x64xf32, #tpu.memory_space<vmem_shared>>
      %dma_wait3A_303 = arith.constant 0 : i32
      %dma_wait3A_304 = tpu.memref_slice %arg22[%add3A_183, %dma_wait3A_303] : memref<10240x64xf32, #tpu.memory_space<vmem_shared>> -> memref<80x64xf32, #tpu.memory_space<vmem_shared>>
      tpu.wait_dma2 semaphore(%run_scoped3A : memref<!tpu.dma_semaphore, #tpu.memory_space<semaphore_mem>>) src(%arg18 : memref<80x64xf32, #tpu.memory_space<vmem>>) dst(%dma_wait3A_304 : memref<80x64xf32, #tpu.memory_space<vmem_shared>>)
      tpu.yield
    }) : () -> ()
    %add3A_184 = arith.constant 480 : i32
    %add3A_185 = arith.addi %mul3A_4, %add3A_184 : i32
    "tpu.region"() ({
      %run_scoped3A = tpu.sem_alloc : memref<!tpu.dma_semaphore, #tpu.memory_space<semaphore_mem>>
      %dma_start3A_297 = arith.constant 0 : i32
      %dma_start3A_298 = tpu.memref_slice %arg23[%add3A_185, %dma_start3A_297] : memref<10240x16xf32, #tpu.memory_space<vmem_shared>> -> memref<80x16xf32, #tpu.memory_space<vmem_shared>>
      %dma_start3A_299 = arith.constant 0 : i32
      %dma_start3A_300 = tpu.memref_slice %arg23[%add3A_185, %dma_start3A_299] : memref<10240x16xf32, #tpu.memory_space<vmem_shared>> -> memref<80x16xf32, #tpu.memory_space<vmem_shared>>
      tpu.enqueue_dma source(%arg21 : memref<80x16xf32, #tpu.memory_space<vmem>>) target(%dma_start3A_300 : memref<80x16xf32, #tpu.memory_space<vmem_shared>>) target_semaphore(%run_scoped3A : memref<!tpu.dma_semaphore, #tpu.memory_space<semaphore_mem>>)
      %dma_wait3A_301 = arith.constant 0 : i32
      %dma_wait3A_302 = tpu.memref_slice %arg23[%add3A_185, %dma_wait3A_301] : memref<10240x16xf32, #tpu.memory_space<vmem_shared>> -> memref<80x16xf32, #tpu.memory_space<vmem_shared>>
      %dma_wait3A_303 = arith.constant 0 : i32
      %dma_wait3A_304 = tpu.memref_slice %arg23[%add3A_185, %dma_wait3A_303] : memref<10240x16xf32, #tpu.memory_space<vmem_shared>> -> memref<80x16xf32, #tpu.memory_space<vmem_shared>>
      tpu.wait_dma2 semaphore(%run_scoped3A : memref<!tpu.dma_semaphore, #tpu.memory_space<semaphore_mem>>) src(%arg21 : memref<80x16xf32, #tpu.memory_space<vmem>>) dst(%dma_wait3A_304 : memref<80x16xf32, #tpu.memory_space<vmem_shared>>)
      tpu.yield
    }) : () -> ()
    %add3A_186 = arith.constant 560 : i32
    %add3A_187 = arith.addi %mul3A_4, %add3A_186 : i32
    "tpu.region"() ({
      %run_scoped3A = tpu.sem_alloc : memref<!tpu.dma_semaphore, #tpu.memory_space<semaphore_mem>>
      %dma_start3A_297 = arith.constant 0 : i32
      %dma_start3A_298 = tpu.memref_slice %arg22[%add3A_187, %dma_start3A_297] : memref<10240x64xf32, #tpu.memory_space<vmem_shared>> -> memref<80x64xf32, #tpu.memory_space<vmem_shared>>
      %dma_start3A_299 = arith.constant 0 : i32
      %dma_start3A_300 = tpu.memref_slice %arg22[%add3A_187, %dma_start3A_299] : memref<10240x64xf32, #tpu.memory_space<vmem_shared>> -> memref<80x64xf32, #tpu.memory_space<vmem_shared>>
      tpu.enqueue_dma source(%arg18 : memref<80x64xf32, #tpu.memory_space<vmem>>) target(%dma_start3A_300 : memref<80x64xf32, #tpu.memory_space<vmem_shared>>) target_semaphore(%run_scoped3A : memref<!tpu.dma_semaphore, #tpu.memory_space<semaphore_mem>>)
      %dma_wait3A_301 = arith.constant 0 : i32
      %dma_wait3A_302 = tpu.memref_slice %arg22[%add3A_187, %dma_wait3A_301] : memref<10240x64xf32, #tpu.memory_space<vmem_shared>> -> memref<80x64xf32, #tpu.memory_space<vmem_shared>>
      %dma_wait3A_303 = arith.constant 0 : i32
      %dma_wait3A_304 = tpu.memref_slice %arg22[%add3A_187, %dma_wait3A_303] : memref<10240x64xf32, #tpu.memory_space<vmem_shared>> -> memref<80x64xf32, #tpu.memory_space<vmem_shared>>
      tpu.wait_dma2 semaphore(%run_scoped3A : memref<!tpu.dma_semaphore, #tpu.memory_space<semaphore_mem>>) src(%arg18 : memref<80x64xf32, #tpu.memory_space<vmem>>) dst(%dma_wait3A_304 : memref<80x64xf32, #tpu.memory_space<vmem_shared>>)
      tpu.yield
    }) : () -> ()
    %add3A_188 = arith.constant 560 : i32
    %add3A_189 = arith.addi %mul3A_4, %add3A_188 : i32
    "tpu.region"() ({
      %run_scoped3A = tpu.sem_alloc : memref<!tpu.dma_semaphore, #tpu.memory_space<semaphore_mem>>
      %dma_start3A_297 = arith.constant 0 : i32
      %dma_start3A_298 = tpu.memref_slice %arg23[%add3A_189, %dma_start3A_297] : memref<10240x16xf32, #tpu.memory_space<vmem_shared>> -> memref<80x16xf32, #tpu.memory_space<vmem_shared>>
      %dma_start3A_299 = arith.constant 0 : i32
      %dma_start3A_300 = tpu.memref_slice %arg23[%add3A_189, %dma_start3A_299] : memref<10240x16xf32, #tpu.memory_space<vmem_shared>> -> memref<80x16xf32, #tpu.memory_space<vmem_shared>>
      tpu.enqueue_dma source(%arg21 : memref<80x16xf32, #tpu.memory_space<vmem>>) target(%dma_start3A_300 : memref<80x16xf32, #tpu.memory_space<vmem_shared>>) target_semaphore(%run_scoped3A : memref<!tpu.dma_semaphore, #tpu.memory_space<semaphore_mem>>)
      %dma_wait3A_301 = arith.constant 0 : i32
      %dma_wait3A_302 = tpu.memref_slice %arg23[%add3A_189, %dma_wait3A_301] : memref<10240x16xf32, #tpu.memory_space<vmem_shared>> -> memref<80x16xf32, #tpu.memory_space<vmem_shared>>
      %dma_wait3A_303 = arith.constant 0 : i32
      %dma_wait3A_304 = tpu.memref_slice %arg23[%add3A_189, %dma_wait3A_303] : memref<10240x16xf32, #tpu.memory_space<vmem_shared>> -> memref<80x16xf32, #tpu.memory_space<vmem_shared>>
      tpu.wait_dma2 semaphore(%run_scoped3A : memref<!tpu.dma_semaphore, #tpu.memory_space<semaphore_mem>>) src(%arg21 : memref<80x16xf32, #tpu.memory_space<vmem>>) dst(%dma_wait3A_304 : memref<80x16xf32, #tpu.memory_space<vmem_shared>>)
      tpu.yield
    }) : () -> ()
    "tpu.region"() ({
      %run_scoped3A = tpu.sem_alloc : memref<!tpu.dma_semaphore, #tpu.memory_space<semaphore_mem>>
      %dma_start3A_297 = tpu.memref_slice %arg6[%mul3A_2] : memref<320000xi32, #tpu.memory_space<hbm>> -> memref<10000xi32, #tpu.memory_space<hbm>>
      %dma_start3A_298 = tpu.memref_slice %arg6[%mul3A_2] : memref<320000xi32, #tpu.memory_space<hbm>> -> memref<10000xi32, #tpu.memory_space<hbm>>
      tpu.enqueue_dma source(%dma_start3A_298 : memref<10000xi32, #tpu.memory_space<hbm>>) target(%arg12 : memref<10000xi32, #tpu.memory_space<vmem>>) target_semaphore(%run_scoped3A : memref<!tpu.dma_semaphore, #tpu.memory_space<semaphore_mem>>)
      %dma_wait3A_299 = tpu.memref_slice %arg6[%mul3A_2] : memref<320000xi32, #tpu.memory_space<hbm>> -> memref<10000xi32, #tpu.memory_space<hbm>>
      %dma_wait3A_300 = tpu.memref_slice %arg6[%mul3A_2] : memref<320000xi32, #tpu.memory_space<hbm>> -> memref<10000xi32, #tpu.memory_space<hbm>>
      tpu.wait_dma2 semaphore(%run_scoped3A : memref<!tpu.dma_semaphore, #tpu.memory_space<semaphore_mem>>) src(%dma_wait3A_300 : memref<10000xi32, #tpu.memory_space<hbm>>) dst(%arg12 : memref<10000xi32, #tpu.memory_space<vmem>>)
      tpu.yield
    }) : () -> ()
    "tpu.region"() ({
      %run_scoped3A = tpu.sem_alloc : memref<!tpu.dma_semaphore, #tpu.memory_space<semaphore_mem>>
      %dma_start3A_297 = tpu.memref_slice %arg7[%mul3A_2] : memref<320000xi32, #tpu.memory_space<hbm>> -> memref<10000xi32, #tpu.memory_space<hbm>>
      %dma_start3A_298 = tpu.memref_slice %arg7[%mul3A_2] : memref<320000xi32, #tpu.memory_space<hbm>> -> memref<10000xi32, #tpu.memory_space<hbm>>
      tpu.enqueue_dma source(%dma_start3A_298 : memref<10000xi32, #tpu.memory_space<hbm>>) target(%arg13 : memref<10000xi32, #tpu.memory_space<vmem>>) target_semaphore(%run_scoped3A : memref<!tpu.dma_semaphore, #tpu.memory_space<semaphore_mem>>)
      %dma_wait3A_299 = tpu.memref_slice %arg7[%mul3A_2] : memref<320000xi32, #tpu.memory_space<hbm>> -> memref<10000xi32, #tpu.memory_space<hbm>>
      %dma_wait3A_300 = tpu.memref_slice %arg7[%mul3A_2] : memref<320000xi32, #tpu.memory_space<hbm>> -> memref<10000xi32, #tpu.memory_space<hbm>>
      tpu.wait_dma2 semaphore(%run_scoped3A : memref<!tpu.dma_semaphore, #tpu.memory_space<semaphore_mem>>) src(%dma_wait3A_300 : memref<10000xi32, #tpu.memory_space<hbm>>) dst(%arg13 : memref<10000xi32, #tpu.memory_space<vmem>>)
      tpu.yield
    }) : () -> ()
    %barrier3A_190 = arith.constant 0 : index
    tpu.barrier barrier_id(%barrier3A_190)
    %multiple_of3A_191 = arith.constant 0 : i32
    %multiple_of3A_192 = tpu.assume_multiple %multiple_of3A_191, 8 : i32
    %add3A_193 = arith.constant 0 : i32
    %add3A_194 = arith.addi %multiple_of3A_192, %add3A_193 : i32
    %get3A_195 = arith.index_cast %add3A_194 : i32 to index
    %get3A_196 = tpu.vector_load %arg12[%get3A_195] {strides = array<i32>} : memref<10000xi32, #tpu.memory_space<vmem>>, vector<16xi32>,
    %get3A_197 = vector.shape_cast %get3A_196 : vector<16xi32> to vector<16xi32>
    %swap3A_198 = arith.constant 0 : index
    %swap3A_199 = tpu.vector_load %arg14[%swap3A_198] {strides = array<i32>} : memref<80xi32, #tpu.memory_space<vmem>>, vector<16xi32>,
    %swap3A_200 = vector.shape_cast %swap3A_199 : vector<16xi32> to vector<16xi32>
    %swap3A_201 = vector.shape_cast %get3A_197 : vector<16xi32> to vector<16xi32>
    tpu.vector_store %arg14[%swap3A_198], %swap3A_201 {strides = array<i32>} : memref<80xi32, #tpu.memory_space<vmem>>, vector<16xi32>,
    %add3A_202 = arith.constant 0 : i32
    %add3A_203 = arith.addi %multiple_of3A_192, %add3A_202 : i32
    %get3A_204 = arith.index_cast %add3A_203 : i32 to index
    %get3A_205 = tpu.vector_load %arg13[%get3A_204] {strides = array<i32>} : memref<10000xi32, #tpu.memory_space<vmem>>, vector<16xi32>,
    %get3A_206 = vector.shape_cast %get3A_205 : vector<16xi32> to vector<16xi32>
    %swap3A_207 = arith.constant 0 : index
    %swap3A_208 = tpu.vector_load %arg15[%swap3A_207] {strides = array<i32>} : memref<80xi32, #tpu.memory_space<vmem>>, vector<16xi32>,
    %swap3A_209 = vector.shape_cast %swap3A_208 : vector<16xi32> to vector<16xi32>
    %swap3A_210 = vector.shape_cast %get3A_206 : vector<16xi32> to vector<16xi32>
    tpu.vector_store %arg15[%swap3A_207], %swap3A_210 {strides = array<i32>} : memref<80xi32, #tpu.memory_space<vmem>>, vector<16xi32>,
    %add3A_211 = arith.constant 16 : i32
    %add3A_212 = arith.addi %multiple_of3A_192, %add3A_211 : i32
    %get3A_213 = arith.index_cast %add3A_212 : i32 to index
    %get3A_214 = tpu.vector_load %arg12[%get3A_213] {strides = array<i32>} : memref<10000xi32, #tpu.memory_space<vmem>>, vector<16xi32>,
    %get3A_215 = vector.shape_cast %get3A_214 : vector<16xi32> to vector<16xi32>
    %swap3A_216 = arith.constant 16 : index
    %swap3A_217 = tpu.vector_load %arg14[%swap3A_216] {strides = array<i32>} : memref<80xi32, #tpu.memory_space<vmem>>, vector<16xi32>,
    %swap3A_218 = vector.shape_cast %swap3A_217 : vector<16xi32> to vector<16xi32>
    %swap3A_219 = vector.shape_cast %get3A_215 : vector<16xi32> to vector<16xi32>
    tpu.vector_store %arg14[%swap3A_216], %swap3A_219 {strides = array<i32>} : memref<80xi32, #tpu.memory_space<vmem>>, vector<16xi32>,
    %add3A_220 = arith.constant 16 : i32
    %add3A_221 = arith.addi %multiple_of3A_192, %add3A_220 : i32
    %get3A_222 = arith.index_cast %add3A_221 : i32 to index
    %get3A_223 = tpu.vector_load %arg13[%get3A_222] {strides = array<i32>} : memref<10000xi32, #tpu.memory_space<vmem>>, vector<16xi32>,
    %get3A_224 = vector.shape_cast %get3A_223 : vector<16xi32> to vector<16xi32>
    %swap3A_225 = arith.constant 16 : index
    %swap3A_226 = tpu.vector_load %arg15[%swap3A_225] {strides = array<i32>} : memref<80xi32, #tpu.memory_space<vmem>>, vector<16xi32>,
    %swap3A_227 = vector.shape_cast %swap3A_226 : vector<16xi32> to vector<16xi32>
    %swap3A_228 = vector.shape_cast %get3A_224 : vector<16xi32> to vector<16xi32>
    tpu.vector_store %arg15[%swap3A_225], %swap3A_228 {strides = array<i32>} : memref<80xi32, #tpu.memory_space<vmem>>, vector<16xi32>,
    %add3A_229 = arith.constant 32 : i32
    %add3A_230 = arith.addi %multiple_of3A_192, %add3A_229 : i32
    %get3A_231 = arith.index_cast %add3A_230 : i32 to index
    %get3A_232 = tpu.vector_load %arg12[%get3A_231] {strides = array<i32>} : memref<10000xi32, #tpu.memory_space<vmem>>, vector<16xi32>,
    %get3A_233 = vector.shape_cast %get3A_232 : vector<16xi32> to vector<16xi32>
    %swap3A_234 = arith.constant 32 : index
    %swap3A_235 = tpu.vector_load %arg14[%swap3A_234] {strides = array<i32>} : memref<80xi32, #tpu.memory_space<vmem>>, vector<16xi32>,
    %swap3A_236 = vector.shape_cast %swap3A_235 : vector<16xi32> to vector<16xi32>
    %swap3A_237 = vector.shape_cast %get3A_233 : vector<16xi32> to vector<16xi32>
    tpu.vector_store %arg14[%swap3A_234], %swap3A_237 {strides = array<i32>} : memref<80xi32, #tpu.memory_space<vmem>>, vector<16xi32>,
    %add3A_238 = arith.constant 32 : i32
    %add3A_239 = arith.addi %multiple_of3A_192, %add3A_238 : i32
    %get3A_240 = arith.index_cast %add3A_239 : i32 to index
    %get3A_241 = tpu.vector_load %arg13[%get3A_240] {strides = array<i32>} : memref<10000xi32, #tpu.memory_space<vmem>>, vector<16xi32>,
    %get3A_242 = vector.shape_cast %get3A_241 : vector<16xi32> to vector<16xi32>
    %swap3A_243 = arith.constant 32 : index
    %swap3A_244 = tpu.vector_load %arg15[%swap3A_243] {strides = array<i32>} : memref<80xi32, #tpu.memory_space<vmem>>, vector<16xi32>,
    %swap3A_245 = vector.shape_cast %swap3A_244 : vector<16xi32> to vector<16xi32>
    %swap3A_246 = vector.shape_cast %get3A_242 : vector<16xi32> to vector<16xi32>
    tpu.vector_store %arg15[%swap3A_243], %swap3A_246 {strides = array<i32>} : memref<80xi32, #tpu.memory_space<vmem>>, vector<16xi32>,
    %add3A_247 = arith.constant 48 : i32
    %add3A_248 = arith.addi %multiple_of3A_192, %add3A_247 : i32
    %get3A_249 = arith.index_cast %add3A_248 : i32 to index
    %get3A_250 = tpu.vector_load %arg12[%get3A_249] {strides = array<i32>} : memref<10000xi32, #tpu.memory_space<vmem>>, vector<16xi32>,
    %get3A_251 = vector.shape_cast %get3A_250 : vector<16xi32> to vector<16xi32>
    %swap3A_252 = arith.constant 48 : index
    %swap3A_253 = tpu.vector_load %arg14[%swap3A_252] {strides = array<i32>} : memref<80xi32, #tpu.memory_space<vmem>>, vector<16xi32>,
    %swap3A_254 = vector.shape_cast %swap3A_253 : vector<16xi32> to vector<16xi32>
    %swap3A_255 = vector.shape_cast %get3A_251 : vector<16xi32> to vector<16xi32>
    tpu.vector_store %arg14[%swap3A_252], %swap3A_255 {strides = array<i32>} : memref<80xi32, #tpu.memory_space<vmem>>, vector<16xi32>,
    %add3A_256 = arith.constant 48 : i32
    %add3A_257 = arith.addi %multiple_of3A_192, %add3A_256 : i32
    %get3A_258 = arith.index_cast %add3A_257 : i32 to index
    %get3A_259 = tpu.vector_load %arg13[%get3A_258] {strides = array<i32>} : memref<10000xi32, #tpu.memory_space<vmem>>, vector<16xi32>,
    %get3A_260 = vector.shape_cast %get3A_259 : vector<16xi32> to vector<16xi32>
    %swap3A_261 = arith.constant 48 : index
    %swap3A_262 = tpu.vector_load %arg15[%swap3A_261] {strides = array<i32>} : memref<80xi32, #tpu.memory_space<vmem>>, vector<16xi32>,
    %swap3A_263 = vector.shape_cast %swap3A_262 : vector<16xi32> to vector<16xi32>
    %swap3A_264 = vector.shape_cast %get3A_260 : vector<16xi32> to vector<16xi32>
    tpu.vector_store %arg15[%swap3A_261], %swap3A_264 {strides = array<i32>} : memref<80xi32, #tpu.memory_space<vmem>>, vector<16xi32>,
    %add3A_265 = arith.constant 64 : i32
    %add3A_266 = arith.addi %multiple_of3A_192, %add3A_265 : i32
    %get3A_267 = arith.index_cast %add3A_266 : i32 to index
    %get3A_268 = tpu.vector_load %arg12[%get3A_267] {strides = array<i32>} : memref<10000xi32, #tpu.memory_space<vmem>>, vector<16xi32>,
    %get3A_269 = vector.shape_cast %get3A_268 : vector<16xi32> to vector<16xi32>
    %swap3A_270 = arith.constant 64 : index
    %swap3A_271 = tpu.vector_load %arg14[%swap3A_270] {strides = array<i32>} : memref<80xi32, #tpu.memory_space<vmem>>, vector<16xi32>,
    %swap3A_272 = vector.shape_cast %swap3A_271 : vector<16xi32> to vector<16xi32>
    %swap3A_273 = vector.shape_cast %get3A_269 : vector<16xi32> to vector<16xi32>
    tpu.vector_store %arg14[%swap3A_270], %swap3A_273 {strides = array<i32>} : memref<80xi32, #tpu.memory_space<vmem>>, vector<16xi32>,
    %add3A_274 = arith.constant 64 : i32
    %add3A_275 = arith.addi %multiple_of3A_192, %add3A_274 : i32
    %get3A_276 = arith.index_cast %add3A_275 : i32 to index
    %get3A_277 = tpu.vector_load %arg13[%get3A_276] {strides = array<i32>} : memref<10000xi32, #tpu.memory_space<vmem>>, vector<16xi32>,
    %get3A_278 = vector.shape_cast %get3A_277 : vector<16xi32> to vector<16xi32>
    %swap3A_279 = arith.constant 64 : index
    %swap3A_280 = tpu.vector_load %arg15[%swap3A_279] {strides = array<i32>} : memref<80xi32, #tpu.memory_space<vmem>>, vector<16xi32>,
    %swap3A_281 = vector.shape_cast %swap3A_280 : vector<16xi32> to vector<16xi32>
    %swap3A_282 = vector.shape_cast %get3A_278 : vector<16xi32> to vector<16xi32>
    tpu.vector_store %arg15[%swap3A_279], %swap3A_282 {strides = array<i32>} : memref<80xi32, #tpu.memory_space<vmem>>, vector<16xi32>,
    %dma_start3A_283 = arith.constant 0 : i32
    %dma_start3A_284 = arith.constant 0 : i32
    %dma_start3A_285 = tpu.memref_slice %arg3[%dma_start3A_283, %dma_start3A_284] : memref<10000x64xf32, #tpu.memory_space<hbm>> -> memref<10000x64xf32, #tpu.memory_space<hbm>>
    tpu.enqueue_indirect_dma source(%dma_start3A_285 : memref<10000x64xf32, #tpu.memory_space<hbm>>) target(%arg18 : memref<80x64xf32, #tpu.memory_space<vmem>>) offsets(%arg14 : memref<80xi32, #tpu.memory_space<vmem>>) semaphore(%arg24 : memref<!tpu.dma_semaphore, #tpu.memory_space<semaphore_mem>>)
    %scan3A_286 = arith.constant 0 : i32
    %scan3A_287 = arith.constant 0 : i32
    %scan3A_288 = arith.constant 62 : i32
    %scan3A_289 = arith.addi %scan3A_287, %scan3A_288 : i32
    %scan3A_290 = arith.constant 1 : i32
    scf.for %scan3A_297 = %scan3A_287 to %scan3A_289 step %scan3A_290  : i32 {
      %mul3A_298 = arith.constant 2 : i32
      %mul3A_299 = arith.muli %mul3A_298, %scan3A_297 : i32
      %add3A_300 = arith.constant 1 : i32
      %add3A_301 = arith.addi %mul3A_299, %add3A_300 : i32
      %mul3A_302 = arith.constant 80 : i32
      %mul3A_303 = arith.muli %add3A_301, %mul3A_302 : i32
      %multiple_of3A_304 = tpu.assume_multiple %mul3A_303, 8 : i32
      %add3A_305 = arith.constant 0 : i32
      %add3A_306 = arith.addi %multiple_of3A_304, %add3A_305 : i32
      %get3A_307 = arith.index_cast %add3A_306 : i32 to index
      %get3A_308 = tpu.vector_load %arg12[%get3A_307] {strides = array<i32>} : memref<10000xi32, #tpu.memory_space<vmem>>, vector<16xi32>,
      %get3A_309 = vector.shape_cast %get3A_308 : vector<16xi32> to vector<16xi32>
      %swap3A_310 = arith.constant 0 : index
      %swap3A_311 = tpu.vector_load %arg16[%swap3A_310] {strides = array<i32>} : memref<80xi32, #tpu.memory_space<vmem>>, vector<16xi32>,
      %swap3A_312 = vector.shape_cast %swap3A_311 : vector<16xi32> to vector<16xi32>
      %swap3A_313 = vector.shape_cast %get3A_309 : vector<16xi32> to vector<16xi32>
      tpu.vector_store %arg16[%swap3A_310], %swap3A_313 {strides = array<i32>} : memref<80xi32, #tpu.memory_space<vmem>>, vector<16xi32>,
      %add3A_314 = arith.constant 0 : i32
      %add3A_315 = arith.addi %multiple_of3A_304, %add3A_314 : i32
      %get3A_316 = arith.index_cast %add3A_315 : i32 to index
      %get3A_317 = tpu.vector_load %arg13[%get3A_316] {strides = array<i32>} : memref<10000xi32, #tpu.memory_space<vmem>>, vector<16xi32>,
      %get3A_318 = vector.shape_cast %get3A_317 : vector<16xi32> to vector<16xi32>
      %swap3A_319 = arith.constant 0 : index
      %swap3A_320 = tpu.vector_load %arg17[%swap3A_319] {strides = array<i32>} : memref<80xi32, #tpu.memory_space<vmem>>, vector<16xi32>,
      %swap3A_321 = vector.shape_cast %swap3A_320 : vector<16xi32> to vector<16xi32>
      %swap3A_322 = vector.shape_cast %get3A_318 : vector<16xi32> to vector<16xi32>
      tpu.vector_store %arg17[%swap3A_319], %swap3A_322 {strides = array<i32>} : memref<80xi32, #tpu.memory_space<vmem>>, vector<16xi32>,
      %add3A_323 = arith.constant 16 : i32
      %add3A_324 = arith.addi %multiple_of3A_304, %add3A_323 : i32
      %get3A_325 = arith.index_cast %add3A_324 : i32 to index
      %get3A_326 = tpu.vector_load %arg12[%get3A_325] {strides = array<i32>} : memref<10000xi32, #tpu.memory_space<vmem>>, vector<16xi32>,
      %get3A_327 = vector.shape_cast %get3A_326 : vector<16xi32> to vector<16xi32>
      %swap3A_328 = arith.constant 16 : index
      %swap3A_329 = tpu.vector_load %arg16[%swap3A_328] {strides = array<i32>} : memref<80xi32, #tpu.memory_space<vmem>>, vector<16xi32>,
      %swap3A_330 = vector.shape_cast %swap3A_329 : vector<16xi32> to vector<16xi32>
      %swap3A_331 = vector.shape_cast %get3A_327 : vector<16xi32> to vector<16xi32>
      tpu.vector_store %arg16[%swap3A_328], %swap3A_331 {strides = array<i32>} : memref<80xi32, #tpu.memory_space<vmem>>, vector<16xi32>,
      %add3A_332 = arith.constant 16 : i32
      %add3A_333 = arith.addi %multiple_of3A_304, %add3A_332 : i32
      %get3A_334 = arith.index_cast %add3A_333 : i32 to index
      %get3A_335 = tpu.vector_load %arg13[%get3A_334] {strides = array<i32>} : memref<10000xi32, #tpu.memory_space<vmem>>, vector<16xi32>,
      %get3A_336 = vector.shape_cast %get3A_335 : vector<16xi32> to vector<16xi32>
      %swap3A_337 = arith.constant 16 : index
      %swap3A_338 = tpu.vector_load %arg17[%swap3A_337] {strides = array<i32>} : memref<80xi32, #tpu.memory_space<vmem>>, vector<16xi32>,
      %swap3A_339 = vector.shape_cast %swap3A_338 : vector<16xi32> to vector<16xi32>
      %swap3A_340 = vector.shape_cast %get3A_336 : vector<16xi32> to vector<16xi32>
      tpu.vector_store %arg17[%swap3A_337], %swap3A_340 {strides = array<i32>} : memref<80xi32, #tpu.memory_space<vmem>>, vector<16xi32>,
      %add3A_341 = arith.constant 32 : i32
      %add3A_342 = arith.addi %multiple_of3A_304, %add3A_341 : i32
      %get3A_343 = arith.index_cast %add3A_342 : i32 to index
      %get3A_344 = tpu.vector_load %arg12[%get3A_343] {strides = array<i32>} : memref<10000xi32, #tpu.memory_space<vmem>>, vector<16xi32>,
      %get3A_345 = vector.shape_cast %get3A_344 : vector<16xi32> to vector<16xi32>
      %swap3A_346 = arith.constant 32 : index
      %swap3A_347 = tpu.vector_load %arg16[%swap3A_346] {strides = array<i32>} : memref<80xi32, #tpu.memory_space<vmem>>, vector<16xi32>,
      %swap3A_348 = vector.shape_cast %swap3A_347 : vector<16xi32> to vector<16xi32>
      %swap3A_349 = vector.shape_cast %get3A_345 : vector<16xi32> to vector<16xi32>
      tpu.vector_store %arg16[%swap3A_346], %swap3A_349 {strides = array<i32>} : memref<80xi32, #tpu.memory_space<vmem>>, vector<16xi32>,
      %add3A_350 = arith.constant 32 : i32
      %add3A_351 = arith.addi %multiple_of3A_304, %add3A_350 : i32
      %get3A_352 = arith.index_cast %add3A_351 : i32 to index
      %get3A_353 = tpu.vector_load %arg13[%get3A_352] {strides = array<i32>} : memref<10000xi32, #tpu.memory_space<vmem>>, vector<16xi32>,
      %get3A_354 = vector.shape_cast %get3A_353 : vector<16xi32> to vector<16xi32>
      %swap3A_355 = arith.constant 32 : index
      %swap3A_356 = tpu.vector_load %arg17[%swap3A_355] {strides = array<i32>} : memref<80xi32, #tpu.memory_space<vmem>>, vector<16xi32>,
      %swap3A_357 = vector.shape_cast %swap3A_356 : vector<16xi32> to vector<16xi32>
      %swap3A_358 = vector.shape_cast %get3A_354 : vector<16xi32> to vector<16xi32>
      tpu.vector_store %arg17[%swap3A_355], %swap3A_358 {strides = array<i32>} : memref<80xi32, #tpu.memory_space<vmem>>, vector<16xi32>,
      %add3A_359 = arith.constant 48 : i32
      %add3A_360 = arith.addi %multiple_of3A_304, %add3A_359 : i32
      %get3A_361 = arith.index_cast %add3A_360 : i32 to index
      %get3A_362 = tpu.vector_load %arg12[%get3A_361] {strides = array<i32>} : memref<10000xi32, #tpu.memory_space<vmem>>, vector<16xi32>,
      %get3A_363 = vector.shape_cast %get3A_362 : vector<16xi32> to vector<16xi32>
      %swap3A_364 = arith.constant 48 : index
      %swap3A_365 = tpu.vector_load %arg16[%swap3A_364] {strides = array<i32>} : memref<80xi32, #tpu.memory_space<vmem>>, vector<16xi32>,
      %swap3A_366 = vector.shape_cast %swap3A_365 : vector<16xi32> to vector<16xi32>
      %swap3A_367 = vector.shape_cast %get3A_363 : vector<16xi32> to vector<16xi32>
      tpu.vector_store %arg16[%swap3A_364], %swap3A_367 {strides = array<i32>} : memref<80xi32, #tpu.memory_space<vmem>>, vector<16xi32>,
      %add3A_368 = arith.constant 48 : i32
      %add3A_369 = arith.addi %multiple_of3A_304, %add3A_368 : i32
      %get3A_370 = arith.index_cast %add3A_369 : i32 to index
      %get3A_371 = tpu.vector_load %arg13[%get3A_370] {strides = array<i32>} : memref<10000xi32, #tpu.memory_space<vmem>>, vector<16xi32>,
      %get3A_372 = vector.shape_cast %get3A_371 : vector<16xi32> to vector<16xi32>
      %swap3A_373 = arith.constant 48 : index
      %swap3A_374 = tpu.vector_load %arg17[%swap3A_373] {strides = array<i32>} : memref<80xi32, #tpu.memory_space<vmem>>, vector<16xi32>,
      %swap3A_375 = vector.shape_cast %swap3A_374 : vector<16xi32> to vector<16xi32>
      %swap3A_376 = vector.shape_cast %get3A_372 : vector<16xi32> to vector<16xi32>
      tpu.vector_store %arg17[%swap3A_373], %swap3A_376 {strides = array<i32>} : memref<80xi32, #tpu.memory_space<vmem>>, vector<16xi32>,
      %add3A_377 = arith.constant 64 : i32
      %add3A_378 = arith.addi %multiple_of3A_304, %add3A_377 : i32
      %get3A_379 = arith.index_cast %add3A_378 : i32 to index
      %get3A_380 = tpu.vector_load %arg12[%get3A_379] {strides = array<i32>} : memref<10000xi32, #tpu.memory_space<vmem>>, vector<16xi32>,
      %get3A_381 = vector.shape_cast %get3A_380 : vector<16xi32> to vector<16xi32>
      %swap3A_382 = arith.constant 64 : index
      %swap3A_383 = tpu.vector_load %arg16[%swap3A_382] {strides = array<i32>} : memref<80xi32, #tpu.memory_space<vmem>>, vector<16xi32>,
      %swap3A_384 = vector.shape_cast %swap3A_383 : vector<16xi32> to vector<16xi32>
      %swap3A_385 = vector.shape_cast %get3A_381 : vector<16xi32> to vector<16xi32>
      tpu.vector_store %arg16[%swap3A_382], %swap3A_385 {strides = array<i32>} : memref<80xi32, #tpu.memory_space<vmem>>, vector<16xi32>,
      %add3A_386 = arith.constant 64 : i32
      %add3A_387 = arith.addi %multiple_of3A_304, %add3A_386 : i32
      %get3A_388 = arith.index_cast %add3A_387 : i32 to index
      %get3A_389 = tpu.vector_load %arg13[%get3A_388] {strides = array<i32>} : memref<10000xi32, #tpu.memory_space<vmem>>, vector<16xi32>,
      %get3A_390 = vector.shape_cast %get3A_389 : vector<16xi32> to vector<16xi32>
      %swap3A_391 = arith.constant 64 : index
      %swap3A_392 = tpu.vector_load %arg17[%swap3A_391] {strides = array<i32>} : memref<80xi32, #tpu.memory_space<vmem>>, vector<16xi32>,
      %swap3A_393 = vector.shape_cast %swap3A_392 : vector<16xi32> to vector<16xi32>
      %swap3A_394 = vector.shape_cast %get3A_390 : vector<16xi32> to vector<16xi32>
      tpu.vector_store %arg17[%swap3A_391], %swap3A_394 {strides = array<i32>} : memref<80xi32, #tpu.memory_space<vmem>>, vector<16xi32>,
      %dma_start3A_395 = arith.constant 0 : i32
      %dma_start3A_396 = arith.constant 0 : i32
      %dma_start3A_397 = tpu.memref_slice %arg3[%dma_start3A_395, %dma_start3A_396] : memref<10000x64xf32, #tpu.memory_space<hbm>> -> memref<10000x64xf32, #tpu.memory_space<hbm>>
      tpu.enqueue_indirect_dma source(%dma_start3A_397 : memref<10000x64xf32, #tpu.memory_space<hbm>>) target(%arg19 : memref<80x64xf32, #tpu.memory_space<vmem>>) offsets(%arg16 : memref<80xi32, #tpu.memory_space<vmem>>) semaphore(%arg25 : memref<!tpu.dma_semaphore, #tpu.memory_space<semaphore_mem>>)
      %dma_wait3A_398 = arith.constant 0 : i32
      %dma_wait3A_399 = arith.constant 0 : i32
      %dma_wait3A_400 = tpu.memref_slice %arg3[%dma_wait3A_398, %dma_wait3A_399] : memref<10000x64xf32, #tpu.memory_space<hbm>> -> memref<10000x64xf32, #tpu.memory_space<hbm>>
      tpu.wait_indirect_dma semaphore(%arg24 : memref<!tpu.dma_semaphore, #tpu.memory_space<semaphore_mem>>) src(%dma_wait3A_400 : memref<10000x64xf32, #tpu.memory_space<hbm>>) dst(%arg18 : memref<80x64xf32, #tpu.memory_space<vmem>>)
      "tpu.region"() ({
        %run_scoped3A = tpu.sem_alloc : memref<!tpu.dma_semaphore, #tpu.memory_space<semaphore_mem>>
        %dma_start3A_502 = arith.constant 0 : i32
        %dma_start3A_503 = arith.constant 0 : i32
        %dma_start3A_504 = tpu.memref_slice %arg22[%dma_start3A_502, %dma_start3A_503] : memref<10240x64xf32, #tpu.memory_space<vmem_shared>> -> memref<10240x64xf32, #tpu.memory_space<vmem_shared>>
        tpu.enqueue_indirect_dma source(%arg18 : memref<80x64xf32, #tpu.memory_space<vmem>>) target(%dma_start3A_504 : memref<10240x64xf32, #tpu.memory_space<vmem_shared>>) offsets(%arg15 : memref<80xi32, #tpu.memory_space<vmem>>) semaphore(%run_scoped3A : memref<!tpu.dma_semaphore, #tpu.memory_space<semaphore_mem>>) {add = true}
        %dma_wait3A_505 = arith.constant 0 : i32
        %dma_wait3A_506 = arith.constant 0 : i32
        %dma_wait3A_507 = tpu.memref_slice %arg22[%dma_wait3A_505, %dma_wait3A_506] : memref<10240x64xf32, #tpu.memory_space<vmem_shared>> -> memref<10240x64xf32, #tpu.memory_space<vmem_shared>>
        tpu.wait_indirect_dma semaphore(%run_scoped3A : memref<!tpu.dma_semaphore, #tpu.memory_space<semaphore_mem>>) src(%arg18 : memref<80x64xf32, #tpu.memory_space<vmem>>) dst(%dma_wait3A_507 : memref<10240x64xf32, #tpu.memory_space<vmem_shared>>)
        tpu.yield
      }) : () -> ()
      "tpu.region"() ({
        %run_scoped3A = tpu.sem_alloc : memref<!tpu.dma_semaphore, #tpu.memory_space<semaphore_mem>>
        %dma_start3A_502 = arith.constant 0 : i32
        %dma_start3A_503 = arith.constant 0 : i32
        %dma_start3A_504 = tpu.memref_slice %arg23[%dma_start3A_502, %dma_start3A_503] : memref<10240x16xf32, #tpu.memory_space<vmem_shared>> -> memref<10240x16xf32, #tpu.memory_space<vmem_shared>>
        tpu.enqueue_indirect_dma source(%arg20 : memref<80x16xf32, #tpu.memory_space<vmem>>) target(%dma_start3A_504 : memref<10240x16xf32, #tpu.memory_space<vmem_shared>>) offsets(%arg15 : memref<80xi32, #tpu.memory_space<vmem>>) semaphore(%run_scoped3A : memref<!tpu.dma_semaphore, #tpu.memory_space<semaphore_mem>>) {add = true}
        %dma_wait3A_505 = arith.constant 0 : i32
        %dma_wait3A_506 = arith.constant 0 : i32
        %dma_wait3A_507 = tpu.memref_slice %arg23[%dma_wait3A_505, %dma_wait3A_506] : memref<10240x16xf32, #tpu.memory_space<vmem_shared>> -> memref<10240x16xf32, #tpu.memory_space<vmem_shared>>
        tpu.wait_indirect_dma semaphore(%run_scoped3A : memref<!tpu.dma_semaphore, #tpu.memory_space<semaphore_mem>>) src(%arg20 : memref<80x16xf32, #tpu.memory_space<vmem>>) dst(%dma_wait3A_507 : memref<10240x16xf32, #tpu.memory_space<vmem_shared>>)
        tpu.yield
      }) : () -> ()
      %add3A_401 = arith.constant 2 : i32
      %add3A_402 = arith.addi %mul3A_299, %add3A_401 : i32
      %mul3A_403 = arith.constant 80 : i32
      %mul3A_404 = arith.muli %add3A_402, %mul3A_403 : i32
      %multiple_of3A_405 = tpu.assume_multiple %mul3A_404, 8 : i32
      %add3A_406 = arith.constant 0 : i32
      %add3A_407 = arith.addi %multiple_of3A_405, %add3A_406 : i32
      %get3A_408 = arith.index_cast %add3A_407 : i32 to index
      %get3A_409 = tpu.vector_load %arg12[%get3A_408] {strides = array<i32>} : memref<10000xi32, #tpu.memory_space<vmem>>, vector<16xi32>,
      %get3A_410 = vector.shape_cast %get3A_409 : vector<16xi32> to vector<16xi32>
      %swap3A_411 = arith.constant 0 : index
      %swap3A_412 = tpu.vector_load %arg14[%swap3A_411] {strides = array<i32>} : memref<80xi32, #tpu.memory_space<vmem>>, vector<16xi32>,
      %swap3A_413 = vector.shape_cast %swap3A_412 : vector<16xi32> to vector<16xi32>
      %swap3A_414 = vector.shape_cast %get3A_410 : vector<16xi32> to vector<16xi32>
      tpu.vector_store %arg14[%swap3A_411], %swap3A_414 {strides = array<i32>} : memref<80xi32, #tpu.memory_space<vmem>>, vector<16xi32>,
      %add3A_415 = arith.constant 0 : i32
      %add3A_416 = arith.addi %multiple_of3A_405, %add3A_415 : i32
      %get3A_417 = arith.index_cast %add3A_416 : i32 to index
      %get3A_418 = tpu.vector_load %arg13[%get3A_417] {strides = array<i32>} : memref<10000xi32, #tpu.memory_space<vmem>>, vector<16xi32>,
      %get3A_419 = vector.shape_cast %get3A_418 : vector<16xi32> to vector<16xi32>
      %swap3A_420 = arith.constant 0 : index
      %swap3A_421 = tpu.vector_load %arg15[%swap3A_420] {strides = array<i32>} : memref<80xi32, #tpu.memory_space<vmem>>, vector<16xi32>,
      %swap3A_422 = vector.shape_cast %swap3A_421 : vector<16xi32> to vector<16xi32>
      %swap3A_423 = vector.shape_cast %get3A_419 : vector<16xi32> to vector<16xi32>
      tpu.vector_store %arg15[%swap3A_420], %swap3A_423 {strides = array<i32>} : memref<80xi32, #tpu.memory_space<vmem>>, vector<16xi32>,
      %add3A_424 = arith.constant 16 : i32
      %add3A_425 = arith.addi %multiple_of3A_405, %add3A_424 : i32
      %get3A_426 = arith.index_cast %add3A_425 : i32 to index
      %get3A_427 = tpu.vector_load %arg12[%get3A_426] {strides = array<i32>} : memref<10000xi32, #tpu.memory_space<vmem>>, vector<16xi32>,
      %get3A_428 = vector.shape_cast %get3A_427 : vector<16xi32> to vector<16xi32>
      %swap3A_429 = arith.constant 16 : index
      %swap3A_430 = tpu.vector_load %arg14[%swap3A_429] {strides = array<i32>} : memref<80xi32, #tpu.memory_space<vmem>>, vector<16xi32>,
      %swap3A_431 = vector.shape_cast %swap3A_430 : vector<16xi32> to vector<16xi32>
      %swap3A_432 = vector.shape_cast %get3A_428 : vector<16xi32> to vector<16xi32>
      tpu.vector_store %arg14[%swap3A_429], %swap3A_432 {strides = array<i32>} : memref<80xi32, #tpu.memory_space<vmem>>, vector<16xi32>,
      %add3A_433 = arith.constant 16 : i32
      %add3A_434 = arith.addi %multiple_of3A_405, %add3A_433 : i32
      %get3A_435 = arith.index_cast %add3A_434 : i32 to index
      %get3A_436 = tpu.vector_load %arg13[%get3A_435] {strides = array<i32>} : memref<10000xi32, #tpu.memory_space<vmem>>, vector<16xi32>,
      %get3A_437 = vector.shape_cast %get3A_436 : vector<16xi32> to vector<16xi32>
      %swap3A_438 = arith.constant 16 : index
      %swap3A_439 = tpu.vector_load %arg15[%swap3A_438] {strides = array<i32>} : memref<80xi32, #tpu.memory_space<vmem>>, vector<16xi32>,
      %swap3A_440 = vector.shape_cast %swap3A_439 : vector<16xi32> to vector<16xi32>
      %swap3A_441 = vector.shape_cast %get3A_437 : vector<16xi32> to vector<16xi32>
      tpu.vector_store %arg15[%swap3A_438], %swap3A_441 {strides = array<i32>} : memref<80xi32, #tpu.memory_space<vmem>>, vector<16xi32>,
      %add3A_442 = arith.constant 32 : i32
      %add3A_443 = arith.addi %multiple_of3A_405, %add3A_442 : i32
      %get3A_444 = arith.index_cast %add3A_443 : i32 to index
      %get3A_445 = tpu.vector_load %arg12[%get3A_444] {strides = array<i32>} : memref<10000xi32, #tpu.memory_space<vmem>>, vector<16xi32>,
      %get3A_446 = vector.shape_cast %get3A_445 : vector<16xi32> to vector<16xi32>
      %swap3A_447 = arith.constant 32 : index
      %swap3A_448 = tpu.vector_load %arg14[%swap3A_447] {strides = array<i32>} : memref<80xi32, #tpu.memory_space<vmem>>, vector<16xi32>,
      %swap3A_449 = vector.shape_cast %swap3A_448 : vector<16xi32> to vector<16xi32>
      %swap3A_450 = vector.shape_cast %get3A_446 : vector<16xi32> to vector<16xi32>
      tpu.vector_store %arg14[%swap3A_447], %swap3A_450 {strides = array<i32>} : memref<80xi32, #tpu.memory_space<vmem>>, vector<16xi32>,
      %add3A_451 = arith.constant 32 : i32
      %add3A_452 = arith.addi %multiple_of3A_405, %add3A_451 : i32
      %get3A_453 = arith.index_cast %add3A_452 : i32 to index
      %get3A_454 = tpu.vector_load %arg13[%get3A_453] {strides = array<i32>} : memref<10000xi32, #tpu.memory_space<vmem>>, vector<16xi32>,
      %get3A_455 = vector.shape_cast %get3A_454 : vector<16xi32> to vector<16xi32>
      %swap3A_456 = arith.constant 32 : index
      %swap3A_457 = tpu.vector_load %arg15[%swap3A_456] {strides = array<i32>} : memref<80xi32, #tpu.memory_space<vmem>>, vector<16xi32>,
      %swap3A_458 = vector.shape_cast %swap3A_457 : vector<16xi32> to vector<16xi32>
      %swap3A_459 = vector.shape_cast %get3A_455 : vector<16xi32> to vector<16xi32>
      tpu.vector_store %arg15[%swap3A_456], %swap3A_459 {strides = array<i32>} : memref<80xi32, #tpu.memory_space<vmem>>, vector<16xi32>,
      %add3A_460 = arith.constant 48 : i32
      %add3A_461 = arith.addi %multiple_of3A_405, %add3A_460 : i32
      %get3A_462 = arith.index_cast %add3A_461 : i32 to index
      %get3A_463 = tpu.vector_load %arg12[%get3A_462] {strides = array<i32>} : memref<10000xi32, #tpu.memory_space<vmem>>, vector<16xi32>,
      %get3A_464 = vector.shape_cast %get3A_463 : vector<16xi32> to vector<16xi32>
      %swap3A_465 = arith.constant 48 : index
      %swap3A_466 = tpu.vector_load %arg14[%swap3A_465] {strides = array<i32>} : memref<80xi32, #tpu.memory_space<vmem>>, vector<16xi32>,
      %swap3A_467 = vector.shape_cast %swap3A_466 : vector<16xi32> to vector<16xi32>
      %swap3A_468 = vector.shape_cast %get3A_464 : vector<16xi32> to vector<16xi32>
      tpu.vector_store %arg14[%swap3A_465], %swap3A_468 {strides = array<i32>} : memref<80xi32, #tpu.memory_space<vmem>>, vector<16xi32>,
      %add3A_469 = arith.constant 48 : i32
      %add3A_470 = arith.addi %multiple_of3A_405, %add3A_469 : i32
      %get3A_471 = arith.index_cast %add3A_470 : i32 to index
      %get3A_472 = tpu.vector_load %arg13[%get3A_471] {strides = array<i32>} : memref<10000xi32, #tpu.memory_space<vmem>>, vector<16xi32>,
      %get3A_473 = vector.shape_cast %get3A_472 : vector<16xi32> to vector<16xi32>
      %swap3A_474 = arith.constant 48 : index
      %swap3A_475 = tpu.vector_load %arg15[%swap3A_474] {strides = array<i32>} : memref<80xi32, #tpu.memory_space<vmem>>, vector<16xi32>,
      %swap3A_476 = vector.shape_cast %swap3A_475 : vector<16xi32> to vector<16xi32>
      %swap3A_477 = vector.shape_cast %get3A_473 : vector<16xi32> to vector<16xi32>
      tpu.vector_store %arg15[%swap3A_474], %swap3A_477 {strides = array<i32>} : memref<80xi32, #tpu.memory_space<vmem>>, vector<16xi32>,
      %add3A_478 = arith.constant 64 : i32
      %add3A_479 = arith.addi %multiple_of3A_405, %add3A_478 : i32
      %get3A_480 = arith.index_cast %add3A_479 : i32 to index
      %get3A_481 = tpu.vector_load %arg12[%get3A_480] {strides = array<i32>} : memref<10000xi32, #tpu.memory_space<vmem>>, vector<16xi32>,
      %get3A_482 = vector.shape_cast %get3A_481 : vector<16xi32> to vector<16xi32>
      %swap3A_483 = arith.constant 64 : index
      %swap3A_484 = tpu.vector_load %arg14[%swap3A_483] {strides = array<i32>} : memref<80xi32, #tpu.memory_space<vmem>>, vector<16xi32>,
      %swap3A_485 = vector.shape_cast %swap3A_484 : vector<16xi32> to vector<16xi32>
      %swap3A_486 = vector.shape_cast %get3A_482 : vector<16xi32> to vector<16xi32>
      tpu.vector_store %arg14[%swap3A_483], %swap3A_486 {strides = array<i32>} : memref<80xi32, #tpu.memory_space<vmem>>, vector<16xi32>,
      %add3A_487 = arith.constant 64 : i32
      %add3A_488 = arith.addi %multiple_of3A_405, %add3A_487 : i32
      %get3A_489 = arith.index_cast %add3A_488 : i32 to index
      %get3A_490 = tpu.vector_load %arg13[%get3A_489] {strides = array<i32>} : memref<10000xi32, #tpu.memory_space<vmem>>, vector<16xi32>,
      %get3A_491 = vector.shape_cast %get3A_490 : vector<16xi32> to vector<16xi32>
      %swap3A_492 = arith.constant 64 : index
      %swap3A_493 = tpu.vector_load %arg15[%swap3A_492] {strides = array<i32>} : memref<80xi32, #tpu.memory_space<vmem>>, vector<16xi32>,
      %swap3A_494 = vector.shape_cast %swap3A_493 : vector<16xi32> to vector<16xi32>
      %swap3A_495 = vector.shape_cast %get3A_491 : vector<16xi32> to vector<16xi32>
      tpu.vector_store %arg15[%swap3A_492], %swap3A_495 {strides = array<i32>} : memref<80xi32, #tpu.memory_space<vmem>>, vector<16xi32>,
      %dma_start3A_496 = arith.constant 0 : i32
      %dma_start3A_497 = arith.constant 0 : i32
      %dma_start3A_498 = tpu.memref_slice %arg3[%dma_start3A_496, %dma_start3A_497] : memref<10000x64xf32, #tpu.memory_space<hbm>> -> memref<10000x64xf32, #tpu.memory_space<hbm>>
      tpu.enqueue_indirect_dma source(%dma_start3A_498 : memref<10000x64xf32, #tpu.memory_space<hbm>>) target(%arg18 : memref<80x64xf32, #tpu.memory_space<vmem>>) offsets(%arg14 : memref<80xi32, #tpu.memory_space<vmem>>) semaphore(%arg24 : memref<!tpu.dma_semaphore, #tpu.memory_space<semaphore_mem>>)
      %dma_wait3A_499 = arith.constant 0 : i32
      %dma_wait3A_500 = arith.constant 0 : i32
      %dma_wait3A_501 = tpu.memref_slice %arg3[%dma_wait3A_499, %dma_wait3A_500] : memref<10000x64xf32, #tpu.memory_space<hbm>> -> memref<10000x64xf32, #tpu.memory_space<hbm>>
      tpu.wait_indirect_dma semaphore(%arg25 : memref<!tpu.dma_semaphore, #tpu.memory_space<semaphore_mem>>) src(%dma_wait3A_501 : memref<10000x64xf32, #tpu.memory_space<hbm>>) dst(%arg19 : memref<80x64xf32, #tpu.memory_space<vmem>>)
      "tpu.region"() ({
        %run_scoped3A = tpu.sem_alloc : memref<!tpu.dma_semaphore, #tpu.memory_space<semaphore_mem>>
        %dma_start3A_502 = arith.constant 0 : i32
        %dma_start3A_503 = arith.constant 0 : i32
        %dma_start3A_504 = tpu.memref_slice %arg22[%dma_start3A_502, %dma_start3A_503] : memref<10240x64xf32, #tpu.memory_space<vmem_shared>> -> memref<10240x64xf32, #tpu.memory_space<vmem_shared>>
        tpu.enqueue_indirect_dma source(%arg19 : memref<80x64xf32, #tpu.memory_space<vmem>>) target(%dma_start3A_504 : memref<10240x64xf32, #tpu.memory_space<vmem_shared>>) offsets(%arg17 : memref<80xi32, #tpu.memory_space<vmem>>) semaphore(%run_scoped3A : memref<!tpu.dma_semaphore, #tpu.memory_space<semaphore_mem>>) {add = true}
        %dma_wait3A_505 = arith.constant 0 : i32
        %dma_wait3A_506 = arith.constant 0 : i32
        %dma_wait3A_507 = tpu.memref_slice %arg22[%dma_wait3A_505, %dma_wait3A_506] : memref<10240x64xf32, #tpu.memory_space<vmem_shared>> -> memref<10240x64xf32, #tpu.memory_space<vmem_shared>>
        tpu.wait_indirect_dma semaphore(%run_scoped3A : memref<!tpu.dma_semaphore, #tpu.memory_space<semaphore_mem>>) src(%arg19 : memref<80x64xf32, #tpu.memory_space<vmem>>) dst(%dma_wait3A_507 : memref<10240x64xf32, #tpu.memory_space<vmem_shared>>)
        tpu.yield
      }) : () -> ()
      "tpu.region"() ({
        %run_scoped3A = tpu.sem_alloc : memref<!tpu.dma_semaphore, #tpu.memory_space<semaphore_mem>>
        %dma_start3A_502 = arith.constant 0 : i32
        %dma_start3A_503 = arith.constant 0 : i32
        %dma_start3A_504 = tpu.memref_slice %arg23[%dma_start3A_502, %dma_start3A_503] : memref<10240x16xf32, #tpu.memory_space<vmem_shared>> -> memref<10240x16xf32, #tpu.memory_space<vmem_shared>>
        tpu.enqueue_indirect_dma source(%arg20 : memref<80x16xf32, #tpu.memory_space<vmem>>) target(%dma_start3A_504 : memref<10240x16xf32, #tpu.memory_space<vmem_shared>>) offsets(%arg17 : memref<80xi32, #tpu.memory_space<vmem>>) semaphore(%run_scoped3A : memref<!tpu.dma_semaphore, #tpu.memory_space<semaphore_mem>>) {add = true}
        %dma_wait3A_505 = arith.constant 0 : i32
        %dma_wait3A_506 = arith.constant 0 : i32
        %dma_wait3A_507 = tpu.memref_slice %arg23[%dma_wait3A_505, %dma_wait3A_506] : memref<10240x16xf32, #tpu.memory_space<vmem_shared>> -> memref<10240x16xf32, #tpu.memory_space<vmem_shared>>
        tpu.wait_indirect_dma semaphore(%run_scoped3A : memref<!tpu.dma_semaphore, #tpu.memory_space<semaphore_mem>>) src(%arg20 : memref<80x16xf32, #tpu.memory_space<vmem>>) dst(%dma_wait3A_507 : memref<10240x16xf32, #tpu.memory_space<vmem_shared>>)
        tpu.yield
      }) : () -> ()
    }
    %scan3A_291 = arith.constant 62 : i32
    %dma_wait3A_292 = arith.constant 0 : i32
    %dma_wait3A_293 = arith.constant 0 : i32
    %dma_wait3A_294 = tpu.memref_slice %arg3[%dma_wait3A_292, %dma_wait3A_293] : memref<10000x64xf32, #tpu.memory_space<hbm>> -> memref<10000x64xf32, #tpu.memory_space<hbm>>
    tpu.wait_indirect_dma semaphore(%arg24 : memref<!tpu.dma_semaphore, #tpu.memory_space<semaphore_mem>>) src(%dma_wait3A_294 : memref<10000x64xf32, #tpu.memory_space<hbm>>) dst(%arg18 : memref<80x64xf32, #tpu.memory_space<vmem>>)
    "tpu.region"() ({
      %run_scoped3A = tpu.sem_alloc : memref<!tpu.dma_semaphore, #tpu.memory_space<semaphore_mem>>
      %dma_start3A_297 = arith.constant 0 : i32
      %dma_start3A_298 = arith.constant 0 : i32
      %dma_start3A_299 = tpu.memref_slice %arg22[%dma_start3A_297, %dma_start3A_298] : memref<10240x64xf32, #tpu.memory_space<vmem_shared>> -> memref<10240x64xf32, #tpu.memory_space<vmem_shared>>
      tpu.enqueue_indirect_dma source(%arg18 : memref<80x64xf32, #tpu.memory_space<vmem>>) target(%dma_start3A_299 : memref<10240x64xf32, #tpu.memory_space<vmem_shared>>) offsets(%arg15 : memref<80xi32, #tpu.memory_space<vmem>>) semaphore(%run_scoped3A : memref<!tpu.dma_semaphore, #tpu.memory_space<semaphore_mem>>) {add = true}
      %dma_wait3A_300 = arith.constant 0 : i32
      %dma_wait3A_301 = arith.constant 0 : i32
      %dma_wait3A_302 = tpu.memref_slice %arg22[%dma_wait3A_300, %dma_wait3A_301] : memref<10240x64xf32, #tpu.memory_space<vmem_shared>> -> memref<10240x64xf32, #tpu.memory_space<vmem_shared>>
      tpu.wait_indirect_dma semaphore(%run_scoped3A : memref<!tpu.dma_semaphore, #tpu.memory_space<semaphore_mem>>) src(%arg18 : memref<80x64xf32, #tpu.memory_space<vmem>>) dst(%dma_wait3A_302 : memref<10240x64xf32, #tpu.memory_space<vmem_shared>>)
      tpu.yield
    }) : () -> ()
    "tpu.region"() ({
      %run_scoped3A = tpu.sem_alloc : memref<!tpu.dma_semaphore, #tpu.memory_space<semaphore_mem>>
      %dma_start3A_297 = arith.constant 0 : i32
      %dma_start3A_298 = arith.constant 0 : i32
      %dma_start3A_299 = tpu.memref_slice %arg23[%dma_start3A_297, %dma_start3A_298] : memref<10240x16xf32, #tpu.memory_space<vmem_shared>> -> memref<10240x16xf32, #tpu.memory_space<vmem_shared>>
      tpu.enqueue_indirect_dma source(%arg20 : memref<80x16xf32, #tpu.memory_space<vmem>>) target(%dma_start3A_299 : memref<10240x16xf32, #tpu.memory_space<vmem_shared>>) offsets(%arg15 : memref<80xi32, #tpu.memory_space<vmem>>) semaphore(%run_scoped3A : memref<!tpu.dma_semaphore, #tpu.memory_space<semaphore_mem>>) {add = true}
      %dma_wait3A_300 = arith.constant 0 : i32
      %dma_wait3A_301 = arith.constant 0 : i32
      %dma_wait3A_302 = tpu.memref_slice %arg23[%dma_wait3A_300, %dma_wait3A_301] : memref<10240x16xf32, #tpu.memory_space<vmem_shared>> -> memref<10240x16xf32, #tpu.memory_space<vmem_shared>>
      tpu.wait_indirect_dma semaphore(%run_scoped3A : memref<!tpu.dma_semaphore, #tpu.memory_space<semaphore_mem>>) src(%arg20 : memref<80x16xf32, #tpu.memory_space<vmem>>) dst(%dma_wait3A_302 : memref<10240x16xf32, #tpu.memory_space<vmem_shared>>)
      tpu.yield
    }) : () -> ()
    %barrier3A_295 = arith.constant 0 : index
    tpu.barrier barrier_id(%barrier3A_295)
    "tpu.region"() ({
      %run_scoped3A = tpu.sem_alloc : memref<!tpu.dma_semaphore, #tpu.memory_space<semaphore_mem>>
      %dma_start3A_297 = arith.constant 0 : i32
      %dma_start3A_298 = tpu.memref_slice %arg10[%arg0, %mul3A_4, %dma_start3A_297] : memref<2x10240x64xf32, #tpu.memory_space<hbm>> -> memref<1x640x64xf32, #tpu.memory_space<hbm>>
      %dma_start3A_299 = tpu.memref_squeeze %dma_start3A_298 : memref<1x640x64xf32, #tpu.memory_space<hbm>> -> memref<640x64xf32, #tpu.memory_space<hbm>>
      %dma_start3A_300 = arith.constant 0 : i32
      %dma_start3A_301 = tpu.memref_slice %arg22[%mul3A_4, %dma_start3A_300] : memref<10240x64xf32, #tpu.memory_space<vmem_shared>> -> memref<640x64xf32, #tpu.memory_space<vmem_shared>>
      tpu.enqueue_dma source(%dma_start3A_301 : memref<640x64xf32, #tpu.memory_space<vmem_shared>>) target(%dma_start3A_299 : memref<640x64xf32, #tpu.memory_space<hbm>>) target_semaphore(%run_scoped3A : memref<!tpu.dma_semaphore, #tpu.memory_space<semaphore_mem>>)
      %dma_wait3A_302 = arith.constant 0 : i32
      %dma_wait3A_303 = tpu.memref_slice %arg10[%arg0, %mul3A_4, %dma_wait3A_302] : memref<2x10240x64xf32, #tpu.memory_space<hbm>> -> memref<1x640x64xf32, #tpu.memory_space<hbm>>
      %dma_wait3A_304 = tpu.memref_squeeze %dma_wait3A_303 : memref<1x640x64xf32, #tpu.memory_space<hbm>> -> memref<640x64xf32, #tpu.memory_space<hbm>>
      %dma_wait3A_305 = arith.constant 0 : i32
      %dma_wait3A_306 = tpu.memref_slice %arg22[%mul3A_4, %dma_wait3A_305] : memref<10240x64xf32, #tpu.memory_space<vmem_shared>> -> memref<640x64xf32, #tpu.memory_space<vmem_shared>>
      tpu.wait_dma2 semaphore(%run_scoped3A : memref<!tpu.dma_semaphore, #tpu.memory_space<semaphore_mem>>) src(%dma_wait3A_306 : memref<640x64xf32, #tpu.memory_space<vmem_shared>>) dst(%dma_wait3A_304 : memref<640x64xf32, #tpu.memory_space<hbm>>)
      tpu.yield
    }) : () -> ()
    "tpu.region"() ({
      %run_scoped3A = tpu.sem_alloc : memref<!tpu.dma_semaphore, #tpu.memory_space<semaphore_mem>>
      %dma_start3A_297 = arith.constant 0 : i32
      %dma_start3A_298 = tpu.memref_slice %arg11[%arg0, %mul3A_4, %dma_start3A_297] : memref<2x10240x16xf32, #tpu.memory_space<hbm>> -> memref<1x640x16xf32, #tpu.memory_space<hbm>>
      %dma_start3A_299 = tpu.memref_squeeze %dma_start3A_298 : memref<1x640x16xf32, #tpu.memory_space<hbm>> -> memref<640x16xf32, #tpu.memory_space<hbm>>
      %dma_start3A_300 = arith.constant 0 : i32
      %dma_start3A_301 = tpu.memref_slice %arg23[%mul3A_4, %dma_start3A_300] : memref<10240x16xf32, #tpu.memory_space<vmem_shared>> -> memref<640x16xf32, #tpu.memory_space<vmem_shared>>
      tpu.enqueue_dma source(%dma_start3A_301 : memref<640x16xf32, #tpu.memory_space<vmem_shared>>) target(%dma_start3A_299 : memref<640x16xf32, #tpu.memory_space<hbm>>) target_semaphore(%run_scoped3A : memref<!tpu.dma_semaphore, #tpu.memory_space<semaphore_mem>>)
      %dma_wait3A_302 = arith.constant 0 : i32
      %dma_wait3A_303 = tpu.memref_slice %arg11[%arg0, %mul3A_4, %dma_wait3A_302] : memref<2x10240x16xf32, #tpu.memory_space<hbm>> -> memref<1x640x16xf32, #tpu.memory_space<hbm>>
      %dma_wait3A_304 = tpu.memref_squeeze %dma_wait3A_303 : memref<1x640x16xf32, #tpu.memory_space<hbm>> -> memref<640x16xf32, #tpu.memory_space<hbm>>
      %dma_wait3A_305 = arith.constant 0 : i32
      %dma_wait3A_306 = tpu.memref_slice %arg23[%mul3A_4, %dma_wait3A_305] : memref<10240x16xf32, #tpu.memory_space<vmem_shared>> -> memref<640x16xf32, #tpu.memory_space<vmem_shared>>
      tpu.wait_dma2 semaphore(%run_scoped3A : memref<!tpu.dma_semaphore, #tpu.memory_space<semaphore_mem>>) src(%dma_wait3A_306 : memref<640x16xf32, #tpu.memory_space<vmem_shared>>) dst(%dma_wait3A_304 : memref<640x16xf32, #tpu.memory_space<hbm>>)
      tpu.yield
    }) : () -> ()
    %barrier3A_296 = arith.constant 0 : index
    tpu.barrier barrier_id(%barrier3A_296)
    return
  }
}

module attributes {stable_mosaic.version = 14 : i64} {
  func.func @_pre_body(%arg0: i32, %arg1: memref<1000x128xf32, #tpu.memory_space<vmem>>, %arg2: memref<1000x128xf32, #tpu.memory_space<vmem>>, %arg3: memref<128x64xf32, #tpu.memory_space<vmem>>, %arg4: memref<128x64xf32, #tpu.memory_space<vmem>>, %arg5: memref<128x64xf32, #tpu.memory_space<vmem>>, %arg6: memref<128x64xf32, #tpu.memory_space<vmem>>, %arg7: memref<1000x64xf32, #tpu.memory_space<vmem>>, %arg8: memref<1000x64xf32, #tpu.memory_space<vmem>>, %arg9: memref<1000x64xf32, #tpu.memory_space<vmem>>, %arg10: memref<1000x64xf32, #tpu.memory_space<vmem>>) attributes {dimension_semantics = [#tpu.dimension_semantics<arbitrary>], iteration_bounds = array<i64: 10>, scalar_prefetch = 0 : i64, scratch_operands = 0 : i64, tpu.core_type = #tpu.core_type<tc>, window_params = [{transform_indices = @transform_0, window_bounds = array<i64: 1000, 128>}, {transform_indices = @transform_1, window_bounds = array<i64: 1000, 128>}, {pipeline_mode = #tpu.pipeline_mode<synchronous>, transform_indices = @transform_2, window_bounds = array<i64: 128, 64>}, {pipeline_mode = #tpu.pipeline_mode<synchronous>, transform_indices = @transform_3, window_bounds = array<i64: 128, 64>}, {pipeline_mode = #tpu.pipeline_mode<synchronous>, transform_indices = @transform_4, window_bounds = array<i64: 128, 64>}, {pipeline_mode = #tpu.pipeline_mode<synchronous>, transform_indices = @transform_5, window_bounds = array<i64: 128, 64>}, {transform_indices = @transform_6, window_bounds = array<i64: 1000, 64>}, {transform_indices = @transform_7, window_bounds = array<i64: 1000, 64>}, {transform_indices = @transform_8, window_bounds = array<i64: 1000, 64>}, {transform_indices = @transform_9, window_bounds = array<i64: 1000, 64>}]} {
    %get3A = arith.constant 0 : index
    %get3A_0 = arith.constant 0 : index
    %get3A_1 = vector.load %arg1[%get3A, %get3A_0] : memref<1000x128xf32, #tpu.memory_space<vmem>>, vector<1000x128xf32>
    %get3A_2 = arith.constant 0 : index
    %get3A_3 = arith.constant 0 : index
    %get3A_4 = vector.load %arg2[%get3A_2, %get3A_3] : memref<1000x128xf32, #tpu.memory_space<vmem>>, vector<1000x128xf32>
    %get3A_5 = arith.constant 0 : index
    %get3A_6 = arith.constant 0 : index
    %get3A_7 = vector.load %arg3[%get3A_5, %get3A_6] : memref<128x64xf32, #tpu.memory_space<vmem>>, vector<128x64xf32>
    %dot_general3A = arith.constant dense<0.000000e+00> : vector<1000x64xf32>
    %dot_general3A_8 = tpu.matmul %get3A_1, %get3A_7, %dot_general3A {dimension_numbers = #tpu.dot_dimension_numbers<[1], [0], [0], [1], [0, 0, 1, 1], [], []>, transpose_lhs_hint = false} : vector<1000x128xf32>, vector<128x64xf32>, vector<1000x64xf32> -> vector<1000x64xf32>
    %swap3A = arith.constant 0 : index
    %swap3A_9 = arith.constant 0 : index
    %swap3A_10 = vector.load %arg7[%swap3A, %swap3A_9] : memref<1000x64xf32, #tpu.memory_space<vmem>>, vector<1000x64xf32>
    tpu.vector_store %arg7[%swap3A, %swap3A_9], %dot_general3A_8 {strides = array<i32>} : memref<1000x64xf32, #tpu.memory_space<vmem>>, vector<1000x64xf32>,
    %get3A_11 = arith.constant 0 : index
    %get3A_12 = arith.constant 0 : index
    %get3A_13 = vector.load %arg4[%get3A_11, %get3A_12] : memref<128x64xf32, #tpu.memory_space<vmem>>, vector<128x64xf32>
    %dot_general3A_14 = arith.constant dense<0.000000e+00> : vector<1000x64xf32>
    %dot_general3A_15 = tpu.matmul %get3A_1, %get3A_13, %dot_general3A_14 {dimension_numbers = #tpu.dot_dimension_numbers<[1], [0], [0], [1], [0, 0, 1, 1], [], []>, transpose_lhs_hint = false} : vector<1000x128xf32>, vector<128x64xf32>, vector<1000x64xf32> -> vector<1000x64xf32>
    %swap3A_16 = arith.constant 0 : index
    %swap3A_17 = arith.constant 0 : index
    %swap3A_18 = vector.load %arg9[%swap3A_16, %swap3A_17] : memref<1000x64xf32, #tpu.memory_space<vmem>>, vector<1000x64xf32>
    tpu.vector_store %arg9[%swap3A_16, %swap3A_17], %dot_general3A_15 {strides = array<i32>} : memref<1000x64xf32, #tpu.memory_space<vmem>>, vector<1000x64xf32>,
    %get3A_19 = arith.constant 0 : index
    %get3A_20 = arith.constant 0 : index
    %get3A_21 = vector.load %arg5[%get3A_19, %get3A_20] : memref<128x64xf32, #tpu.memory_space<vmem>>, vector<128x64xf32>
    %dot_general3A_22 = arith.constant dense<0.000000e+00> : vector<1000x64xf32>
    %dot_general3A_23 = tpu.matmul %get3A_4, %get3A_21, %dot_general3A_22 {dimension_numbers = #tpu.dot_dimension_numbers<[1], [0], [0], [1], [0, 0, 1, 1], [], []>, transpose_lhs_hint = false} : vector<1000x128xf32>, vector<128x64xf32>, vector<1000x64xf32> -> vector<1000x64xf32>
    %swap3A_24 = arith.constant 0 : index
    %swap3A_25 = arith.constant 0 : index
    %swap3A_26 = vector.load %arg8[%swap3A_24, %swap3A_25] : memref<1000x64xf32, #tpu.memory_space<vmem>>, vector<1000x64xf32>
    tpu.vector_store %arg8[%swap3A_24, %swap3A_25], %dot_general3A_23 {strides = array<i32>} : memref<1000x64xf32, #tpu.memory_space<vmem>>, vector<1000x64xf32>,
    %get3A_27 = arith.constant 0 : index
    %get3A_28 = arith.constant 0 : index
    %get3A_29 = vector.load %arg6[%get3A_27, %get3A_28] : memref<128x64xf32, #tpu.memory_space<vmem>>, vector<128x64xf32>
    %dot_general3A_30 = arith.constant dense<0.000000e+00> : vector<1000x64xf32>
    %dot_general3A_31 = tpu.matmul %get3A_4, %get3A_29, %dot_general3A_30 {dimension_numbers = #tpu.dot_dimension_numbers<[1], [0], [0], [1], [0, 0, 1, 1], [], []>, transpose_lhs_hint = false} : vector<1000x128xf32>, vector<128x64xf32>, vector<1000x64xf32> -> vector<1000x64xf32>
    %swap3A_32 = arith.constant 0 : index
    %swap3A_33 = arith.constant 0 : index
    %swap3A_34 = vector.load %arg10[%swap3A_32, %swap3A_33] : memref<1000x64xf32, #tpu.memory_space<vmem>>, vector<1000x64xf32>
    tpu.vector_store %arg10[%swap3A_32, %swap3A_33], %dot_general3A_31 {strides = array<i32>} : memref<1000x64xf32, #tpu.memory_space<vmem>>, vector<1000x64xf32>,
    return
  }
  func.func @transform_0(%arg0: i32) -> (i32, i32) {
    %c0_i32 = arith.constant 0 : i32
    %c0_i32_0 = arith.constant 0 : i32
    return %arg0, %c0_i32 : i32, i32
  }
  func.func @transform_1(%arg0: i32) -> (i32, i32) {
    %c0_i32 = arith.constant 0 : i32
    %c0_i32_0 = arith.constant 0 : i32
    return %arg0, %c0_i32 : i32, i32
  }
  func.func @transform_2(%arg0: i32) -> (i32, i32) {
    %c0_i32 = arith.constant 0 : i32
    %c0_i32_0 = arith.constant 0 : i32
    %c0_i32_1 = arith.constant 0 : i32
    return %c0_i32, %c0_i32_0 : i32, i32
  }
  func.func @transform_3(%arg0: i32) -> (i32, i32) {
    %c0_i32 = arith.constant 0 : i32
    %c0_i32_0 = arith.constant 0 : i32
    %c0_i32_1 = arith.constant 0 : i32
    return %c0_i32, %c0_i32_0 : i32, i32
  }
  func.func @transform_4(%arg0: i32) -> (i32, i32) {
    %c0_i32 = arith.constant 0 : i32
    %c0_i32_0 = arith.constant 0 : i32
    %c0_i32_1 = arith.constant 0 : i32
    return %c0_i32, %c0_i32_0 : i32, i32
  }
  func.func @transform_5(%arg0: i32) -> (i32, i32) {
    %c0_i32 = arith.constant 0 : i32
    %c0_i32_0 = arith.constant 0 : i32
    %c0_i32_1 = arith.constant 0 : i32
    return %c0_i32, %c0_i32_0 : i32, i32
  }
  func.func @transform_6(%arg0: i32) -> (i32, i32) {
    %c0_i32 = arith.constant 0 : i32
    %c0_i32_0 = arith.constant 0 : i32
    return %arg0, %c0_i32 : i32, i32
  }
  func.func @transform_7(%arg0: i32) -> (i32, i32) {
    %c0_i32 = arith.constant 0 : i32
    %c0_i32_0 = arith.constant 0 : i32
    return %arg0, %c0_i32 : i32, i32
  }
  func.func @transform_8(%arg0: i32) -> (i32, i32) {
    %c0_i32 = arith.constant 0 : i32
    %c0_i32_0 = arith.constant 0 : i32
    return %arg0, %c0_i32 : i32, i32
  }
  func.func @transform_9(%arg0: i32) -> (i32, i32) {
    %c0_i32 = arith.constant 0 : i32
    %c0_i32_0 = arith.constant 0 : i32
    return %arg0, %c0_i32 : i32, i32
  }
}

module attributes {stable_mosaic.version = 14 : i64} {
  func.func @_post_body(%arg0: i32, %arg1: memref<2x1000x64xf32, #tpu.memory_space<vmem>>, %arg2: memref<2x1000x16xf32, #tpu.memory_space<vmem>>, %arg3: memref<2x1000x64xf32, #tpu.memory_space<vmem>>, %arg4: memref<2x1000x16xf32, #tpu.memory_space<vmem>>, %arg5: memref<1000x64xf32, #tpu.memory_space<vmem>>, %arg6: memref<1000x64xf32, #tpu.memory_space<vmem>>, %arg7: memref<1x64xf32, #tpu.memory_space<vmem>>, %arg8: memref<1x64xf32, #tpu.memory_space<vmem>>, %arg9: memref<64x32xf32, #tpu.memory_space<vmem>>, %arg10: memref<1x32xf32, #tpu.memory_space<vmem>>, %arg11: memref<64x32xf32, #tpu.memory_space<vmem>>, %arg12: memref<1x32xf32, #tpu.memory_space<vmem>>, %arg13: memref<1000x32xf32, #tpu.memory_space<vmem>>, %arg14: memref<1000x32xf32, #tpu.memory_space<vmem>>) attributes {dimension_semantics = [#tpu.dimension_semantics<arbitrary>], iteration_bounds = array<i64: 10>, scalar_prefetch = 0 : i64, scratch_operands = 0 : i64, tpu.core_type = #tpu.core_type<tc>, window_params = [{transform_indices = @transform_0, window_bounds = array<i64: 2, 1000, 64>}, {transform_indices = @transform_1, window_bounds = array<i64: 2, 1000, 16>}, {transform_indices = @transform_2, window_bounds = array<i64: 2, 1000, 64>}, {transform_indices = @transform_3, window_bounds = array<i64: 2, 1000, 16>}, {transform_indices = @transform_4, window_bounds = array<i64: 1000, 64>}, {transform_indices = @transform_5, window_bounds = array<i64: 1000, 64>}, {pipeline_mode = #tpu.pipeline_mode<synchronous>, transform_indices = @transform_6, window_bounds = array<i64: 1, 64>}, {pipeline_mode = #tpu.pipeline_mode<synchronous>, transform_indices = @transform_7, window_bounds = array<i64: 1, 64>}, {pipeline_mode = #tpu.pipeline_mode<synchronous>, transform_indices = @transform_8, window_bounds = array<i64: 64, 32>}, {pipeline_mode = #tpu.pipeline_mode<synchronous>, transform_indices = @transform_9, window_bounds = array<i64: 1, 32>}, {pipeline_mode = #tpu.pipeline_mode<synchronous>, transform_indices = @transform_10, window_bounds = array<i64: 64, 32>}, {pipeline_mode = #tpu.pipeline_mode<synchronous>, transform_indices = @transform_11, window_bounds = array<i64: 1, 32>}, {transform_indices = @transform_12, window_bounds = array<i64: 1000, 32>}, {transform_indices = @transform_13, window_bounds = array<i64: 1000, 32>}]} {
    %get3A = arith.constant 0 : index
    %get3A_0 = arith.constant 0 : index
    %get3A_1 = arith.constant 0 : index
    %get3A_2 = vector.load %arg1[%get3A, %get3A_0, %get3A_1] : memref<2x1000x64xf32, #tpu.memory_space<vmem>>, vector<2x1000x64xf32>
    %get3A_3 = arith.constant 0 : index
    %get3A_4 = arith.constant 0 : index
    %get3A_5 = arith.constant 0 : index
    %get3A_6 = vector.load %arg2[%get3A_3, %get3A_4, %get3A_5] : memref<2x1000x16xf32, #tpu.memory_space<vmem>>, vector<2x1000x16xf32>
    %slice3A = vector.extract_strided_slice %get3A_2 {offsets = [0, 0, 0], sizes = [1, 1000, 64], strides = [1, 1, 1]} : vector<2x1000x64xf32> to vector<1x1000x64xf32>
    %squeeze3A = vector.shape_cast %slice3A : vector<1x1000x64xf32> to vector<1000x64xf32>
    %slice3A_7 = vector.extract_strided_slice %get3A_2 {offsets = [1, 0, 0], sizes = [1, 1000, 64], strides = [1, 1, 1]} : vector<2x1000x64xf32> to vector<1x1000x64xf32>
    %squeeze3A_8 = vector.shape_cast %slice3A_7 : vector<1x1000x64xf32> to vector<1000x64xf32>
    %add3A = arith.addf %squeeze3A, %squeeze3A_8 : vector<1000x64xf32>
    %slice3A_9 = vector.extract_strided_slice %get3A_6 {offsets = [0, 0, 0], sizes = [1, 1000, 16], strides = [1, 1, 1]} : vector<2x1000x16xf32> to vector<1x1000x16xf32>
    %squeeze3A_10 = vector.shape_cast %slice3A_9 : vector<1x1000x16xf32> to vector<1000x16xf32>
    %slice3A_11 = vector.extract_strided_slice %get3A_6 {offsets = [1, 0, 0], sizes = [1, 1000, 16], strides = [1, 1, 1]} : vector<2x1000x16xf32> to vector<1x1000x16xf32>
    %squeeze3A_12 = vector.shape_cast %slice3A_11 : vector<1x1000x16xf32> to vector<1000x16xf32>
    %add3A_13 = arith.addf %squeeze3A_10, %squeeze3A_12 : vector<1000x16xf32>
    %slice3A_14 = vector.extract_strided_slice %add3A_13 {offsets = [0, 0], sizes = [1000, 1], strides = [1, 1]} : vector<1000x16xf32> to vector<1000x1xf32>
    %max3A = arith.constant 1.000000e+00 : f32
    %max3A_15 = vector.broadcast %max3A : f32 to vector<1000x1xf32>
    %max3A_16 = arith.maximumf %slice3A_14, %max3A_15 : vector<1000x1xf32>
    %div3A = vector.broadcast %max3A_16 : vector<1000x1xf32> to vector<1000x64xf32>
    %div3A_17 = arith.divf %add3A, %div3A : vector<1000x64xf32>
    %get3A_18 = arith.constant 0 : index
    %get3A_19 = arith.constant 0 : index
    %get3A_20 = vector.load %arg5[%get3A_18, %get3A_19] : memref<1000x64xf32, #tpu.memory_space<vmem>>, vector<1000x64xf32>
    %add3A_21 = arith.addf %div3A_17, %get3A_20 : vector<1000x64xf32>
    %get3A_22 = arith.constant 0 : index
    %get3A_23 = arith.constant 0 : index
    %get3A_24 = vector.load %arg7[%get3A_22, %get3A_23] : memref<1x64xf32, #tpu.memory_space<vmem>>, vector<1x64xf32>
    %add3A_25 = vector.broadcast %get3A_24 : vector<1x64xf32> to vector<1000x64xf32>
    %add3A_26 = arith.addf %add3A_21, %add3A_25 : vector<1000x64xf32>
    %max3A_27 = arith.constant 0.000000e+00 : f32
    %max3A_28 = vector.broadcast %max3A_27 : f32 to vector<1000x64xf32>
    %max3A_29 = arith.maximumf %add3A_26, %max3A_28 : vector<1000x64xf32>
    %get3A_30 = arith.constant 0 : index
    %get3A_31 = arith.constant 0 : index
    %get3A_32 = vector.load %arg9[%get3A_30, %get3A_31] : memref<64x32xf32, #tpu.memory_space<vmem>>, vector<64x32xf32>
    %dot_general3A = arith.constant dense<0.000000e+00> : vector<1000x32xf32>
    %dot_general3A_33 = tpu.matmul %max3A_29, %get3A_32, %dot_general3A {dimension_numbers = #tpu.dot_dimension_numbers<[1], [0], [0], [1], [0, 0, 1, 1], [], []>, transpose_lhs_hint = false} : vector<1000x64xf32>, vector<64x32xf32>, vector<1000x32xf32> -> vector<1000x32xf32>
    %get3A_34 = arith.constant 0 : index
    %get3A_35 = arith.constant 0 : index
    %get3A_36 = vector.load %arg10[%get3A_34, %get3A_35] : memref<1x32xf32, #tpu.memory_space<vmem>>, vector<1x32xf32>
    %add3A_37 = vector.broadcast %get3A_36 : vector<1x32xf32> to vector<1000x32xf32>
    %add3A_38 = arith.addf %dot_general3A_33, %add3A_37 : vector<1000x32xf32>
    %swap3A = arith.constant 0 : index
    %swap3A_39 = arith.constant 0 : index
    %swap3A_40 = vector.load %arg13[%swap3A, %swap3A_39] : memref<1000x32xf32, #tpu.memory_space<vmem>>, vector<1000x32xf32>
    tpu.vector_store %arg13[%swap3A, %swap3A_39], %add3A_38 {strides = array<i32>} : memref<1000x32xf32, #tpu.memory_space<vmem>>, vector<1000x32xf32>,
    %get3A_41 = arith.constant 0 : index
    %get3A_42 = arith.constant 0 : index
    %get3A_43 = arith.constant 0 : index
    %get3A_44 = vector.load %arg3[%get3A_41, %get3A_42, %get3A_43] : memref<2x1000x64xf32, #tpu.memory_space<vmem>>, vector<2x1000x64xf32>
    %get3A_45 = arith.constant 0 : index
    %get3A_46 = arith.constant 0 : index
    %get3A_47 = arith.constant 0 : index
    %get3A_48 = vector.load %arg4[%get3A_45, %get3A_46, %get3A_47] : memref<2x1000x16xf32, #tpu.memory_space<vmem>>, vector<2x1000x16xf32>
    %slice3A_49 = vector.extract_strided_slice %get3A_44 {offsets = [0, 0, 0], sizes = [1, 1000, 64], strides = [1, 1, 1]} : vector<2x1000x64xf32> to vector<1x1000x64xf32>
    %squeeze3A_50 = vector.shape_cast %slice3A_49 : vector<1x1000x64xf32> to vector<1000x64xf32>
    %slice3A_51 = vector.extract_strided_slice %get3A_44 {offsets = [1, 0, 0], sizes = [1, 1000, 64], strides = [1, 1, 1]} : vector<2x1000x64xf32> to vector<1x1000x64xf32>
    %squeeze3A_52 = vector.shape_cast %slice3A_51 : vector<1x1000x64xf32> to vector<1000x64xf32>
    %add3A_53 = arith.addf %squeeze3A_50, %squeeze3A_52 : vector<1000x64xf32>
    %slice3A_54 = vector.extract_strided_slice %get3A_48 {offsets = [0, 0, 0], sizes = [1, 1000, 16], strides = [1, 1, 1]} : vector<2x1000x16xf32> to vector<1x1000x16xf32>
    %squeeze3A_55 = vector.shape_cast %slice3A_54 : vector<1x1000x16xf32> to vector<1000x16xf32>
    %slice3A_56 = vector.extract_strided_slice %get3A_48 {offsets = [1, 0, 0], sizes = [1, 1000, 16], strides = [1, 1, 1]} : vector<2x1000x16xf32> to vector<1x1000x16xf32>
    %squeeze3A_57 = vector.shape_cast %slice3A_56 : vector<1x1000x16xf32> to vector<1000x16xf32>
    %add3A_58 = arith.addf %squeeze3A_55, %squeeze3A_57 : vector<1000x16xf32>
    %slice3A_59 = vector.extract_strided_slice %add3A_58 {offsets = [0, 0], sizes = [1000, 1], strides = [1, 1]} : vector<1000x16xf32> to vector<1000x1xf32>
    %max3A_60 = arith.constant 1.000000e+00 : f32
    %max3A_61 = vector.broadcast %max3A_60 : f32 to vector<1000x1xf32>
    %max3A_62 = arith.maximumf %slice3A_59, %max3A_61 : vector<1000x1xf32>
    %div3A_63 = vector.broadcast %max3A_62 : vector<1000x1xf32> to vector<1000x64xf32>
    %div3A_64 = arith.divf %add3A_53, %div3A_63 : vector<1000x64xf32>
    %get3A_65 = arith.constant 0 : index
    %get3A_66 = arith.constant 0 : index
    %get3A_67 = vector.load %arg6[%get3A_65, %get3A_66] : memref<1000x64xf32, #tpu.memory_space<vmem>>, vector<1000x64xf32>
    %add3A_68 = arith.addf %div3A_64, %get3A_67 : vector<1000x64xf32>
    %get3A_69 = arith.constant 0 : index
    %get3A_70 = arith.constant 0 : index
    %get3A_71 = vector.load %arg8[%get3A_69, %get3A_70] : memref<1x64xf32, #tpu.memory_space<vmem>>, vector<1x64xf32>
    %add3A_72 = vector.broadcast %get3A_71 : vector<1x64xf32> to vector<1000x64xf32>
    %add3A_73 = arith.addf %add3A_68, %add3A_72 : vector<1000x64xf32>
    %max3A_74 = arith.constant 0.000000e+00 : f32
    %max3A_75 = vector.broadcast %max3A_74 : f32 to vector<1000x64xf32>
    %max3A_76 = arith.maximumf %add3A_73, %max3A_75 : vector<1000x64xf32>
    %get3A_77 = arith.constant 0 : index
    %get3A_78 = arith.constant 0 : index
    %get3A_79 = vector.load %arg11[%get3A_77, %get3A_78] : memref<64x32xf32, #tpu.memory_space<vmem>>, vector<64x32xf32>
    %dot_general3A_80 = arith.constant dense<0.000000e+00> : vector<1000x32xf32>
    %dot_general3A_81 = tpu.matmul %max3A_76, %get3A_79, %dot_general3A_80 {dimension_numbers = #tpu.dot_dimension_numbers<[1], [0], [0], [1], [0, 0, 1, 1], [], []>, transpose_lhs_hint = false} : vector<1000x64xf32>, vector<64x32xf32>, vector<1000x32xf32> -> vector<1000x32xf32>
    %get3A_82 = arith.constant 0 : index
    %get3A_83 = arith.constant 0 : index
    %get3A_84 = vector.load %arg12[%get3A_82, %get3A_83] : memref<1x32xf32, #tpu.memory_space<vmem>>, vector<1x32xf32>
    %add3A_85 = vector.broadcast %get3A_84 : vector<1x32xf32> to vector<1000x32xf32>
    %add3A_86 = arith.addf %dot_general3A_81, %add3A_85 : vector<1000x32xf32>
    %swap3A_87 = arith.constant 0 : index
    %swap3A_88 = arith.constant 0 : index
    %swap3A_89 = vector.load %arg14[%swap3A_87, %swap3A_88] : memref<1000x32xf32, #tpu.memory_space<vmem>>, vector<1000x32xf32>
    tpu.vector_store %arg14[%swap3A_87, %swap3A_88], %add3A_86 {strides = array<i32>} : memref<1000x32xf32, #tpu.memory_space<vmem>>, vector<1000x32xf32>,
    return
  }
  func.func @transform_0(%arg0: i32) -> (i32, i32, i32) {
    %c0_i32 = arith.constant 0 : i32
    %c0_i32_0 = arith.constant 0 : i32
    %c0_i32_1 = arith.constant 0 : i32
    return %c0_i32, %arg0, %c0_i32_0 : i32, i32, i32
  }
  func.func @transform_1(%arg0: i32) -> (i32, i32, i32) {
    %c0_i32 = arith.constant 0 : i32
    %c0_i32_0 = arith.constant 0 : i32
    %c0_i32_1 = arith.constant 0 : i32
    return %c0_i32, %arg0, %c0_i32_0 : i32, i32, i32
  }
  func.func @transform_2(%arg0: i32) -> (i32, i32, i32) {
    %c0_i32 = arith.constant 0 : i32
    %c0_i32_0 = arith.constant 0 : i32
    %c0_i32_1 = arith.constant 0 : i32
    return %c0_i32, %arg0, %c0_i32_0 : i32, i32, i32
  }
  func.func @transform_3(%arg0: i32) -> (i32, i32, i32) {
    %c0_i32 = arith.constant 0 : i32
    %c0_i32_0 = arith.constant 0 : i32
    %c0_i32_1 = arith.constant 0 : i32
    return %c0_i32, %arg0, %c0_i32_0 : i32, i32, i32
  }
  func.func @transform_4(%arg0: i32) -> (i32, i32) {
    %c0_i32 = arith.constant 0 : i32
    %c0_i32_0 = arith.constant 0 : i32
    return %arg0, %c0_i32 : i32, i32
  }
  func.func @transform_5(%arg0: i32) -> (i32, i32) {
    %c0_i32 = arith.constant 0 : i32
    %c0_i32_0 = arith.constant 0 : i32
    return %arg0, %c0_i32 : i32, i32
  }
  func.func @transform_6(%arg0: i32) -> (i32, i32) {
    %c0_i32 = arith.constant 0 : i32
    %c0_i32_0 = arith.constant 0 : i32
    %c0_i32_1 = arith.constant 0 : i32
    return %c0_i32, %c0_i32_0 : i32, i32
  }
  func.func @transform_7(%arg0: i32) -> (i32, i32) {
    %c0_i32 = arith.constant 0 : i32
    %c0_i32_0 = arith.constant 0 : i32
    %c0_i32_1 = arith.constant 0 : i32
    return %c0_i32, %c0_i32_0 : i32, i32
  }
  func.func @transform_8(%arg0: i32) -> (i32, i32) {
    %c0_i32 = arith.constant 0 : i32
    %c0_i32_0 = arith.constant 0 : i32
    %c0_i32_1 = arith.constant 0 : i32
    return %c0_i32, %c0_i32_0 : i32, i32
  }
  func.func @transform_9(%arg0: i32) -> (i32, i32) {
    %c0_i32 = arith.constant 0 : i32
    %c0_i32_0 = arith.constant 0 : i32
    %c0_i32_1 = arith.constant 0 : i32
    return %c0_i32, %c0_i32_0 : i32, i32
  }
  func.func @transform_10(%arg0: i32) -> (i32, i32) {
    %c0_i32 = arith.constant 0 : i32
    %c0_i32_0 = arith.constant 0 : i32
    %c0_i32_1 = arith.constant 0 : i32
    return %c0_i32, %c0_i32_0 : i32, i32
  }
  func.func @transform_11(%arg0: i32) -> (i32, i32) {
    %c0_i32 = arith.constant 0 : i32
    %c0_i32_0 = arith.constant 0 : i32
    %c0_i32_1 = arith.constant 0 : i32
    return %c0_i32, %c0_i32_0 : i32, i32
  }
  func.func @transform_12(%arg0: i32) -> (i32, i32) {
    %c0_i32 = arith.constant 0 : i32
    %c0_i32_0 = arith.constant 0 : i32
    return %arg0, %c0_i32 : i32, i32
  }
  func.func @transform_13(%arg0: i32) -> (i32, i32) {
    %c0_i32 = arith.constant 0 : i32
    %c0_i32_0 = arith.constant 0 : i32
    return %arg0, %c0_i32 : i32, i32
  }
}

</mosaic_0001>

<sc_bundles>
// kernel: kernel.5.cloned.1.call-start
scs
__scs_entry_jumppad:
0x0: {  	(pc) =	sbr.rel $0x88, $3  }
0x1: {  	(tag) =	ssettag $0x0;
	lr =	simm.s32 $0x1  }
0x2: {  	[smem:$0x3F93] =	sst lr;
	_ =	strace $0xD0000000  }
0x3: {  	_ = 	snop  }
0x4: {  	_ = 	snop  }
0x5: {  	_ = 	snop  }
0x6: {  	_ = 	snop  }
0x7: {  	_ = 	snop  }
__scs_overlays_trampoline_lowered:
0x8: {  	[smem:$0x3FA2] =	sst s0  }
0x9: {  	[smem:$0x3FA3] =	sst s1  }
0xa: {  	[smem:$0x3FA4] =	sst s2  }
0xb: {  	[smem:$0x3FA5] =	sst s3  }
0xc: {  	[smem:$0x3FA6] =	sst s4  }
0xd: {  	[smem:$0x3FA7] =	sst s5  }
0xe: {  	[smem:$0x3FA8] =	sst s6  }
0xf: {  	[smem:$0x3FA9] =	sst s7  }
0x10: {  	[smem:$0x3FAA] =	sst s8  }
0x11: {  	[smem:$0x3FAB] =	sst s9;
	s0 =	simm.s32 @!p0 $0x0  }
0x12: {  	s1 =	sld [smem:$0x3F91];
	s0 =	simm.s32 @p0 $0x1  }
0x13: {  	[smem:$0x3FAC] =	sst s0;
	s0 =	simm.s32 @!p1 $0x0  }
0x14: {  	s2 =	sld [smem:$0x3F90];
	s0 =	simm.s32 @p1 $0x1  }
0x15: {  	[smem:$0x3FAD] =	sst s0;
	s0 =	simm.s32 @!p2 $0x0  }
0x16: {  	s3 =	sld [smem:$0x3FDB];
	s0 =	simm.s32 @p2 $0x1  }
0x17: {  	s4 =	simm.s32 $0x1BF5;
	[smem:$0x3FAF] =	sst s0  }
0x18: {  	s0 =	sld [smem:$0x3F92];
	_ =	swait.ge [sflag:s4], $0x0  }
0x19: {  	s7 =	sld [smem:$0x3F93]  }
0x1a: {  	s8 =	sadd.s32 $0xFFFFE003, lr  }
0x1b: {  	s9 =	sadd.s32 $0xFFFFFEF7, lr;
	s5 =	simm.s32 $0xFFFFFFFF;
	p2 =	slt.u32 s8, $0xFFFFF086  }
0x1c: {  	p1 =	slt.u32 s9, $0xF7A;
	s5 =	simm.s32 @!p2 $0x0  }
0x1d: {  	s5 =	simm.s32 @p1 $0x1;
	p0 =	seq.s32 s7, s2  }
0x1e: {  	s7 =	smul.u32 @!p0 $0xF7A, s2;
	p2 =	seq.s32 @!p0 s5, $0x0  }
0x1f: {  	s9 =	smul.u32 $0xF7A, s1;
	s8 =	simm.s32 @!p0 $0x1BF5;
	p2 =	por !p2, p0  }
0x20: {  	[sflag:s8] =	ssyncset.s32 @!p0 $0xFFFFF086;
	s6 =	sadd.s32 @!p0 s3, s7;
	s7 =	simm.s32 @!p0 $0x108  }
0x21: {  	s3 =	sadd.s32 s3, s9;
	s6 =	sadd.s32 @!p0 $0x88, s6;
	s7 =	simm.s32 @p2 $0x1082  }
0x22: {  	[simem:s7], [sflag:s8] =	dma.local @!p0 [hbm:s6], $0xF7A  }
0x23: {  	s9 =	sor.u32 $0xD0000000, s2;
	s6 =	simm.s32 $0x108;
	_ =	swait.ge @!p0 [sflag:s8], $0x0  }
0x24: {  	s3 =	sadd.s32 $0x88, s3;
	s6 =	simm.s32 @!p1 $0x1082;
	[sflag:s4] =	ssyncset.s32 $0xFFFFF086  }
0x25: {  	[simem:s6], [sflag:s4] =	dma.local [hbm:s3], $0xF7A  }
0x26: {  	[smem:$0x3F93] =	sst s1;
	(tag) =	ssettag s2;
	_ =	strace s9  }
0x27: {  	s1 =	sld [smem:$0x3FA3]  }
0x28: {  	s2 =	sld [smem:$0x3FA4]  }
0x29: {  	s4 =	sld [smem:$0x3FA6]  }
0x2a: {  	p0 =	seq.s32 s5, $0x0;
	s5 =	sld [smem:$0x3FA7]  }
0x2b: {  	s6 =	sld [smem:$0x3FA8]  }
0x2c: {  	s7 =	sld [smem:$0x3FA9]  }
0x2d: {  	s3 =	simm.s32 $0x108;
	s8 =	sld [smem:$0x3FAA]  }
0x2e: {  	s3 =	simm.s32 @!p0 $0x1082;
	s9 =	sld [smem:$0x3FAB]  }
0x2f: {  	lr =	sadd.s32 s0, s3;
	s0 =	sld [smem:$0x3FA2]  }
0x30: {  	s3 =	sld [smem:$0x3FA5]  }
0x31: {  	[smem:$0x3FAE] =	sst s10  }
0x32: {  	s10 =	sld [smem:$0x3FAC];
	_ =	sdelay $0x3  }
0x33: {  	p0 =	seq.s32 s10, $0x1;
	s10 =	sld [smem:$0x3FAE];
	_ =	sdelay $0x3  }
0x34: {  	[smem:$0x3FAE] =	sst s10  }
0x35: {  	s10 =	sld [smem:$0x3FAD];
	_ =	sdelay $0x3  }
0x36: {  	p1 =	seq.s32 s10, $0x1;
	s10 =	sld [smem:$0x3FAE];
	_ =	sdelay $0x3  }
0x37: {  	[smem:$0x3FAE] =	sst s10  }
0x38: {  	s10 =	sld [smem:$0x3FAF]  }
0x39: {  	_ = 	snop;
	(pc) =	sbr.ind lr, $3  }
0x3a: {  	_ = 	snop  }
0x3b: {  	_ = 	snop  }
0x3c: {  	p2 =	seq.s32 s10, $0x1;
	s10 =	sld [smem:$0x3FAE]  }
0x3d: {  	_ =	shalt  }
0x3e: {  	_ =	shalt  }
0x3f: {  	_ =	shalt  }
0x40: {  	_ =	shalt  }
0x41: {  	_ =	shalt  }
0x42: {  	_ =	shalt  }
0x43: {  	_ =	shalt  }
0x44: {  	_ =	shalt  }
0x45: {  	_ =	shalt  }
0x46: {  	_ =	shalt  }
0x47: {  	_ =	shalt  }
0x48: {  	_ =	shalt  }
0x49: {  	_ =	shalt  }
0x4a: {  	_ =	shalt  }
0x4b: {  	_ =	shalt  }
0x4c: {  	_ =	shalt  }
0x4d: {  	_ =	shalt  }
0x4e: {  	_ =	shalt  }
0x4f: {  	_ =	shalt  }
0x50: {  	_ =	shalt  }
0x51: {  	_ =	shalt  }
0x52: {  	_ =	shalt  }
0x53: {  	_ =	shalt  }
0x54: {  	_ =	shalt  }
0x55: {  	_ =	shalt  }
0x56: {  	_ =	shalt  }
0x57: {  	_ =	shalt  }
0x58: {  	_ =	shalt  }
0x59: {  	_ =	shalt  }
0x5a: {  	_ =	shalt  }
0x5b: {  	_ =	shalt  }
0x5c: {  	_ =	shalt  }
0x5d: {  	_ =	shalt  }
0x5e: {  	_ =	shalt  }
0x5f: {  	_ =	shalt  }
0x60: {  	_ =	shalt  }
0x61: {  	_ =	shalt  }
0x62: {  	_ =	shalt  }
0x63: {  	_ =	shalt  }
0x64: {  	_ =	shalt  }
0x65: {  	_ =	shalt  }
0x66: {  	_ =	shalt  }
0x67: {  	_ =	shalt  }
0x68: {  	_ =	shalt  }
0x69: {  	_ =	shalt  }
0x6a: {  	_ =	shalt  }
0x6b: {  	_ =	shalt  }
0x6c: {  	_ =	shalt  }
0x6d: {  	_ =	shalt  }
0x6e: {  	_ =	shalt  }
0x6f: {  	_ =	shalt  }
0x70: {  	_ =	shalt  }
0x71: {  	_ =	shalt  }
0x72: {  	_ =	shalt  }
0x73: {  	_ =	shalt  }
0x74: {  	_ =	shalt  }
0x75: {  	_ =	shalt  }
0x76: {  	_ =	shalt  }
0x77: {  	_ =	shalt  }
0x78: {  	_ =	shalt  }
0x79: {  	_ =	shalt  }
0x7a: {  	_ =	shalt  }
0x7b: {  	_ =	shalt  }
0x7c: {  	_ =	shalt  }
0x7d: {  	_ =	shalt  }
0x7e: {  	_ =	shalt  }
0x7f: {  	_ =	shalt  }
0x80: {  	_ =	shalt  }
0x81: {  	_ =	shalt  }
0x82: {  	_ =	shalt  }
0x83: {  	_ =	shalt  }
0x84: {  	_ =	shalt  }
0x85: {  	_ =	shalt  }
0x86: {  	_ =	shalt  }
0x87: {  	_ =	shalt  }
.Lfunc_end0:
.L_simem_size_0:
called_computation_lowered:
.L_overlay_start_0:
0x88: {  	s2 =	sld [smem:$0x3FD9]  }
0x89: {  	s3 =	sld [smem:$0x3FFE];
	_ =	sdelay $0x1  }
0x8a: {  	s1 =	srdreg.scid  }
0x8b: {  	s0 =	sand.u32 $0x1, s1  }
0x8c: {  	s14 =	sshll.u32 s0, $0xA;
	s2 =	sadd.s32 s3, s2  }
0x8d: {  	s2 =	sadd.s32 s2, s14  }
0x8e: {  	[smem:$0x3FBA] =	sst s2  }
0x8f: {  	_ = 	snop  }
0x90: {  	s2 =	sld [smem:$0x3FD0];
	_ =	sdelay $0x2  }
0x91: {  	s15 =	simm.s32 $0xA;
	s4 =	simm.s32 $0x10  }
0x92: {  	[smem:s4], [sflag:s15] =	dma.local [hbm:s2], $0x1  }
0x93: {  	_ =	swait.eq [sflag:s15], $0x1  }
0x94: {  	[sflag:s15] =	ssyncset.done $0x0  }
0x95: {  	s16 =	sld [smem:$0x10];
	[sflag:s15] =	ssyncadd.s32 $0xFFFFFFFF  }
0x96: {  	s17 =	sld [smem:$0x11];
	(tm) =	ssettm $0x1  }
0x97: {  	s18 =	sld [smem:$0x3FFB];
	_ =	sdelay $0x3  }
0x98: {  	_ =	strace s18  }
0x99: {  	s4 =	sld [smem:$0x3FFC];
	_ =	sdelay $0x3  }
0x9a: {  	_ =	strace s4  }
0x9b: {  	s4 =	sld [smem:$0x3FFD];
	_ =	sdelay $0x3  }
0x9c: {  	_ =	strace s4  }
0x9d: {  	_ =	strace $0x8FFFFFFF  }
0x9e: {  	s19 =	sld [smem:$0x3FDB];
	_ =	sdelay $0x1  }
0x9f: {  	s5 =	simm.s32 $_scs_section_size  }
0xa0: {  	s6 =	simm.s32 $_size__tile_overlayer_lowered;
	s7 =	simm.s32 $_tile_overlayer_lowered  }
0xa1: {  	s22 =	simm.s32 $0x1BFF;
	s21 =	sshll.u32 s7, $0x1;
	s4 =	sadd.s32 s5, s19  }
0xa2: {  	s8 =	simm.s32 $0x0;
	s20 =	sshll.u32 s6, $0x1;
	s6 =	sadd.s32 s21, s4  }
0xa3: {  	[timem:s8], [sflag:s22] =	dma.local [hbm:s6], s20  }
0xa4: {  	_ =	swait.ge [sflag:s22], s20  }
0xa5: {  	s5 =	ssub.s32 $0x0, s20;
	[sflag:s22] =	ssyncset.done $0x0  }
0xa6: {  	[sflag:s22] =	ssyncadd.s32 s5;
	_ =	sdelay $0x1  }
0xa7: {  	s23 =	simm.s32 $0x1B8B  }
0xa8: {  	_ =	swait.ge [sflag:s23], $0x1  }
0xa9: {  	[sflag:s23] =	ssyncset.done $0x0  }
0xaa: {  	s25 =	simm.s32 $0x1B8E;
	s24 =	sld [smem:$0x3FFE];
	[sflag:s23] =	ssyncadd.s32 $0xFFFFFFFF  }
0xab: {  	s26 =	simm.s32 $execute0_lowered;
	[smem:$0x3FD2] =	sst s25  }
0xac: {  	s6 =	sshll.u32 s26, $0x1;
	_ =	strace $0x80000046;
	[dreg:$0x1] =	wrdreg $0xFFFFFFFF  }
0xad: {  	s28 =	simm.s32 $_size_execute0_lowered;
	s4 =	sadd.s32 s4, s6;
	[dreg:$0x0] =	wrdreg $0x0  }
0xae: {  	s6 =	sshll.u32 s28, $0x1;
	[dreg:$0x2] =	wrdreg s4  }
0xaf: {  	[dreg:$0x3] =	wrdreg s6  }
0xb0: {  	[dreg:$0x4] =	wrdreg $0xC0  }
0xb1: {  	_ =	task [dreg:s8], $0x5FFFF  }
0xb2: {  	[dreg:$0x1] =	wrdreg $0xFFFFFFFF  }
0xb3: {  	[dreg:$0x0] =	wrdreg $0x60  }
0xb4: {  	[dreg:$0x2] =	wrdreg s24  }
0xb5: {  	[dreg:$0x3] =	wrdreg s16  }
0xb6: {  	[dreg:$0x4] =	wrdreg s17  }
0xb7: {  	[dreg:$0x5] =	wrdreg $0x81600  }
0xb8: {  	[dreg:$0x6] =	wrdreg $0x121600  }
0xb9: {  	[dreg:$0x7] =	wrdreg $0x9  }
0xba: {  	_ =	task.clear_ibuf [dreg:s8], $0x8FFFF;
	_ =	strace $0x90000046  }
0xbb: {  	s29 =	simm.s32 $0x9;
	_ =	strace $0x80000048  }
0xbc: {  	_ =	swait.ge [sflag:s29], $0x1  }
0xbd: {  	[sflag:s29] =	ssyncadd.s32 $0xFFFFFFFF  }
0xbe: {  	_ =	strace $0x90000048  }
0xbf: {  	_ =	sfence  }
0xc0: {  	s30 =	sld [smem:$0x0];
	_ =	sdelay $0x2  }
0xc1: {  	s31 =	sshll.u32 s1, $0xD;
	s1 =	sshrl.u32 s1, $0x2  }
0xc2: {  	s3 =	sand.u32 $0x4000, s31;
	s1 =	sadd.s32 s1, s30  }
0xc3: {  	s0 =	sor.u32 s3, s0;
	s1 =	sshll.u32 s1, $0x11  }
0xc4: {  	s0 =	sor.u32 s1, s0  }
0xc5: {  	s0 =	sadd.s32 $0x8F2B, s0  }
0xc6: {  	[sflag:s0] =	ssyncadd.remote.s32 $0x1  }
0xc7: {  	_ =	sfence.sel $0xFFFF  }
0xc8: {  	[dreg:$0x0] =	wrdreg $0xFFFFFFFF;
	(pc) =	sbr.abs _section_cstart, $3  }
0xc9: {  	[dreg:$0x1] =	wrdreg $0xFFFFFFFF  }
0xca: {  	_ =	task.clear_ibuf [dreg:s8], $0x2FFFF;
	_ =	strace $0x9FFFFFFF  }
0xcb: {  	(tm) =	ssettm $0x7FFFFFFF  }
tec
execute0_lowered:
.L_overlay_start_1:
0x0: {  	(tag) =	ssettag $0x1  }
0x1: {  	s1 =	rddreg [dreg:$0x0]  }
0x2: {  	s0 =	srdreg.scid;
	s4 =	rddreg [dreg:$0x1]  }
0x3: {  	s15 =	stileid.u32;
	s9 =	rddreg [dreg:$0x2];
	s19 =	simm.s32 $0x0  }
0x4: {  	s28 =	simm.s32 $0x4EC0;
	s29 =	simm.s32 $0x6360;
	s30 =	simm.s32 $0x1  }
0x5: {  	s31 =	simm.s32 $0x4E70;
	s0 =	sand.u32 $0x1, s0;
	s7 =	smul.u32 $0xA000, s15  }
0x6: {  	[smem:$0x7FF] =	sst s19;
	s11 =	smul.u32 $0x2800, s15;
	s5 =	sadd.s32 $0x14A00, s1  }
0x7: {  	s6 =	sadd.s32 $0x1000, s1;
	s2 =	sshll.u32 s0, $0x4;
	s8 =	smul.u32 $0xA0000, s0  }
0x8: {  	s12 =	smul.u32 $0x28000, s0;
	s0 =	ssub.s32 $0x2, s0;
	s3 =	sor.u32 s15, s2  }
0x9: {  	s2 =	rddreg [dreg:$0x3];
	s14 =	sshrl.u32 s0, $0x1;
	s15 =	smul.u32 $0x280, s15  }
0xa: {  	s10 =	smul.u32 $0x4E2, s3;
	s3 =	rddreg [dreg:$0x4];
	_ =	strace $0x80000047  }
0xb: {  	s8 =	sadd.s32 s7, s8;
	s12 =	sadd.s32 s11, s12;
	s0 =	ssub.s32 s0, s14  }
0xc: {  	s7 =	sadd.s32 s7, s2;
	s8 =	sshrl.u32 s8, $0x3;
	s12 =	sshrl.u32 s12, $0x3  }
0xd: {  	s21 =	sor.u32 $0x50, s15;
	s23 =	sadd.s32 $0xA0, s15;
	s26 =	sadd.s32 $0xF0, s15  }
0xe: {  	s17 =	sadd.s32 $0x140, s15;
	s0 =	smax.u32 s0, $0x1;
	s13 =	sadd.s32 s10, s1  }
0xf: {  	s16 =	sadd.s32 s8, s1;
	s1 =	sadd.s32 s12, s1;
	s8 =	sadd.s32 s11, s3  }
0x10: {  	s22 =	sshll.u32 s21, $0x6;
	s11 =	sshll.u32 s21, $0x4;
	s24 =	sshll.u32 s23, $0x6  }
0x11: {  	s25 =	sshll.u32 s23, $0x4;
	s14 =	sshll.u32 s26, $0x6;
	s18 =	sshll.u32 s26, $0x4  }
0x12: {  	s20 =	sshll.u32 s17, $0x6;
	s23 =	sadd.s32 $0x190, s15;
	s4 =	sadd.s32 s4, s10  }
0x13: {  	s26 =	sadd.s32 $0x1E0, s15;
	[dreg:$0x17] =	wrdreg s0;
	s0 =	simm.s32 $0x4F60  }
0x14: {  	s12 =	sadd.s32 s22, s2;
	s11 =	sadd.s32 s11, s3;
	[dreg:$0xe] =	wrdreg s4  }
0x15: {  	s21 =	sadd.s32 s20, s2;
	s22 =	sshll.u32 s17, $0x4;
	[dreg:$0x6] =	wrdreg s12  }
0x16: {  	s17 =	sadd.s32 $0x28400, s13;
	[dreg:$0x7] =	wrdreg s11;
	s11 =	sadd.s32 s24, s2  }
0x17: {  	[dreg:$0xc] =	wrdreg s21;
	s24 =	sadd.s32 s9, s10;
	s10 =	sshll.u32 s23, $0x4  }
0x18: {  	s12 =	sadd.s32 $0x230, s15;
	s9 =	sshll.u32 s26, $0x4;
	[dreg:$0x12] =	wrdreg s17  }
0x19: {  	s15 =	sadd.s32 $0x32200, s13;
	s17 =	simm.s32 $0x3;
	[dreg:$0x8] =	wrdreg s11  }
0x1a: {  	s11 =	sadd.s32 s25, s3;
	[dreg:$0xf] =	wrdreg s24;
	s25 =	sshll.u32 s23, $0x6  }
0x1b: {  	s20 =	sadd.s32 s10, s3;
	[dreg:$0x11] =	wrdreg s15;
	s10 =	simm.s32 $0x0  }
0x1c: {  	[dreg:$0x9] =	wrdreg s11;
	s11 =	sadd.s32 s14, s2;
	s4 =	sadd.s32 s25, s2  }
0x1d: {  	s14 =	sshll.u32 s12, $0x6;
	s25 =	sadd.s32 $0x3C000, s16;
	[dreg:$0xa] =	wrdreg s11  }
0x1e: {  	s11 =	sadd.s32 s18, s3;
	[dreg:$0x10] =	wrdreg s4;
	s4 =	sshll.u32 s12, $0x4  }
0x1f: {  	s23 =	sadd.s32 s14, s2;
	s18 =	sadd.s32 $0x6E000, s16;
	[dreg:$0x14] =	wrdreg s25  }
0x20: {  	s25 =	simm.s32 $0x50;
	[dreg:$0xb] =	wrdreg s11;
	s11 =	sadd.s32 s22, s3  }
0x21: {  	s22 =	sadd.s32 s9, s3;
	s24 =	sadd.s32 s4, s3;
	[dreg:$0x13] =	wrdreg s18  }
0x22: {  	s18 =	simm.s32 $0x7C60;
	s4 =	simm.s32 $0x2;
	s9 =	simm.s32 $0x4F10  }
0x23: {  	[dreg:$0xd] =	wrdreg s11;
	s11 =	sshll.u32 s26, $0x6;
	s26 =	sadd.s32 $0x96000, s1  }
0x24: {  	s1 =	sadd.s32 $0x64000, s1;
	s21 =	sadd.s32 s11, s2;
	[dreg:$0x15] =	wrdreg s26  }
0x25: {  	v0 =	vimm.f32 $1.000000000e+00;
	v1 =	vimm.f32 $0.0e+00;
	[dreg:$0x16] =	wrdreg s1;
	s26 =	simm.s32 $0x4E20;
	s1 =	simm.s32 $0x7760  }
.LBB2_1:
0x26: {  	s11 =	simm.s32 $0x0  }
.LBB2_2:
0x27: {  	p0 =	sne.s32 s11, $0x13C0  }
.Ltmp0:
0x28: {  	_ = 	snop;
	(pc) =	sbr.rel @p0 .LBB2_2-.Ltmp0, $4  }
0x29: {  	_ = 	snop  }
0x2a: {  	s12 =	sshra.s32 s11, $0x2  }
0x2b: {  	[tilespmem:s12+$0x7760] =	vst v0  }
0x2c: {  	s11 =	sadd.s32 $0x40, s11;
	[tilespmem:s12+$0x7C60] =	vst v1  }
0x2d: {  	s12 =	simm.s32 $0x100;
	s11 =	simm.s32 $0x0  }
.LBB2_4:
0x2e: {  	p0 =	sne.s32 s12, $0x4F00;
	[tilespmem:s11+$0x4F90] =	vst v1;
	s13 =	smov.u32 s12;
	s12 =	sadd.s32 $0x100, s12  }
.Ltmp1:
0x2f: {  	[tilespmem:s11+$0x4F80] =	vst v1;
	(pc) =	sbr.rel @p0 .LBB2_4-.Ltmp1, $3  }
0x30: {  	[tilespmem:s11+$0x4F60] =	vst v1  }
0x31: {  	[tilespmem:s11+$0x4F70] =	vst v1;
	_ =	sdelay $0x1  }
0x32: {  	s11 =	sshra.s32 s13, $0x2  }
0x33: {  	[tilespmem:s11+$0x4F90] =	vst v1  }
0x34: {  	[tilespmem:s11+$0x4F80] =	vst v1  }
0x35: {  	[tilespmem:s11+$0x4F60] =	vst v1  }
0x36: {  	[tilespmem:s11+$0x4F70] =	vst v1  }
0x37: {  	[spmem:s7] =	stream.linear.scatter [tilespmem:s0], [sflag:$0x3], $0x1400, $0x38;
	[tilespmem:$0x14960] =	vst v63  }
0x38: {  	_ =	swait.ge [sflag:s17], $0x1400  }
0x39: {  	[sflag:s17] =	ssyncset.done $0x0  }
0x3a: {  	[sflag:s17] =	ssyncadd.s32 $0xFFFFEC00  }
0x3b: {  	[spmem:s8] =	stream.linear.scatter [tilespmem:s18], [sflag:$0x3], $0x500, $0x38;
	[tilespmem:$0x14960] =	vst v63  }
0x3c: {  	_ =	swait.ge [sflag:s17], $0x500  }
0x3d: {  	[sflag:s17] =	ssyncset.done $0x0  }
0x3e: {  	s15 =	rddreg [dreg:$0x6];
	[sflag:s17] =	ssyncadd.s32 $0xFFFFFB00  }
0x3f: {  	[spmem:s15] =	stream.linear.scatter [tilespmem:s0], [sflag:$0x3], $0x1400, $0x38;
	[tilespmem:$0x14960] =	vst v63  }
0x40: {  	_ =	swait.ge [sflag:s17], $0x1400  }
0x41: {  	[sflag:s17] =	ssyncset.done $0x0  }
0x42: {  	s16 =	rddreg [dreg:$0x7];
	[sflag:s17] =	ssyncadd.s32 $0xFFFFEC00  }
0x43: {  	[spmem:s16] =	stream.linear.scatter [tilespmem:s18], [sflag:$0x3], $0x500, $0x38;
	[tilespmem:$0x14960] =	vst v63  }
0x44: {  	_ =	swait.ge [sflag:s17], $0x500  }
0x45: {  	[sflag:s17] =	ssyncset.done $0x0  }
0x46: {  	s12 =	rddreg [dreg:$0x8];
	[sflag:s17] =	ssyncadd.s32 $0xFFFFFB00  }
0x47: {  	[spmem:s12] =	stream.linear.scatter [tilespmem:s0], [sflag:$0x3], $0x1400, $0x38;
	[tilespmem:$0x14960] =	vst v63  }
0x48: {  	_ =	swait.ge [sflag:s17], $0x1400  }
0x49: {  	[sflag:s17] =	ssyncset.done $0x0  }
0x4a: {  	s13 =	rddreg [dreg:$0x9];
	[sflag:s17] =	ssyncadd.s32 $0xFFFFEC00  }
0x4b: {  	[spmem:s13] =	stream.linear.scatter [tilespmem:s18], [sflag:$0x3], $0x500, $0x38;
	[tilespmem:$0x14960] =	vst v63  }
0x4c: {  	_ =	swait.ge [sflag:s17], $0x500  }
0x4d: {  	[sflag:s17] =	ssyncset.done $0x0  }
0x4e: {  	s14 =	rddreg [dreg:$0xa];
	[sflag:s17] =	ssyncadd.s32 $0xFFFFFB00  }
0x4f: {  	[spmem:s14] =	stream.linear.scatter [tilespmem:s0], [sflag:$0x3], $0x1400, $0x38;
	[tilespmem:$0x14960] =	vst v63  }
0x50: {  	_ =	swait.ge [sflag:s17], $0x1400  }
0x51: {  	[sflag:s17] =	ssyncset.done $0x0  }
0x52: {  	s15 =	rddreg [dreg:$0xb];
	[sflag:s17] =	ssyncadd.s32 $0xFFFFEC00  }
0x53: {  	[spmem:s15] =	stream.linear.scatter [tilespmem:s18], [sflag:$0x3], $0x500, $0x38;
	[tilespmem:$0x14960] =	vst v63  }
0x54: {  	_ =	swait.ge [sflag:s17], $0x500  }
0x55: {  	[sflag:s17] =	ssyncset.done $0x0  }
0x56: {  	s16 =	rddreg [dreg:$0xc];
	[sflag:s17] =	ssyncadd.s32 $0xFFFFFB00  }
0x57: {  	[spmem:s16] =	stream.linear.scatter [tilespmem:s0], [sflag:$0x3], $0x1400, $0x38;
	[tilespmem:$0x14960] =	vst v63  }
0x58: {  	_ =	swait.ge [sflag:s17], $0x1400  }
0x59: {  	[sflag:s17] =	ssyncset.done $0x0  }
0x5a: {  	s12 =	rddreg [dreg:$0xd];
	[sflag:s17] =	ssyncadd.s32 $0xFFFFEC00  }
0x5b: {  	[spmem:s12] =	stream.linear.scatter [tilespmem:s18], [sflag:$0x3], $0x500, $0x38;
	[tilespmem:$0x14960] =	vst v63  }
0x5c: {  	_ =	swait.ge [sflag:s17], $0x500  }
0x5d: {  	[sflag:s17] =	ssyncset.done $0x0  }
0x5e: {  	s13 =	rddreg [dreg:$0x10];
	[sflag:s17] =	ssyncadd.s32 $0xFFFFFB00  }
0x5f: {  	[spmem:s13] =	stream.linear.scatter [tilespmem:s0], [sflag:$0x3], $0x1400, $0x38;
	[tilespmem:$0x14960] =	vst v63  }
0x60: {  	_ =	swait.ge [sflag:s17], $0x1400  }
0x61: {  	[sflag:s17] =	ssyncset.done $0x0  }
0x62: {  	[sflag:s17] =	ssyncadd.s32 $0xFFFFEC00  }
0x63: {  	[spmem:s20] =	stream.linear.scatter [tilespmem:s18], [sflag:$0x3], $0x500, $0x38;
	[tilespmem:$0x14960] =	vst v63  }
0x64: {  	_ =	swait.ge [sflag:s17], $0x500  }
0x65: {  	[sflag:s17] =	ssyncset.done $0x0  }
0x66: {  	[sflag:s17] =	ssyncadd.s32 $0xFFFFFB00  }
0x67: {  	[spmem:s21] =	stream.linear.scatter [tilespmem:s0], [sflag:$0x3], $0x1400, $0x38;
	[tilespmem:$0x14960] =	vst v63  }
0x68: {  	_ =	swait.ge [sflag:s17], $0x1400  }
0x69: {  	[sflag:s17] =	ssyncset.done $0x0  }
0x6a: {  	[sflag:s17] =	ssyncadd.s32 $0xFFFFEC00  }
0x6b: {  	[spmem:s22] =	stream.linear.scatter [tilespmem:s18], [sflag:$0x3], $0x500, $0x38;
	[tilespmem:$0x14960] =	vst v63  }
0x6c: {  	_ =	swait.ge [sflag:s17], $0x500  }
0x6d: {  	[sflag:s17] =	ssyncset.done $0x0  }
0x6e: {  	[sflag:s17] =	ssyncadd.s32 $0xFFFFFB00  }
0x6f: {  	[spmem:s23] =	stream.linear.scatter [tilespmem:s0], [sflag:$0x3], $0x1400, $0x38;
	[tilespmem:$0x14960] =	vst v63  }
0x70: {  	_ =	swait.ge [sflag:s17], $0x1400  }
0x71: {  	[sflag:s17] =	ssyncset.done $0x0  }
0x72: {  	[sflag:s17] =	ssyncadd.s32 $0xFFFFEC00  }
0x73: {  	[spmem:s24] =	stream.linear.scatter [tilespmem:s18], [sflag:$0x3], $0x500, $0x38;
	[tilespmem:$0x14960] =	vst v63  }
0x74: {  	_ =	swait.ge [sflag:s17], $0x500  }
0x75: {  	[sflag:s17] =	ssyncset.done $0x0  }
0x76: {  	s14 =	rddreg [dreg:$0xe];
	[sflag:s17] =	ssyncadd.s32 $0xFFFFFB00  }
0x77: {  	[tilespmem:s19], [sflag:$0x3] =	stream.linear.gather [hbm4b:s14+s19], $0x2710, $0x38;
	[tilespmem:$0x14960] =	vst v63  }
0x78: {  	_ =	swait.ge [sflag:s17], $0x2710  }
0x79: {  	[sflag:s17] =	ssyncset.done $0x0  }
0x7a: {  	s12 =	simm.s32 $0x2710;
	s15 =	rddreg [dreg:$0xf];
	[sflag:s17] =	ssyncadd.s32 $0xFFFFD8F0  }
0x7b: {  	[tilespmem:s12], [sflag:$0x3] =	stream.linear.gather [hbm4b:s15+s19], $0x2710, $0x38;
	[tilespmem:$0x14960] =	vst v63  }
0x7c: {  	_ =	swait.ge [sflag:s17], $0x2710  }
0x7d: {  	[sflag:s17] =	ssyncset.done $0x0  }
0x7e: {  	[sflag:s17] =	ssyncadd.s32 $0xFFFFD8F0  }
0x7f: {  	[bflag:$0x0] =	sbarrier.arrive $0xFFFF  }
0x80: {  	v2 =	vld [tilespmem:$0x0]  }
0x81: {  	v3 =	vld [tilespmem:$0x2710]  }
0x82: {  	v4 =	vld [tilespmem:$0x10]  }
0x83: {  	v5 =	vld [tilespmem:$0x2720]  }
0x84: {  	v6 =	vld [tilespmem:$0x20]  }
0x85: {  	v61 =	vld [tilespmem:$0x2740];
	[tilespmem:$0x4E20] =	vst v2  }
0x86: {  	v62 =	vld [tilespmem:$0x40];
	[tilespmem:$0x4E70] =	vst v3  }
0x87: {  	v63 =	vld [tilespmem:$0x2750];
	[tilespmem:$0x4E30] =	vst v4  }
0x88: {  	v2 =	vld [tilespmem:$0x2730];
	[tilespmem:$0x4E80] =	vst v5  }
0x89: {  	v3 =	vld [tilespmem:$0x30];
	[tilespmem:$0x4E40] =	vst v6  }
0x8a: {  	[tilespmem:$0x4EA0] =	vst v61  }
0x8b: {  	[tilespmem:$0x4E60] =	vst v62  }
0x8c: {  	[tilespmem:$0x4EB0] =	vst v63  }
0x8d: {  	[tilespmem:$0x4E90] =	vst v2  }
0x8e: {  	s16 =	simm.s32 $0xE0;
	[tilespmem:$0x4E50] =	vst v3  }
0x8f: {  	[tilespmem:s0], [sflag:$0x1] =	stream.indirect.gather [hbm4b:s5+s25], $0x40, s26, s25, $0xb8;
	[tilespmem:$0x14960] =	vst v63  }
0x90: {  	v2 =	vld [tilespmem:s16+$0xFFFFFF70];
	_ =	sdelay $0x4  }
0x91: {  	[tilespmem:$0x4EC0] =	vst v2  }
0x92: {  	v2 =	vld [tilespmem:s16+$0x2680];
	_ =	sdelay $0x4  }
0x93: {  	[tilespmem:$0x4F10] =	vst v2  }
0x94: {  	v2 =	vld [tilespmem:s16+$0xFFFFFF80];
	_ =	sdelay $0x4  }
0x95: {  	[tilespmem:$0x4ED0] =	vst v2  }
0x96: {  	v2 =	vld [tilespmem:s16+$0x2690];
	_ =	sdelay $0x4  }
0x97: {  	[tilespmem:$0x4F20] =	vst v2  }
0x98: {  	v2 =	vld [tilespmem:s16+$0xFFFFFF90];
	_ =	sdelay $0x4  }
0x99: {  	[tilespmem:$0x4EE0] =	vst v2  }
0x9a: {  	v2 =	vld [tilespmem:s16+$0x26A0];
	_ =	sdelay $0x4  }
0x9b: {  	[tilespmem:$0x4F30] =	vst v2  }
0x9c: {  	v2 =	vld [tilespmem:s16+$0xFFFFFFA0];
	_ =	sdelay $0x4  }
0x9d: {  	[tilespmem:$0x4EF0] =	vst v2  }
0x9e: {  	v2 =	vld [tilespmem:s16+$0x26B0];
	_ =	sdelay $0x4  }
0x9f: {  	[tilespmem:$0x4F40] =	vst v2  }
0xa0: {  	v2 =	vld [tilespmem:s16+$0xFFFFFFB0];
	_ =	sdelay $0x4  }
0xa1: {  	[tilespmem:$0x4F00] =	vst v2  }
0xa2: {  	v2 =	vld [tilespmem:s16+$0x26C0];
	_ =	sdelay $0x4  }
0xa3: {  	[tilespmem:$0x4F50] =	vst v2  }
0xa4: {  	[tilespmem:s29], [sflag:$0x2] =	stream.indirect.gather [hbm4b:s5+s25], $0x40, s28, s25, $0xb8;
	[tilespmem:$0x14960] =	vst v63  }
0xa5: {  	_ =	swait.ge [sflag:s30], $0x1400  }
0xa6: {  	[sflag:s30] =	ssyncset.done $0x0  }
0xa7: {  	[sflag:s30] =	ssyncadd.s32 $0xFFFFEC00  }
0xa8: {  	[spmem:s2] =	stream.indirect.scatter.add.f32 [tilespmem:s0], [sflag:$0x3], $0x40, s31, s25, $0xb8;
	[tilespmem:$0x14960] =	vst v63  }
0xa9: {  	_ =	swait.ge [sflag:s17], $0x1400  }
0xaa: {  	[sflag:s17] =	ssyncset.done $0x0  }
0xab: {  	[sflag:s17] =	ssyncadd.s32 $0xFFFFEC00  }
0xac: {  	[spmem:s3] =	stream.indirect.scatter.add.f32 [tilespmem:s1], [sflag:$0x3], $0x10, s31, s25, $0xb8;
	[tilespmem:$0x14960] =	vst v63  }
0xad: {  	_ =	swait.ge [sflag:s17], $0x500  }
0xae: {  	[sflag:s17] =	ssyncset.done $0x0  }
0xaf: {  	[sflag:s17] =	ssyncadd.s32 $0xFFFFFB00  }
0xb0: {  	v2 =	vld [tilespmem:s16+$0xFFFFFFC0];
	_ =	sdelay $0x4  }
0xb1: {  	[tilespmem:$0x4E20] =	vst v2  }
0xb2: {  	v2 =	vld [tilespmem:s16+$0x26D0];
	_ =	sdelay $0x4  }
0xb3: {  	[tilespmem:$0x4E70] =	vst v2  }
0xb4: {  	v2 =	vld [tilespmem:s16+$0xFFFFFFD0];
	_ =	sdelay $0x4  }
0xb5: {  	[tilespmem:$0x4E30] =	vst v2  }
0xb6: {  	v2 =	vld [tilespmem:s16+$0x26E0];
	_ =	sdelay $0x4  }
0xb7: {  	[tilespmem:$0x4E80] =	vst v2  }
0xb8: {  	v2 =	vld [tilespmem:s16+$0xFFFFFFE0];
	_ =	sdelay $0x4  }
0xb9: {  	[tilespmem:$0x4E40] =	vst v2  }
0xba: {  	v2 =	vld [tilespmem:s16+$0x26F0];
	_ =	sdelay $0x4  }
0xbb: {  	[tilespmem:$0x4E90] =	vst v2  }
0xbc: {  	v2 =	vld [tilespmem:s16+$0xFFFFFFF0];
	_ =	sdelay $0x4  }
0xbd: {  	[tilespmem:$0x4E50] =	vst v2  }
0xbe: {  	v2 =	vld [tilespmem:s16+$0x2700];
	_ =	sdelay $0x4  }
0xbf: {  	[tilespmem:$0x4EA0] =	vst v2  }
0xc0: {  	v2 =	vld [tilespmem:s16+$0x0];
	_ =	sdelay $0x4  }
0xc1: {  	[tilespmem:$0x4E60] =	vst v2  }
0xc2: {  	v2 =	vld [tilespmem:s16+$0x2710];
	_ =	sdelay $0x4  }
0xc3: {  	[tilespmem:$0x4EB0] =	vst v2  }
0xc4: {  	[tilespmem:s0], [sflag:$0x1] =	stream.indirect.gather [hbm4b:s5+s25], $0x40, s26, s25, $0xb8;
	[tilespmem:$0x14960] =	vst v63  }
0xc5: {  	_ =	swait.ge [sflag:s4], $0x1400  }
0xc6: {  	[sflag:s4] =	ssyncset.done $0x0  }
0xc7: {  	[sflag:s4] =	ssyncadd.s32 $0xFFFFEC00  }
0xc8: {  	[spmem:s2] =	stream.indirect.scatter.add.f32 [tilespmem:s29], [sflag:$0x3], $0x40, s9, s25, $0xb8;
	[tilespmem:$0x14960] =	vst v63  }
0xc9: {  	_ =	swait.ge [sflag:s17], $0x1400  }
0xca: {  	[sflag:s17] =	ssyncset.done $0x0  }
0xcb: {  	[sflag:s17] =	ssyncadd.s32 $0xFFFFEC00  }
0xcc: {  	[spmem:s3] =	stream.indirect.scatter.add.f32 [tilespmem:s1], [sflag:$0x3], $0x10, s9, s25, $0xb8;
	[tilespmem:$0x14960] =	vst v63  }
0xcd: {  	_ =	swait.ge [sflag:s17], $0x500  }
0xce: {  	s11 =	simm.s32 $0x600;
	s14 =	simm.s32 $0x880;
	[sflag:s17] =	ssyncset.done $0x0  }
.LBB2_6:
0xcf: {  	s13 =	sshra.s32 s11, $0x2  }
0xd0: {  	[sflag:s17] =	ssyncadd.s32 $0xFFFFFB00;
	s11 =	smov.u32 s14;
	s12 =	sadd.s32 $0x280, s14  }
0xd1: {  	p0 =	sne.s32 s14, $0x9C00;
	v2 =	vld [tilespmem:s13+$0xFFFFFF70];
	_ =	sdelay $0x4  }
0xd2: {  	[tilespmem:$0x4EC0] =	vst v2  }
0xd3: {  	v2 =	vld [tilespmem:s13+$0x2680];
	_ =	sdelay $0x4  }
0xd4: {  	[tilespmem:$0x4F10] =	vst v2  }
0xd5: {  	v2 =	vld [tilespmem:s13+$0xFFFFFF80];
	_ =	sdelay $0x4  }
0xd6: {  	[tilespmem:$0x4ED0] =	vst v2  }
0xd7: {  	v2 =	vld [tilespmem:s13+$0x2690];
	_ =	sdelay $0x4  }
0xd8: {  	[tilespmem:$0x4F20] =	vst v2  }
0xd9: {  	v2 =	vld [tilespmem:s13+$0xFFFFFF90];
	_ =	sdelay $0x4  }
0xda: {  	[tilespmem:$0x4EE0] =	vst v2  }
0xdb: {  	v2 =	vld [tilespmem:s13+$0x26A0];
	_ =	sdelay $0x4  }
0xdc: {  	[tilespmem:$0x4F30] =	vst v2  }
0xdd: {  	v2 =	vld [tilespmem:s13+$0xFFFFFFA0];
	_ =	sdelay $0x4  }
0xde: {  	[tilespmem:$0x4EF0] =	vst v2  }
0xdf: {  	v2 =	vld [tilespmem:s13+$0x26B0];
	_ =	sdelay $0x4  }
0xe0: {  	[tilespmem:$0x4F40] =	vst v2  }
0xe1: {  	v2 =	vld [tilespmem:s13+$0xFFFFFFB0];
	_ =	sdelay $0x4  }
0xe2: {  	[tilespmem:$0x4F00] =	vst v2  }
0xe3: {  	v2 =	vld [tilespmem:s13+$0x26C0];
	_ =	sdelay $0x4  }
0xe4: {  	[tilespmem:$0x4F50] =	vst v2  }
0xe5: {  	[tilespmem:s29], [sflag:$0x2] =	stream.indirect.gather [hbm4b:s5+s25], $0x40, s28, s25, $0xb8;
	[tilespmem:$0x14960] =	vst v63  }
0xe6: {  	_ =	swait.ge [sflag:s30], $0x1400  }
0xe7: {  	[sflag:s30] =	ssyncset.done $0x0  }
0xe8: {  	[sflag:s30] =	ssyncadd.s32 $0xFFFFEC00  }
0xe9: {  	[spmem:s2] =	stream.indirect.scatter.add.f32 [tilespmem:s0], [sflag:$0x3], $0x40, s31, s25, $0xb8;
	[tilespmem:$0x14960] =	vst v63  }
0xea: {  	_ =	swait.ge [sflag:s17], $0x1400  }
0xeb: {  	[sflag:s17] =	ssyncset.done $0x0  }
0xec: {  	[sflag:s17] =	ssyncadd.s32 $0xFFFFEC00  }
0xed: {  	[spmem:s3] =	stream.indirect.scatter.add.f32 [tilespmem:s1], [sflag:$0x3], $0x10, s31, s25, $0xb8;
	[tilespmem:$0x14960] =	vst v63  }
0xee: {  	_ =	swait.ge [sflag:s17], $0x500  }
0xef: {  	[sflag:s17] =	ssyncset.done $0x0  }
0xf0: {  	[sflag:s17] =	ssyncadd.s32 $0xFFFFFB00  }
0xf1: {  	v2 =	vld [tilespmem:s13+$0xFFFFFFC0];
	_ =	sdelay $0x4  }
0xf2: {  	[tilespmem:$0x4E20] =	vst v2  }
0xf3: {  	v2 =	vld [tilespmem:s13+$0x26D0];
	_ =	sdelay $0x4  }
0xf4: {  	[tilespmem:$0x4E70] =	vst v2  }
0xf5: {  	v2 =	vld [tilespmem:s13+$0xFFFFFFD0];
	_ =	sdelay $0x4  }
0xf6: {  	[tilespmem:$0x4E30] =	vst v2  }
0xf7: {  	v2 =	vld [tilespmem:s13+$0x26E0];
	_ =	sdelay $0x4  }
0xf8: {  	[tilespmem:$0x4E80] =	vst v2  }
0xf9: {  	v2 =	vld [tilespmem:s13+$0xFFFFFFE0];
	_ =	sdelay $0x4  }
0xfa: {  	[tilespmem:$0x4E40] =	vst v2  }
0xfb: {  	v2 =	vld [tilespmem:s13+$0x26F0];
	_ =	sdelay $0x4  }
0xfc: {  	[tilespmem:$0x4E90] =	vst v2  }
0xfd: {  	v2 =	vld [tilespmem:s13+$0xFFFFFFF0];
	_ =	sdelay $0x4  }
0xfe: {  	[tilespmem:$0x4E50] =	vst v2  }
0xff: {  	v2 =	vld [tilespmem:s13+$0x2700];
	_ =	sdelay $0x4  }
0x100: {  	[tilespmem:$0x4EA0] =	vst v2  }
0x101: {  	v2 =	vld [tilespmem:s13+$0x0];
	_ =	sdelay $0x4  }
0x102: {  	[tilespmem:$0x4E60] =	vst v2  }
0x103: {  	v2 =	vld [tilespmem:s13+$0x2710];
	_ =	sdelay $0x4  }
0x104: {  	[tilespmem:$0x4EB0] =	vst v2  }
0x105: {  	[tilespmem:s0], [sflag:$0x1] =	stream.indirect.gather [hbm4b:s5+s25], $0x40, s26, s25, $0xb8;
	[tilespmem:$0x14960] =	vst v63  }
0x106: {  	_ =	swait.ge [sflag:s4], $0x1400  }
0x107: {  	[sflag:s4] =	ssyncset.done $0x0  }
0x108: {  	[sflag:s4] =	ssyncadd.s32 $0xFFFFEC00  }
0x109: {  	[spmem:s2] =	stream.indirect.scatter.add.f32 [tilespmem:s29], [sflag:$0x3], $0x40, s9, s25, $0xb8;
	[tilespmem:$0x14960] =	vst v63  }
0x10a: {  	_ =	swait.ge [sflag:s17], $0x1400  }
.Ltmp2:
0x10b: {  	[sflag:s17] =	ssyncset.done $0x0;
	(pc) =	sbr.rel @p0 .LBB2_6-.Ltmp2, $4  }
0x10c: {  	[sflag:s17] =	ssyncadd.s32 $0xFFFFEC00  }
0x10d: {  	[spmem:s3] =	stream.indirect.scatter.add.f32 [tilespmem:s1], [sflag:$0x3], $0x10, s9, s25, $0xb8;
	[tilespmem:$0x14960] =	vst v63  }
0x10e: {  	_ =	swait.ge [sflag:s17], $0x500  }
0x10f: {  	s14 =	smov.u32 s12;
	[sflag:s17] =	ssyncset.done $0x0  }
0x110: {  	s11 =	sshra.s32 s11, $0x2;
	[sflag:s17] =	ssyncadd.s32 $0xFFFFFB00  }
0x111: {  	v2 =	vld [tilespmem:s11+$0xFFFFFF70];
	_ =	sdelay $0x4  }
0x112: {  	[tilespmem:$0x4EC0] =	vst v2  }
0x113: {  	v2 =	vld [tilespmem:s11+$0x2680];
	_ =	sdelay $0x4  }
0x114: {  	[tilespmem:$0x4F10] =	vst v2  }
0x115: {  	v2 =	vld [tilespmem:s11+$0xFFFFFF80];
	_ =	sdelay $0x4  }
0x116: {  	[tilespmem:$0x4ED0] =	vst v2  }
0x117: {  	v2 =	vld [tilespmem:s11+$0x2690];
	_ =	sdelay $0x4  }
0x118: {  	[tilespmem:$0x4F20] =	vst v2  }
0x119: {  	v2 =	vld [tilespmem:s11+$0xFFFFFF90];
	_ =	sdelay $0x4  }
0x11a: {  	[tilespmem:$0x4EE0] =	vst v2  }
0x11b: {  	v2 =	vld [tilespmem:s11+$0x26A0];
	_ =	sdelay $0x4  }
0x11c: {  	[tilespmem:$0x4F30] =	vst v2  }
0x11d: {  	v2 =	vld [tilespmem:s11+$0xFFFFFFA0];
	_ =	sdelay $0x4  }
0x11e: {  	[tilespmem:$0x4EF0] =	vst v2  }
0x11f: {  	v2 =	vld [tilespmem:s11+$0x26B0];
	_ =	sdelay $0x4  }
0x120: {  	[tilespmem:$0x4F40] =	vst v2  }
0x121: {  	v2 =	vld [tilespmem:s11+$0xFFFFFFB0];
	_ =	sdelay $0x4  }
0x122: {  	[tilespmem:$0x4F00] =	vst v2  }
0x123: {  	v2 =	vld [tilespmem:s11+$0x26C0];
	_ =	sdelay $0x4  }
0x124: {  	[tilespmem:$0x4F50] =	vst v2  }
0x125: {  	[tilespmem:s29], [sflag:$0x2] =	stream.indirect.gather [hbm4b:s5+s25], $0x40, s28, s25, $0xb8;
	[tilespmem:$0x14960] =	vst v63  }
0x126: {  	_ =	swait.ge [sflag:s30], $0x1400  }
0x127: {  	[sflag:s30] =	ssyncset.done $0x0  }
0x128: {  	[sflag:s30] =	ssyncadd.s32 $0xFFFFEC00  }
0x129: {  	[spmem:s2] =	stream.indirect.scatter.add.f32 [tilespmem:s0], [sflag:$0x3], $0x40, s31, s25, $0xb8;
	[tilespmem:$0x14960] =	vst v63  }
0x12a: {  	_ =	swait.ge [sflag:s17], $0x1400  }
0x12b: {  	[sflag:s17] =	ssyncset.done $0x0  }
0x12c: {  	[sflag:s17] =	ssyncadd.s32 $0xFFFFEC00  }
0x12d: {  	[spmem:s3] =	stream.indirect.scatter.add.f32 [tilespmem:s1], [sflag:$0x3], $0x10, s31, s25, $0xb8;
	[tilespmem:$0x14960] =	vst v63  }
0x12e: {  	_ =	swait.ge [sflag:s17], $0x500  }
0x12f: {  	[sflag:s17] =	ssyncset.done $0x0  }
0x130: {  	[sflag:s17] =	ssyncadd.s32 $0xFFFFFB00  }
0x131: {  	v2 =	vld [tilespmem:s11+$0xFFFFFFC0];
	_ =	sdelay $0x4  }
0x132: {  	[tilespmem:$0x4E20] =	vst v2  }
0x133: {  	v2 =	vld [tilespmem:s11+$0x26D0];
	_ =	sdelay $0x4  }
0x134: {  	[tilespmem:$0x4E70] =	vst v2  }
0x135: {  	v2 =	vld [tilespmem:s11+$0xFFFFFFD0];
	_ =	sdelay $0x4  }
0x136: {  	[tilespmem:$0x4E30] =	vst v2  }
0x137: {  	v2 =	vld [tilespmem:s11+$0x26E0];
	_ =	sdelay $0x4  }
0x138: {  	[tilespmem:$0x4E80] =	vst v2  }
0x139: {  	v2 =	vld [tilespmem:s11+$0xFFFFFFE0];
	_ =	sdelay $0x4  }
0x13a: {  	[tilespmem:$0x4E40] =	vst v2  }
0x13b: {  	v2 =	vld [tilespmem:s11+$0x26F0];
	_ =	sdelay $0x4  }
0x13c: {  	[tilespmem:$0x4E90] =	vst v2  }
0x13d: {  	v2 =	vld [tilespmem:s11+$0xFFFFFFF0];
	_ =	sdelay $0x4  }
0x13e: {  	[tilespmem:$0x4E50] =	vst v2  }
0x13f: {  	v2 =	vld [tilespmem:s11+$0x2700];
	_ =	sdelay $0x4  }
0x140: {  	[tilespmem:$0x4EA0] =	vst v2  }
0x141: {  	v2 =	vld [tilespmem:s11+$0x0];
	_ =	sdelay $0x4  }
0x142: {  	[tilespmem:$0x4E60] =	vst v2  }
0x143: {  	v2 =	vld [tilespmem:s11+$0x2710];
	_ =	sdelay $0x4  }
0x144: {  	[tilespmem:$0x4EB0] =	vst v2  }
0x145: {  	[tilespmem:s0], [sflag:$0x1] =	stream.indirect.gather [hbm4b:s5+s25], $0x40, s26, s25, $0xb8;
	[tilespmem:$0x14960] =	vst v63  }
0x146: {  	_ =	swait.ge [sflag:s4], $0x1400  }
0x147: {  	[sflag:s4] =	ssyncset.done $0x0  }
0x148: {  	[sflag:s4] =	ssyncadd.s32 $0xFFFFEC00  }
0x149: {  	[spmem:s2] =	stream.indirect.scatter.add.f32 [tilespmem:s29], [sflag:$0x3], $0x40, s9, s25, $0xb8;
	[tilespmem:$0x14960] =	vst v63  }
0x14a: {  	_ =	swait.ge [sflag:s17], $0x1400  }
0x14b: {  	[sflag:s17] =	ssyncset.done $0x0  }
0x14c: {  	[sflag:s17] =	ssyncadd.s32 $0xFFFFEC00  }
0x14d: {  	[spmem:s3] =	stream.indirect.scatter.add.f32 [tilespmem:s1], [sflag:$0x3], $0x10, s9, s25, $0xb8;
	[tilespmem:$0x14960] =	vst v63  }
0x14e: {  	_ =	swait.ge [sflag:s17], $0x500  }
0x14f: {  	[sflag:s17] =	ssyncset.done $0x0  }
0x150: {  	[sflag:s17] =	ssyncadd.s32 $0xFFFFFB00  }
0x151: {  	_ =	swait.ge [sflag:s30], $0x1400  }
0x152: {  	[sflag:s30] =	ssyncset.done $0x0  }
0x153: {  	[sflag:s30] =	ssyncadd.s32 $0xFFFFEC00  }
0x154: {  	[spmem:s2] =	stream.indirect.scatter.add.f32 [tilespmem:s0], [sflag:$0x3], $0x40, s31, s25, $0xb8;
	[tilespmem:$0x14960] =	vst v63  }
0x155: {  	_ =	swait.ge [sflag:s17], $0x1400  }
0x156: {  	[sflag:s17] =	ssyncset.done $0x0  }
0x157: {  	[sflag:s17] =	ssyncadd.s32 $0xFFFFEC00  }
0x158: {  	[spmem:s3] =	stream.indirect.scatter.add.f32 [tilespmem:s1], [sflag:$0x3], $0x10, s31, s25, $0xb8;
	[tilespmem:$0x14960] =	vst v63  }
0x159: {  	_ =	swait.ge [sflag:s17], $0x500  }
0x15a: {  	[sflag:s17] =	ssyncset.done $0x0  }
0x15b: {  	s16 =	stileid.u32;
	[sflag:s17] =	ssyncadd.s32 $0xFFFFFB00  }
0x15c: {  	s11 =	sshll.u32 s16, $0x6;
	[bflag:$0x0] =	sbarrier.arrive $0xFFFF  }
0x15d: {  	s12 =	sshrl.u32 s7, $0x3;
	s11 =	sor.u32 $0x1C03, s11;
	s13 =	rddreg [dreg:$0x13]  }
0x15e: {  	[hbm:s13], [sflag:s11] =	dma.local [spmem:s12], $0x1400  }
0x15f: {  	_ =	swait.ge [sflag:s17], $0x1400  }
0x160: {  	[sflag:s17] =	ssyncset.done $0x0  }
0x161: {  	s13 =	sshrl.u32 s8, $0x3;
	s14 =	rddreg [dreg:$0x15];
	[sflag:s17] =	ssyncadd.s32 $0xFFFFEC00  }
0x162: {  	[hbm:s14], [sflag:s11] =	dma.local [spmem:s13], $0x500  }
0x163: {  	_ =	swait.ge [sflag:s17], $0x500  }
0x164: {  	[sflag:s17] =	ssyncset.done $0x0  }
0x165: {  	[sflag:s17] =	ssyncadd.s32 $0xFFFFFB00  }
0x166: {  	s15 =	simm.s32 $0x100;
	s14 =	simm.s32 $0x0;
	[bflag:$0x0] =	sbarrier.arrive $0xFFFF  }
.LBB2_8:
0x167: {  	p0 =	sne.s32 s15, $0x4F00;
	[tilespmem:s14+$0x4F90] =	vst v1;
	s16 =	smov.u32 s15;
	s15 =	sadd.s32 $0x100, s15  }
.Ltmp3:
0x168: {  	[tilespmem:s14+$0x4F80] =	vst v1;
	(pc) =	sbr.rel @p0 .LBB2_8-.Ltmp3, $3  }
0x169: {  	[tilespmem:s14+$0x4F60] =	vst v1  }
0x16a: {  	[tilespmem:s14+$0x4F70] =	vst v1;
	_ =	sdelay $0x1  }
0x16b: {  	s14 =	sshra.s32 s16, $0x2  }
0x16c: {  	[tilespmem:s14+$0x4F90] =	vst v1  }
0x16d: {  	[tilespmem:s14+$0x4F80] =	vst v1  }
0x16e: {  	[tilespmem:s14+$0x4F60] =	vst v1  }
0x16f: {  	[tilespmem:s14+$0x4F70] =	vst v1  }
0x170: {  	[spmem:s7] =	stream.linear.scatter [tilespmem:s0], [sflag:$0x3], $0x1400, $0x38;
	[tilespmem:$0x14960] =	vst v63  }
0x171: {  	_ =	swait.ge [sflag:s17], $0x1400  }
0x172: {  	[sflag:s17] =	ssyncset.done $0x0  }
0x173: {  	[sflag:s17] =	ssyncadd.s32 $0xFFFFEC00  }
0x174: {  	[spmem:s8] =	stream.linear.scatter [tilespmem:s18], [sflag:$0x3], $0x500, $0x38;
	[tilespmem:$0x14960] =	vst v63  }
0x175: {  	_ =	swait.ge [sflag:s17], $0x500  }
0x176: {  	[sflag:s17] =	ssyncset.done $0x0  }
0x177: {  	s16 =	rddreg [dreg:$0x6];
	[sflag:s17] =	ssyncadd.s32 $0xFFFFFB00  }
0x178: {  	[spmem:s16] =	stream.linear.scatter [tilespmem:s0], [sflag:$0x3], $0x1400, $0x38;
	[tilespmem:$0x14960] =	vst v63  }
0x179: {  	_ =	swait.ge [sflag:s17], $0x1400  }
0x17a: {  	[sflag:s17] =	ssyncset.done $0x0  }
0x17b: {  	s15 =	rddreg [dreg:$0x7];
	[sflag:s17] =	ssyncadd.s32 $0xFFFFEC00  }
0x17c: {  	[spmem:s15] =	stream.linear.scatter [tilespmem:s18], [sflag:$0x3], $0x500, $0x38;
	[tilespmem:$0x14960] =	vst v63  }
0x17d: {  	_ =	swait.ge [sflag:s17], $0x500  }
0x17e: {  	[sflag:s17] =	ssyncset.done $0x0  }
0x17f: {  	s16 =	rddreg [dreg:$0x8];
	[sflag:s17] =	ssyncadd.s32 $0xFFFFFB00  }
0x180: {  	[spmem:s16] =	stream.linear.scatter [tilespmem:s0], [sflag:$0x3], $0x1400, $0x38;
	[tilespmem:$0x14960] =	vst v63  }
0x181: {  	_ =	swait.ge [sflag:s17], $0x1400  }
0x182: {  	[sflag:s17] =	ssyncset.done $0x0  }
0x183: {  	s15 =	rddreg [dreg:$0x9];
	[sflag:s17] =	ssyncadd.s32 $0xFFFFEC00  }
0x184: {  	[spmem:s15] =	stream.linear.scatter [tilespmem:s18], [sflag:$0x3], $0x500, $0x38;
	[tilespmem:$0x14960] =	vst v63  }
0x185: {  	_ =	swait.ge [sflag:s17], $0x500  }
0x186: {  	[sflag:s17] =	ssyncset.done $0x0  }
0x187: {  	s16 =	rddreg [dreg:$0xa];
	[sflag:s17] =	ssyncadd.s32 $0xFFFFFB00  }
0x188: {  	[spmem:s16] =	stream.linear.scatter [tilespmem:s0], [sflag:$0x3], $0x1400, $0x38;
	[tilespmem:$0x14960] =	vst v63  }
0x189: {  	_ =	swait.ge [sflag:s17], $0x1400  }
0x18a: {  	[sflag:s17] =	ssyncset.done $0x0  }
0x18b: {  	s15 =	rddreg [dreg:$0xb];
	[sflag:s17] =	ssyncadd.s32 $0xFFFFEC00  }
0x18c: {  	[spmem:s15] =	stream.linear.scatter [tilespmem:s18], [sflag:$0x3], $0x500, $0x38;
	[tilespmem:$0x14960] =	vst v63  }
0x18d: {  	_ =	swait.ge [sflag:s17], $0x500  }
0x18e: {  	[sflag:s17] =	ssyncset.done $0x0  }
0x18f: {  	s16 =	rddreg [dreg:$0xc];
	[sflag:s17] =	ssyncadd.s32 $0xFFFFFB00  }
0x190: {  	[spmem:s16] =	stream.linear.scatter [tilespmem:s0], [sflag:$0x3], $0x1400, $0x38;
	[tilespmem:$0x14960] =	vst v63  }
0x191: {  	_ =	swait.ge [sflag:s17], $0x1400  }
0x192: {  	[sflag:s17] =	ssyncset.done $0x0  }
0x193: {  	s15 =	rddreg [dreg:$0xd];
	[sflag:s17] =	ssyncadd.s32 $0xFFFFEC00  }
0x194: {  	[spmem:s15] =	stream.linear.scatter [tilespmem:s18], [sflag:$0x3], $0x500, $0x38;
	[tilespmem:$0x14960] =	vst v63  }
0x195: {  	_ =	swait.ge [sflag:s17], $0x500  }
0x196: {  	[sflag:s17] =	ssyncset.done $0x0  }
0x197: {  	s16 =	rddreg [dreg:$0x10];
	[sflag:s17] =	ssyncadd.s32 $0xFFFFFB00  }
0x198: {  	[spmem:s16] =	stream.linear.scatter [tilespmem:s0], [sflag:$0x3], $0x1400, $0x38;
	[tilespmem:$0x14960] =	vst v63  }
0x199: {  	_ =	swait.ge [sflag:s17], $0x1400  }
0x19a: {  	[sflag:s17] =	ssyncset.done $0x0  }
0x19b: {  	[sflag:s17] =	ssyncadd.s32 $0xFFFFEC00  }
0x19c: {  	[spmem:s20] =	stream.linear.scatter [tilespmem:s18], [sflag:$0x3], $0x500, $0x38;
	[tilespmem:$0x14960] =	vst v63  }
0x19d: {  	_ =	swait.ge [sflag:s17], $0x500  }
0x19e: {  	[sflag:s17] =	ssyncset.done $0x0  }
0x19f: {  	[sflag:s17] =	ssyncadd.s32 $0xFFFFFB00  }
0x1a0: {  	[spmem:s21] =	stream.linear.scatter [tilespmem:s0], [sflag:$0x3], $0x1400, $0x38;
	[tilespmem:$0x14960] =	vst v63  }
0x1a1: {  	_ =	swait.ge [sflag:s17], $0x1400  }
0x1a2: {  	[sflag:s17] =	ssyncset.done $0x0  }
0x1a3: {  	[sflag:s17] =	ssyncadd.s32 $0xFFFFEC00  }
0x1a4: {  	[spmem:s22] =	stream.linear.scatter [tilespmem:s18], [sflag:$0x3], $0x500, $0x38;
	[tilespmem:$0x14960] =	vst v63  }
0x1a5: {  	_ =	swait.ge [sflag:s17], $0x500  }
0x1a6: {  	[sflag:s17] =	ssyncset.done $0x0  }
0x1a7: {  	[sflag:s17] =	ssyncadd.s32 $0xFFFFFB00  }
0x1a8: {  	[spmem:s23] =	stream.linear.scatter [tilespmem:s0], [sflag:$0x3], $0x1400, $0x38;
	[tilespmem:$0x14960] =	vst v63  }
0x1a9: {  	_ =	swait.ge [sflag:s17], $0x1400  }
0x1aa: {  	[sflag:s17] =	ssyncset.done $0x0  }
0x1ab: {  	[sflag:s17] =	ssyncadd.s32 $0xFFFFEC00  }
0x1ac: {  	[spmem:s24] =	stream.linear.scatter [tilespmem:s18], [sflag:$0x3], $0x500, $0x38;
	[tilespmem:$0x14960] =	vst v63  }
0x1ad: {  	_ =	swait.ge [sflag:s17], $0x500  }
0x1ae: {  	[sflag:s17] =	ssyncset.done $0x0  }
0x1af: {  	s15 =	rddreg [dreg:$0x11];
	[sflag:s17] =	ssyncadd.s32 $0xFFFFFB00  }
0x1b0: {  	[tilespmem:s19], [sflag:$0x3] =	stream.linear.gather [hbm4b:s15+s19], $0x2710, $0x38;
	[tilespmem:$0x14960] =	vst v63  }
0x1b1: {  	_ =	swait.ge [sflag:s17], $0x2710  }
0x1b2: {  	[sflag:s17] =	ssyncset.done $0x0  }
0x1b3: {  	s15 =	simm.s32 $0x2710;
	s16 =	rddreg [dreg:$0x12];
	[sflag:s17] =	ssyncadd.s32 $0xFFFFD8F0  }
0x1b4: {  	[tilespmem:s15], [sflag:$0x3] =	stream.linear.gather [hbm4b:s16+s19], $0x2710, $0x38;
	[tilespmem:$0x14960] =	vst v63  }
0x1b5: {  	_ =	swait.ge [sflag:s17], $0x2710  }
0x1b6: {  	[sflag:s17] =	ssyncset.done $0x0  }
0x1b7: {  	[sflag:s17] =	ssyncadd.s32 $0xFFFFD8F0  }
0x1b8: {  	[bflag:$0x0] =	sbarrier.arrive $0xFFFF  }
0x1b9: {  	v2 =	vld [tilespmem:$0x0]  }
0x1ba: {  	v3 =	vld [tilespmem:$0x2710]  }
0x1bb: {  	v4 =	vld [tilespmem:$0x10]  }
0x1bc: {  	v5 =	vld [tilespmem:$0x2720]  }
0x1bd: {  	v6 =	vld [tilespmem:$0x20]  }
0x1be: {  	v61 =	vld [tilespmem:$0x2740];
	[tilespmem:$0x4E20] =	vst v2  }
0x1bf: {  	v62 =	vld [tilespmem:$0x40];
	[tilespmem:$0x4E70] =	vst v3  }
0x1c0: {  	v63 =	vld [tilespmem:$0x2750];
	[tilespmem:$0x4E30] =	vst v4  }
0x1c1: {  	v2 =	vld [tilespmem:$0x2730];
	[tilespmem:$0x4E80] =	vst v5  }
0x1c2: {  	v3 =	vld [tilespmem:$0x30];
	[tilespmem:$0x4E40] =	vst v6  }
0x1c3: {  	[tilespmem:$0x4EA0] =	vst v61  }
0x1c4: {  	[tilespmem:$0x4E60] =	vst v62  }
0x1c5: {  	[tilespmem:$0x4EB0] =	vst v63  }
0x1c6: {  	[tilespmem:$0x4E90] =	vst v2  }
0x1c7: {  	s19 =	simm.s32 $0xE0;
	[tilespmem:$0x4E50] =	vst v3  }
0x1c8: {  	[tilespmem:s0], [sflag:$0x1] =	stream.indirect.gather [hbm4b:s6+s25], $0x40, s26, s25, $0xb8;
	[tilespmem:$0x14960] =	vst v63  }
0x1c9: {  	v2 =	vld [tilespmem:s19+$0xFFFFFF70];
	_ =	sdelay $0x4  }
0x1ca: {  	[tilespmem:$0x4EC0] =	vst v2  }
0x1cb: {  	v2 =	vld [tilespmem:s19+$0x2680];
	_ =	sdelay $0x4  }
0x1cc: {  	[tilespmem:$0x4F10] =	vst v2  }
0x1cd: {  	v2 =	vld [tilespmem:s19+$0xFFFFFF80];
	_ =	sdelay $0x4  }
0x1ce: {  	[tilespmem:$0x4ED0] =	vst v2  }
0x1cf: {  	v2 =	vld [tilespmem:s19+$0x2690];
	_ =	sdelay $0x4  }
0x1d0: {  	[tilespmem:$0x4F20] =	vst v2  }
0x1d1: {  	v2 =	vld [tilespmem:s19+$0xFFFFFF90];
	_ =	sdelay $0x4  }
0x1d2: {  	[tilespmem:$0x4EE0] =	vst v2  }
0x1d3: {  	v2 =	vld [tilespmem:s19+$0x26A0];
	_ =	sdelay $0x4  }
0x1d4: {  	[tilespmem:$0x4F30] =	vst v2  }
0x1d5: {  	v2 =	vld [tilespmem:s19+$0xFFFFFFA0];
	_ =	sdelay $0x4  }
0x1d6: {  	[tilespmem:$0x4EF0] =	vst v2  }
0x1d7: {  	v2 =	vld [tilespmem:s19+$0x26B0];
	_ =	sdelay $0x4  }
0x1d8: {  	[tilespmem:$0x4F40] =	vst v2  }
0x1d9: {  	v2 =	vld [tilespmem:s19+$0xFFFFFFB0];
	_ =	sdelay $0x4  }
0x1da: {  	[tilespmem:$0x4F00] =	vst v2  }
0x1db: {  	v2 =	vld [tilespmem:s19+$0x26C0];
	_ =	sdelay $0x4  }
0x1dc: {  	[tilespmem:$0x4F50] =	vst v2  }
0x1dd: {  	[tilespmem:s29], [sflag:$0x2] =	stream.indirect.gather [hbm4b:s6+s25], $0x40, s28, s25, $0xb8;
	[tilespmem:$0x14960] =	vst v63  }
0x1de: {  	_ =	swait.ge [sflag:s30], $0x1400  }
0x1df: {  	[sflag:s30] =	ssyncset.done $0x0  }
0x1e0: {  	[sflag:s30] =	ssyncadd.s32 $0xFFFFEC00  }
0x1e1: {  	[spmem:s2] =	stream.indirect.scatter.add.f32 [tilespmem:s0], [sflag:$0x3], $0x40, s31, s25, $0xb8;
	[tilespmem:$0x14960] =	vst v63  }
0x1e2: {  	_ =	swait.ge [sflag:s17], $0x1400  }
0x1e3: {  	[sflag:s17] =	ssyncset.done $0x0  }
0x1e4: {  	[sflag:s17] =	ssyncadd.s32 $0xFFFFEC00  }
0x1e5: {  	[spmem:s3] =	stream.indirect.scatter.add.f32 [tilespmem:s1], [sflag:$0x3], $0x10, s31, s25, $0xb8;
	[tilespmem:$0x14960] =	vst v63  }
0x1e6: {  	_ =	swait.ge [sflag:s17], $0x500  }
0x1e7: {  	[sflag:s17] =	ssyncset.done $0x0  }
0x1e8: {  	[sflag:s17] =	ssyncadd.s32 $0xFFFFFB00  }
0x1e9: {  	v2 =	vld [tilespmem:s19+$0xFFFFFFC0];
	_ =	sdelay $0x4  }
0x1ea: {  	[tilespmem:$0x4E20] =	vst v2  }
0x1eb: {  	v2 =	vld [tilespmem:s19+$0x26D0];
	_ =	sdelay $0x4  }
0x1ec: {  	[tilespmem:$0x4E70] =	vst v2  }
0x1ed: {  	v2 =	vld [tilespmem:s19+$0xFFFFFFD0];
	_ =	sdelay $0x4  }
0x1ee: {  	[tilespmem:$0x4E30] =	vst v2  }
0x1ef: {  	v2 =	vld [tilespmem:s19+$0x26E0];
	_ =	sdelay $0x4  }
0x1f0: {  	[tilespmem:$0x4E80] =	vst v2  }
0x1f1: {  	v2 =	vld [tilespmem:s19+$0xFFFFFFE0];
	_ =	sdelay $0x4  }
0x1f2: {  	[tilespmem:$0x4E40] =	vst v2  }
0x1f3: {  	v2 =	vld [tilespmem:s19+$0x26F0];
	_ =	sdelay $0x4  }
0x1f4: {  	[tilespmem:$0x4E90] =	vst v2  }
0x1f5: {  	v2 =	vld [tilespmem:s19+$0xFFFFFFF0];
	_ =	sdelay $0x4  }
0x1f6: {  	[tilespmem:$0x4E50] =	vst v2  }
0x1f7: {  	v2 =	vld [tilespmem:s19+$0x2700];
	_ =	sdelay $0x4  }
0x1f8: {  	[tilespmem:$0x4EA0] =	vst v2  }
0x1f9: {  	v2 =	vld [tilespmem:s19+$0x0];
	_ =	sdelay $0x4  }
0x1fa: {  	[tilespmem:$0x4E60] =	vst v2  }
0x1fb: {  	v2 =	vld [tilespmem:s19+$0x2710];
	_ =	sdelay $0x4  }
0x1fc: {  	[tilespmem:$0x4EB0] =	vst v2  }
0x1fd: {  	[tilespmem:s0], [sflag:$0x1] =	stream.indirect.gather [hbm4b:s6+s25], $0x40, s26, s25, $0xb8;
	[tilespmem:$0x14960] =	vst v63  }
0x1fe: {  	_ =	swait.ge [sflag:s4], $0x1400  }
0x1ff: {  	[sflag:s4] =	ssyncset.done $0x0  }
0x200: {  	[sflag:s4] =	ssyncadd.s32 $0xFFFFEC00  }
0x201: {  	[spmem:s2] =	stream.indirect.scatter.add.f32 [tilespmem:s29], [sflag:$0x3], $0x40, s9, s25, $0xb8;
	[tilespmem:$0x14960] =	vst v63  }
0x202: {  	_ =	swait.ge [sflag:s17], $0x1400  }
0x203: {  	[sflag:s17] =	ssyncset.done $0x0  }
0x204: {  	[sflag:s17] =	ssyncadd.s32 $0xFFFFEC00  }
0x205: {  	[spmem:s3] =	stream.indirect.scatter.add.f32 [tilespmem:s1], [sflag:$0x3], $0x10, s9, s25, $0xb8;
	[tilespmem:$0x14960] =	vst v63  }
0x206: {  	_ =	swait.ge [sflag:s17], $0x500  }
0x207: {  	s14 =	simm.s32 $0x600;
	s15 =	simm.s32 $0x880;
	[sflag:s17] =	ssyncset.done $0x0  }
.LBB2_10:
0x208: {  	s16 =	sshra.s32 s14, $0x2  }
0x209: {  	[sflag:s17] =	ssyncadd.s32 $0xFFFFFB00;
	s14 =	smov.u32 s15;
	s19 =	sadd.s32 $0x280, s15  }
0x20a: {  	p0 =	sne.s32 s15, $0x9C00;
	v2 =	vld [tilespmem:s16+$0xFFFFFF70];
	_ =	sdelay $0x4  }
0x20b: {  	[tilespmem:$0x4EC0] =	vst v2  }
0x20c: {  	v2 =	vld [tilespmem:s16+$0x2680];
	_ =	sdelay $0x4  }
0x20d: {  	[tilespmem:$0x4F10] =	vst v2  }
0x20e: {  	v2 =	vld [tilespmem:s16+$0xFFFFFF80];
	_ =	sdelay $0x4  }
0x20f: {  	[tilespmem:$0x4ED0] =	vst v2  }
0x210: {  	v2 =	vld [tilespmem:s16+$0x2690];
	_ =	sdelay $0x4  }
0x211: {  	[tilespmem:$0x4F20] =	vst v2  }
0x212: {  	v2 =	vld [tilespmem:s16+$0xFFFFFF90];
	_ =	sdelay $0x4  }
0x213: {  	[tilespmem:$0x4EE0] =	vst v2  }
0x214: {  	v2 =	vld [tilespmem:s16+$0x26A0];
	_ =	sdelay $0x4  }
0x215: {  	[tilespmem:$0x4F30] =	vst v2  }
0x216: {  	v2 =	vld [tilespmem:s16+$0xFFFFFFA0];
	_ =	sdelay $0x4  }
0x217: {  	[tilespmem:$0x4EF0] =	vst v2  }
0x218: {  	v2 =	vld [tilespmem:s16+$0x26B0];
	_ =	sdelay $0x4  }
0x219: {  	[tilespmem:$0x4F40] =	vst v2  }
0x21a: {  	v2 =	vld [tilespmem:s16+$0xFFFFFFB0];
	_ =	sdelay $0x4  }
0x21b: {  	[tilespmem:$0x4F00] =	vst v2  }
0x21c: {  	v2 =	vld [tilespmem:s16+$0x26C0];
	_ =	sdelay $0x4  }
0x21d: {  	[tilespmem:$0x4F50] =	vst v2  }
0x21e: {  	[tilespmem:s29], [sflag:$0x2] =	stream.indirect.gather [hbm4b:s6+s25], $0x40, s28, s25, $0xb8;
	[tilespmem:$0x14960] =	vst v63  }
0x21f: {  	_ =	swait.ge [sflag:s30], $0x1400  }
0x220: {  	[sflag:s30] =	ssyncset.done $0x0  }
0x221: {  	[sflag:s30] =	ssyncadd.s32 $0xFFFFEC00  }
0x222: {  	[spmem:s2] =	stream.indirect.scatter.add.f32 [tilespmem:s0], [sflag:$0x3], $0x40, s31, s25, $0xb8;
	[tilespmem:$0x14960] =	vst v63  }
0x223: {  	_ =	swait.ge [sflag:s17], $0x1400  }
0x224: {  	[sflag:s17] =	ssyncset.done $0x0  }
0x225: {  	[sflag:s17] =	ssyncadd.s32 $0xFFFFEC00  }
0x226: {  	[spmem:s3] =	stream.indirect.scatter.add.f32 [tilespmem:s1], [sflag:$0x3], $0x10, s31, s25, $0xb8;
	[tilespmem:$0x14960] =	vst v63  }
0x227: {  	_ =	swait.ge [sflag:s17], $0x500  }
0x228: {  	[sflag:s17] =	ssyncset.done $0x0  }
0x229: {  	[sflag:s17] =	ssyncadd.s32 $0xFFFFFB00  }
0x22a: {  	v2 =	vld [tilespmem:s16+$0xFFFFFFC0];
	_ =	sdelay $0x4  }
0x22b: {  	[tilespmem:$0x4E20] =	vst v2  }
0x22c: {  	v2 =	vld [tilespmem:s16+$0x26D0];
	_ =	sdelay $0x4  }
0x22d: {  	[tilespmem:$0x4E70] =	vst v2  }
0x22e: {  	v2 =	vld [tilespmem:s16+$0xFFFFFFD0];
	_ =	sdelay $0x4  }
0x22f: {  	[tilespmem:$0x4E30] =	vst v2  }
0x230: {  	v2 =	vld [tilespmem:s16+$0x26E0];
	_ =	sdelay $0x4  }
0x231: {  	[tilespmem:$0x4E80] =	vst v2  }
0x232: {  	v2 =	vld [tilespmem:s16+$0xFFFFFFE0];
	_ =	sdelay $0x4  }
0x233: {  	[tilespmem:$0x4E40] =	vst v2  }
0x234: {  	v2 =	vld [tilespmem:s16+$0x26F0];
	_ =	sdelay $0x4  }
0x235: {  	[tilespmem:$0x4E90] =	vst v2  }
0x236: {  	v2 =	vld [tilespmem:s16+$0xFFFFFFF0];
	_ =	sdelay $0x4  }
0x237: {  	[tilespmem:$0x4E50] =	vst v2  }
0x238: {  	v2 =	vld [tilespmem:s16+$0x2700];
	_ =	sdelay $0x4  }
0x239: {  	[tilespmem:$0x4EA0] =	vst v2  }
0x23a: {  	v2 =	vld [tilespmem:s16+$0x0];
	_ =	sdelay $0x4  }
0x23b: {  	[tilespmem:$0x4E60] =	vst v2  }
0x23c: {  	v2 =	vld [tilespmem:s16+$0x2710];
	_ =	sdelay $0x4  }
0x23d: {  	[tilespmem:$0x4EB0] =	vst v2  }
0x23e: {  	[tilespmem:s0], [sflag:$0x1] =	stream.indirect.gather [hbm4b:s6+s25], $0x40, s26, s25, $0xb8;
	[tilespmem:$0x14960] =	vst v63  }
0x23f: {  	_ =	swait.ge [sflag:s4], $0x1400  }
0x240: {  	[sflag:s4] =	ssyncset.done $0x0  }
0x241: {  	[sflag:s4] =	ssyncadd.s32 $0xFFFFEC00  }
0x242: {  	[spmem:s2] =	stream.indirect.scatter.add.f32 [tilespmem:s29], [sflag:$0x3], $0x40, s9, s25, $0xb8;
	[tilespmem:$0x14960] =	vst v63  }
0x243: {  	_ =	swait.ge [sflag:s17], $0x1400  }
.Ltmp4:
0x244: {  	[sflag:s17] =	ssyncset.done $0x0;
	(pc) =	sbr.rel @p0 .LBB2_10-.Ltmp4, $4  }
0x245: {  	[sflag:s17] =	ssyncadd.s32 $0xFFFFEC00  }
0x246: {  	[spmem:s3] =	stream.indirect.scatter.add.f32 [tilespmem:s1], [sflag:$0x3], $0x10, s9, s25, $0xb8;
	[tilespmem:$0x14960] =	vst v63  }
0x247: {  	_ =	swait.ge [sflag:s17], $0x500  }
0x248: {  	s15 =	smov.u32 s19;
	[sflag:s17] =	ssyncset.done $0x0  }
0x249: {  	s14 =	sshra.s32 s14, $0x2;
	[sflag:s17] =	ssyncadd.s32 $0xFFFFFB00  }
0x24a: {  	v2 =	vld [tilespmem:s14+$0xFFFFFF70];
	_ =	sdelay $0x4  }
0x24b: {  	[tilespmem:$0x4EC0] =	vst v2  }
0x24c: {  	v2 =	vld [tilespmem:s14+$0x2680];
	_ =	sdelay $0x4  }
0x24d: {  	[tilespmem:$0x4F10] =	vst v2  }
0x24e: {  	v2 =	vld [tilespmem:s14+$0xFFFFFF80];
	_ =	sdelay $0x4  }
0x24f: {  	[tilespmem:$0x4ED0] =	vst v2  }
0x250: {  	v2 =	vld [tilespmem:s14+$0x2690];
	_ =	sdelay $0x4  }
0x251: {  	[tilespmem:$0x4F20] =	vst v2  }
0x252: {  	v2 =	vld [tilespmem:s14+$0xFFFFFF90];
	_ =	sdelay $0x4  }
0x253: {  	[tilespmem:$0x4EE0] =	vst v2  }
0x254: {  	v2 =	vld [tilespmem:s14+$0x26A0];
	_ =	sdelay $0x4  }
0x255: {  	[tilespmem:$0x4F30] =	vst v2  }
0x256: {  	v2 =	vld [tilespmem:s14+$0xFFFFFFA0];
	_ =	sdelay $0x4  }
0x257: {  	[tilespmem:$0x4EF0] =	vst v2  }
0x258: {  	v2 =	vld [tilespmem:s14+$0x26B0];
	_ =	sdelay $0x4  }
0x259: {  	[tilespmem:$0x4F40] =	vst v2  }
0x25a: {  	v2 =	vld [tilespmem:s14+$0xFFFFFFB0];
	_ =	sdelay $0x4  }
0x25b: {  	[tilespmem:$0x4F00] =	vst v2  }
0x25c: {  	v2 =	vld [tilespmem:s14+$0x26C0];
	_ =	sdelay $0x4  }
0x25d: {  	[tilespmem:$0x4F50] =	vst v2  }
0x25e: {  	[tilespmem:s29], [sflag:$0x2] =	stream.indirect.gather [hbm4b:s6+s25], $0x40, s28, s25, $0xb8;
	[tilespmem:$0x14960] =	vst v63  }
0x25f: {  	_ =	swait.ge [sflag:s30], $0x1400  }
0x260: {  	[sflag:s30] =	ssyncset.done $0x0  }
0x261: {  	[sflag:s30] =	ssyncadd.s32 $0xFFFFEC00  }
0x262: {  	[spmem:s2] =	stream.indirect.scatter.add.f32 [tilespmem:s0], [sflag:$0x3], $0x40, s31, s25, $0xb8;
	[tilespmem:$0x14960] =	vst v63  }
0x263: {  	_ =	swait.ge [sflag:s17], $0x1400  }
0x264: {  	[sflag:s17] =	ssyncset.done $0x0  }
0x265: {  	[sflag:s17] =	ssyncadd.s32 $0xFFFFEC00  }
0x266: {  	[spmem:s3] =	stream.indirect.scatter.add.f32 [tilespmem:s1], [sflag:$0x3], $0x10, s31, s25, $0xb8;
	[tilespmem:$0x14960] =	vst v63  }
0x267: {  	_ =	swait.ge [sflag:s17], $0x500  }
0x268: {  	[sflag:s17] =	ssyncset.done $0x0  }
0x269: {  	[sflag:s17] =	ssyncadd.s32 $0xFFFFFB00  }
0x26a: {  	v2 =	vld [tilespmem:s14+$0xFFFFFFC0];
	_ =	sdelay $0x4  }
0x26b: {  	[tilespmem:$0x4E20] =	vst v2  }
0x26c: {  	v2 =	vld [tilespmem:s14+$0x26D0];
	_ =	sdelay $0x4  }
0x26d: {  	[tilespmem:$0x4E70] =	vst v2  }
0x26e: {  	v2 =	vld [tilespmem:s14+$0xFFFFFFD0];
	_ =	sdelay $0x4  }
0x26f: {  	[tilespmem:$0x4E30] =	vst v2  }
0x270: {  	v2 =	vld [tilespmem:s14+$0x26E0];
	_ =	sdelay $0x4  }
0x271: {  	[tilespmem:$0x4E80] =	vst v2  }
0x272: {  	v2 =	vld [tilespmem:s14+$0xFFFFFFE0];
	_ =	sdelay $0x4  }
0x273: {  	[tilespmem:$0x4E40] =	vst v2  }
0x274: {  	v2 =	vld [tilespmem:s14+$0x26F0];
	_ =	sdelay $0x4  }
0x275: {  	[tilespmem:$0x4E90] =	vst v2  }
0x276: {  	v2 =	vld [tilespmem:s14+$0xFFFFFFF0];
	_ =	sdelay $0x4  }
0x277: {  	[tilespmem:$0x4E50] =	vst v2  }
0x278: {  	v2 =	vld [tilespmem:s14+$0x2700];
	_ =	sdelay $0x4  }
0x279: {  	[tilespmem:$0x4EA0] =	vst v2  }
0x27a: {  	v2 =	vld [tilespmem:s14+$0x0];
	_ =	sdelay $0x4  }
0x27b: {  	[tilespmem:$0x4E60] =	vst v2  }
0x27c: {  	v2 =	vld [tilespmem:s14+$0x2710];
	_ =	sdelay $0x4  }
0x27d: {  	[tilespmem:$0x4EB0] =	vst v2  }
0x27e: {  	[tilespmem:s0], [sflag:$0x1] =	stream.indirect.gather [hbm4b:s6+s25], $0x40, s26, s25, $0xb8;
	[tilespmem:$0x14960] =	vst v63  }
0x27f: {  	_ =	swait.ge [sflag:s4], $0x1400  }
0x280: {  	[sflag:s4] =	ssyncset.done $0x0  }
0x281: {  	[sflag:s4] =	ssyncadd.s32 $0xFFFFEC00  }
0x282: {  	[spmem:s2] =	stream.indirect.scatter.add.f32 [tilespmem:s29], [sflag:$0x3], $0x40, s9, s25, $0xb8;
	[tilespmem:$0x14960] =	vst v63  }
0x283: {  	_ =	swait.ge [sflag:s17], $0x1400  }
0x284: {  	[sflag:s17] =	ssyncset.done $0x0  }
0x285: {  	[sflag:s17] =	ssyncadd.s32 $0xFFFFEC00  }
0x286: {  	[spmem:s3] =	stream.indirect.scatter.add.f32 [tilespmem:s1], [sflag:$0x3], $0x10, s9, s25, $0xb8;
	[tilespmem:$0x14960] =	vst v63  }
0x287: {  	_ =	swait.ge [sflag:s17], $0x500  }
0x288: {  	[sflag:s17] =	ssyncset.done $0x0  }
0x289: {  	[sflag:s17] =	ssyncadd.s32 $0xFFFFFB00  }
0x28a: {  	_ =	swait.ge [sflag:s30], $0x1400  }
0x28b: {  	[sflag:s30] =	ssyncset.done $0x0  }
0x28c: {  	[sflag:s30] =	ssyncadd.s32 $0xFFFFEC00  }
0x28d: {  	[spmem:s2] =	stream.indirect.scatter.add.f32 [tilespmem:s0], [sflag:$0x3], $0x40, s31, s25, $0xb8;
	[tilespmem:$0x14960] =	vst v63  }
0x28e: {  	_ =	swait.ge [sflag:s17], $0x1400  }
0x28f: {  	[sflag:s17] =	ssyncset.done $0x0  }
0x290: {  	[sflag:s17] =	ssyncadd.s32 $0xFFFFEC00  }
0x291: {  	[spmem:s3] =	stream.indirect.scatter.add.f32 [tilespmem:s1], [sflag:$0x3], $0x10, s31, s25, $0xb8;
	[tilespmem:$0x14960] =	vst v63  }
0x292: {  	_ =	swait.ge [sflag:s17], $0x500  }
0x293: {  	[sflag:s17] =	ssyncset.done $0x0  }
0x294: {  	[sflag:s17] =	ssyncadd.s32 $0xFFFFFB00  }
0x295: {  	[bflag:$0x0] =	sbarrier.arrive $0xFFFF  }
0x296: {  	s15 =	rddreg [dreg:$0x14]  }
0x297: {  	[hbm:s15], [sflag:s11] =	dma.local [spmem:s12], $0x1400  }
0x298: {  	_ =	swait.ge [sflag:s17], $0x1400  }
0x299: {  	[sflag:s17] =	ssyncset.done $0x0  }
0x29a: {  	s16 =	rddreg [dreg:$0x16];
	[sflag:s17] =	ssyncadd.s32 $0xFFFFEC00  }
0x29b: {  	[hbm:s16], [sflag:s11] =	dma.local [spmem:s13], $0x500  }
0x29c: {  	_ =	swait.ge [sflag:s17], $0x500  }
0x29d: {  	s10 =	sadd.s32 $0x1, s10;
	s19 =	rddreg [dreg:$0x17]  }
0x29e: {  	p0 =	sne.s32 s10, s19  }
.Ltmp5:
0x29f: {  	_ = 	snop;
	(pc) =	sbr.rel @p0 .LBB2_1-.Ltmp5, $4  }
0x2a0: {  	[sflag:s17] =	ssyncset.done $0x0  }
0x2a1: {  	[sflag:s17] =	ssyncadd.s32 $0xFFFFFB00  }
0x2a2: {  	[bflag:$0x0] =	sbarrier.arrive $0xFFFF  }
0x2a3: {  	s19 =	simm.s32 $0x0  }
0x2a4: {  	_ =	sfence.sel $0x180000  }
0x2a5: {  	[bflag:$0x0] =	sbarrier.arrive $0xFFFF  }
0x2a6: {  	_ =	strace $0x90000047  }
0x2a7: {  	s0 =	stileid.u32;
	[bflag:$0x2] =	sbarrier.arrive $0xFFFF  }
0x2a8: {  	p0 =	sne.s32 s0, $0x0;
	s0 =	rddreg [dreg:$0x5]  }
0x2a9: {  	s0 =	sadd.s32 @!p0 $0x100000, s0  }
0x2aa: {  	[sflag:s0] =	ssyncadd.tile.s32 @!p0 $0x1;
	_ =	shalt  }
.Lfunc_end2:
_tile_overlayer_lowered:
.L_overlay_start_2:
0x2ab: {  	(tag) =	ssettag $0x2  }
0x2ac: {  	s0 =	rddreg [dreg:$0x0];
	s2 =	stileid.u32  }
0x2ad: {  	s1 =	rddreg [dreg:$0x1];
	p0 =	sne.s32 s2, $0x0  }
0x2ae: {  	s3 =	rddreg [dreg:$0x2];
	[bflag:$0x3] =	sbarrier.arrive $0xFFFF;
	s2 =	simm.s32 @!p0 $0x1C03  }
0x2af: {  	[timem:s3], [sflag:s2] =	dma.local @!p0 [hbm:s0], s1  }
0x2b0: {  	s0 =	simm.s32 @!p0 $0x3  }
0x2b1: {  	_ =	swait.ge @!p0 [sflag:s0], s1  }
0x2b2: {  	s1 =	ssub.s32 @!p0 $0x0, s1;
	[sflag:s0] =	ssyncset.done @!p0 $0x0  }
0x2b3: {  	[sflag:s0] =	ssyncadd.s32 @!p0 s1  }
0x2b4: {  	[bflag:$0x3] =	sbarrier.arrive $0xFFFF  }
0x2b5: {  	_ =	shalt  }

</sc_bundles>
